<compile_context>
chip_gen: v7x
topology: tpu7x:2x2x1
jax: 0.10.2.dev20260603
libtpu: 0.0.44.dev20260713+nightly
codegen_flags: <defaults>
</compile_context>

<pallas_src>
import jax
import jax.numpy as jnp
from jax.experimental import pallas as pl

_K = 3
_BM = 1024
_BE = 4096


def _elu(v):
    return jnp.where(v > 0, v, jnp.exp(jnp.minimum(v, 0.0)) - 1.0)


def _mm_kernel(x_ref, w_ref, o_ref):
    o_ref[...] = jnp.dot(x_ref[...], w_ref[...], preferred_element_type=jnp.float32)


def _elu_mm_kernel(a_ref, b_ref, w_ref, o_ref):
    h = _elu(a_ref[...] + b_ref[...])
    o_ref[...] = jnp.dot(h, w_ref[...], preferred_element_type=jnp.float32)


def _elu_bias_kernel(a_ref, b_ref, o_ref):
    o_ref[...] = _elu(a_ref[...] + b_ref[...])


def _cdist_kernel(zm_ref, z_ref, clm_ref, cl_ref, o_ref):
    zm = zm_ref[...]
    z = z_ref[...]
    d2 = (jnp.sum(zm * zm, axis=1, keepdims=True)
          + jnp.sum(z * z, axis=1)[None, :]
          - 2.0 * jax.lax.dot_general(zm, z, (((1,), (1,)), ((), ())),
                                      preferred_element_type=jnp.float32))
    dist = jnp.sqrt(jnp.maximum(d2, 0.0))
    same = clm_ref[...] == cl_ref[...]
    o_ref[...] = jnp.where(same, dist, jnp.inf)


def _dec_kernel(z1_ref, z2_ref, w1_ref, b1_ref, w2_ref, b2_ref, o_ref):
    h = z1_ref[...] * z2_ref[...]
    h = jnp.maximum(jnp.dot(h, w1_ref[...], preferred_element_type=jnp.float32)
                    + b1_ref[...], 0.0)
    o_ref[...] = jnp.dot(h, w2_ref[...], preferred_element_type=jnp.float32) + b2_ref[...]


def _norm_kernel(z_ref, o_ref):
    z = z_ref[...]
    nrm = jnp.maximum(jnp.sqrt(jnp.sum(z * z, axis=1, keepdims=True)), 1e-12)
    o_ref[...] = z / nrm


def _pallas_mm(x, w):
    n, d = x.shape
    h = w.shape[1]
    return pl.pallas_call(
        _mm_kernel,
        grid=(pl.cdiv(n, _BM),),
        in_specs=[pl.BlockSpec((_BM, d), lambda i: (i, 0)),
                  pl.BlockSpec((d, h), lambda i: (0, 0))],
        out_specs=pl.BlockSpec((_BM, h), lambda i: (i, 0)),
        out_shape=jax.ShapeDtypeStruct((n, h), jnp.float32),
    )(x, w)


def _pallas_elu_mm(a, b, w):
    n, d = a.shape
    h = w.shape[1]
    return pl.pallas_call(
        _elu_mm_kernel,
        grid=(pl.cdiv(n, _BM),),
        in_specs=[pl.BlockSpec((_BM, d), lambda i: (i, 0)),
                  pl.BlockSpec((1, d), lambda i: (0, 0)),
                  pl.BlockSpec((d, h), lambda i: (0, 0))],
        out_specs=pl.BlockSpec((_BM, h), lambda i: (i, 0)),
        out_shape=jax.ShapeDtypeStruct((n, h), jnp.float32),
    )(a, b[None, :], w)


def _pallas_elu_bias(a, b):
    n, h = a.shape
    return pl.pallas_call(
        _elu_bias_kernel,
        grid=(pl.cdiv(n, _BM),),
        in_specs=[pl.BlockSpec((_BM, h), lambda i: (i, 0)),
                  pl.BlockSpec((1, h), lambda i: (0, 0))],
        out_specs=pl.BlockSpec((_BM, h), lambda i: (i, 0)),
        out_shape=jax.ShapeDtypeStruct((n, h), jnp.float32),
    )(a, b[None, :])


def _pallas_cdist(zm, z, clm, cl):
    m, d = zm.shape
    n = z.shape[0]
    return pl.pallas_call(
        _cdist_kernel,
        grid=(pl.cdiv(n, _BM),),
        in_specs=[pl.BlockSpec((m, d), lambda i: (0, 0)),
                  pl.BlockSpec((_BM, d), lambda i: (i, 0)),
                  pl.BlockSpec((m, 1), lambda i: (0, 0)),
                  pl.BlockSpec((1, _BM), lambda i: (0, i))],
        out_specs=pl.BlockSpec((m, _BM), lambda i: (0, i)),
        out_shape=jax.ShapeDtypeStruct((m, n), jnp.float32),
    )(zm, z, clm, cl)


def _pallas_decoder(z1, z2, w1, b1, w2, b2):
    e, h = z1.shape
    w2p = jnp.zeros((h, 128), jnp.float32).at[:, 0].set(w2[:, 0])
    b2p = jnp.zeros((1, 128), jnp.float32).at[0, 0].set(b2[0])
    out = pl.pallas_call(
        _dec_kernel,
        grid=(pl.cdiv(e, _BE),),
        in_specs=[pl.BlockSpec((_BE, h), lambda i: (i, 0)),
                  pl.BlockSpec((_BE, h), lambda i: (i, 0)),
                  pl.BlockSpec((h, h), lambda i: (0, 0)),
                  pl.BlockSpec((1, h), lambda i: (0, 0)),
                  pl.BlockSpec((h, 128), lambda i: (0, 0)),
                  pl.BlockSpec((1, 128), lambda i: (0, 0))],
        out_specs=pl.BlockSpec((_BE, 128), lambda i: (i, 0)),
        out_shape=jax.ShapeDtypeStruct((e, 128), jnp.float32),
    )(z1, z2, w1, b1[None, :], w2p, b2p)
    return out[:, :1]


def _pallas_rownorm(z):
    n, h = z.shape
    return pl.pallas_call(
        _norm_kernel,
        grid=(pl.cdiv(n, _BM),),
        in_specs=[pl.BlockSpec((_BM, h), lambda i: (i, 0))],
        out_specs=pl.BlockSpec((_BM, h), lambda i: (i, 0)),
        out_shape=jax.ShapeDtypeStruct((n, h), jnp.float32),
    )(z)


def kernel(x, edge_index, masked_edges, neg_edges, cluster_labels, m_indices,
           W1, b1, W2, b2, DW1, Db1, DW2, Db2):
    n = x.shape[0]
    h = W1.shape[1]

    loop = jnp.arange(n, dtype=edge_index.dtype)
    src = jnp.concatenate([edge_index[0], loop])
    dst = jnp.concatenate([edge_index[1], loop])
    deg = jnp.zeros((n,), jnp.float32).at[dst].add(1.0)
    dinv = jax.lax.rsqrt(jnp.maximum(deg, 1e-12))
    enorm = dinv[src] * dinv[dst]

    xw = _pallas_mm(x, W1)
    agg1 = jnp.zeros((n, h), jnp.float32).at[dst].add(
        jnp.take(xw, src, axis=0) * enorm[:, None])
    hw = _pallas_elu_mm(agg1, b1, W2)
    agg2 = jnp.zeros((n, h), jnp.float32).at[dst].add(
        jnp.take(hw, src, axis=0) * enorm[:, None])
    Z = _pallas_elu_bias(agg2, b2)

    zm = jnp.take(Z, m_indices, axis=0)
    clm = jnp.take(cluster_labels, m_indices).astype(jnp.int32)[:, None]
    cl = cluster_labels.astype(jnp.int32)[None, :]
    dist = _pallas_cdist(zm, Z, clm, cl)
    _, idx = jax.lax.top_k(-dist, _K + 1)
    nbr = jnp.mean(jnp.take(Z, idx[:, 1:], axis=0), axis=1)
    Z = Z.at[m_indices].add(nbr)

    pos = _pallas_decoder(jnp.take(Z, masked_edges[0], axis=0),
                          jnp.take(Z, masked_edges[1], axis=0),
                          DW1, Db1, DW2, Db2)
    neg = _pallas_decoder(jnp.take(Z, neg_edges[0], axis=0),
                          jnp.take(Z, neg_edges[1], axis=0),
                          DW1, Db1, DW2, Db2)

    Zn = _pallas_rownorm(Z)
    return (Zn, pos, neg)

# --- scband reference (transcript-rebuilt; emitter-appended) ---
"""Pipeline reference for scband-em-28887950033669 (READ-ONLY COPY).

The authoritative reference and input builder live on the scoring server;
editing this copy changes nothing except your own understanding.
"""

import jax, jax.numpy as jnp
import numpy as np

N = 10000
E = 320000
D = 128
H = 128
M = 1024
K = 3
NCLUST = 10
EB = 65536


def setup_inputs(seed: int = 0):
    key = jax.random.key(seed)
    ks = jax.random.split(key, 12)
    x = jax.random.normal(ks[0], (N, D), dtype=jnp.float32)
    edge_index = jax.random.randint(ks[1], (2, E), 0, N)
    masked_edges = jax.random.randint(ks[2], (2, EB), 0, N)
    neg_edges = jax.random.randint(ks[3], (2, EB), 0, N)
    cluster_labels = jax.random.randint(ks[4], (N,), 0, NCLUST)
    m_indices = jax.random.randint(ks[5], (M,), 0, N)
    W1 = jax.random.normal(ks[6], (D, H), dtype=jnp.float32) * (1.0 / np.sqrt(D))
    b1 = jnp.zeros((H,), dtype=jnp.float32)
    W2 = jax.random.normal(ks[7], (H, H), dtype=jnp.float32) * (1.0 / np.sqrt(H))
    b2 = jnp.zeros((H,), dtype=jnp.float32)
    DW1 = jax.random.normal(ks[8], (H, H), dtype=jnp.float32) * (1.0 / np.sqrt(H))
    Db1 = jnp.zeros((H,), dtype=jnp.float32)
    DW2 = jax.random.normal(ks[9], (H, 1), dtype=jnp.float32) * (1.0 / np.sqrt(H))
    Db2 = jnp.zeros((1,), dtype=jnp.float32)
    return {"x": x, "edge_index": edge_index, "masked_edges": masked_edges,
            "neg_edges": neg_edges, "cluster_labels": cluster_labels, "m_indices": m_indices,
            "W1": W1, "b1": b1, "W2": W2, "b2": b2,
            "DW1": DW1, "Db1": Db1, "DW2": DW2, "Db2": Db2}


def gcn_conv(x, edge_index, W, b):
    # GCNConv with added self loops and symmetric normalization
    n = x.shape[0]
    loop = jnp.arange(n, dtype=edge_index.dtype)
    src = jnp.concatenate([edge_index[0], loop])
    dst = jnp.concatenate([edge_index[1], loop])
    xw = x @ W
    deg = jnp.zeros((n,), dtype=xw.dtype).at[dst].add(1.0)
    dinv = jax.lax.rsqrt(jnp.maximum(deg, 1e-12))
    norm = dinv[src] * dinv[dst]
    msg = jnp.take(xw, src, axis=0) * norm[:, None]
    out = jnp.zeros((n, xw.shape[1]), dtype=xw.dtype).at[dst].add(msg)
    return out + b


def encoder(x, edge_index, W1, b1, W2, b2):
    # dropout is identity in eval; bn='none' -> Identity; activation=ELU after every layer
    h = jax.nn.elu(gcn_conv(x, edge_index, W1, b1))
    h = jax.nn.elu(gcn_conv(h, edge_index, W2, b2))
    return h


def find_neighbors_from_cluster(Z, cluster_labels, m_indices, k):
    zm = jnp.take(Z, m_indices, axis=0)
    d2 = (jnp.sum(zm * zm, axis=1)[:, None] + jnp.sum(Z * Z, axis=1)[None, :]
          - 2.0 * zm @ Z.T)
    dist = jnp.sqrt(jnp.maximum(d2, 0.0))
    same = jnp.take(cluster_labels, m_indices)[:, None] == cluster_labels[None, :]
    dist = jnp.where(same, dist, jnp.inf)
    # indices of k+1 smallest distances within the same cluster (index 0 is self)
    _, idx = jax.lax.top_k(-jax.lax.stop_gradient(dist), k + 1)
    neighbors = jnp.mean(jnp.take(Z, idx[:, 1:], axis=0), axis=1)
    return Z.at[m_indices].add(neighbors)


def edge_decoder(z1, z2, edge, DW1, Db1, DW2, Db2):
    h = jnp.take(z1, edge[0], axis=0) * jnp.take(z2, edge[1], axis=0)
    h = jax.nn.relu(h @ DW1 + Db1)
    return h @ DW2 + Db2  # sigmoid=False


def reference(x, edge_index, masked_edges, neg_edges, cluster_labels, m_indices,
              W1, b1, W2, b2, DW1, Db1, DW2, Db2):
    Z = encoder(x, edge_index, W1, b1, W2, b2)
    Z = find_neighbors_from_cluster(Z, cluster_labels, m_indices, K)
    pos_out = edge_decoder(Z, Z, masked_edges, DW1, Db1, DW2, Db2)
    neg_out = edge_decoder(Z, Z, neg_edges, DW1, Db1, DW2, Db2)
    nrm = jnp.maximum(jnp.linalg.norm(Z, axis=1, keepdims=True), 1e-12)
    Zn = Z / nrm
    return (Zn, pos_out, neg_out)

if __name__ == "__main__":
    import jax
    _d = setup_inputs()
    print(jax.jit(kernel)(*tuple(_d.values())))

</pallas_src>

<mosaic_0001>
module attributes {stable_mosaic.version = 14 : i64} {
  func.func @_mm_kernel(%arg0: i32, %arg1: memref<1024x128xf32, #tpu.memory_space<vmem>>, %arg2: memref<128x128xf32, #tpu.memory_space<vmem>>, %arg3: memref<1024x128xf32, #tpu.memory_space<vmem>>) attributes {dimension_semantics = [#tpu.dimension_semantics<arbitrary>], iteration_bounds = array<i64: 10>, scalar_prefetch = 0 : i64, scratch_operands = 0 : i64, tpu.core_type = #tpu.core_type<tc>, window_params = [{transform_indices = @transform_0, window_bounds = array<i64: 1024, 128>}, {pipeline_mode = #tpu.pipeline_mode<synchronous>, transform_indices = @transform_1, window_bounds = array<i64: 128, 128>}, {transform_indices = @transform_2, window_bounds = array<i64: 1024, 128>}]} {
    %get3A = arith.constant 0 : index
    %get3A_0 = arith.constant 0 : index
    %get3A_1 = vector.load %arg1[%get3A, %get3A_0] : memref<1024x128xf32, #tpu.memory_space<vmem>>, vector<1024x128xf32>
    %get3A_2 = arith.constant 0 : index
    %get3A_3 = arith.constant 0 : index
    %get3A_4 = vector.load %arg2[%get3A_2, %get3A_3] : memref<128x128xf32, #tpu.memory_space<vmem>>, vector<128x128xf32>
    %dot_general3A = arith.constant dense<0.000000e+00> : vector<1024x128xf32>
    %dot_general3A_5 = tpu.matmul %get3A_1, %get3A_4, %dot_general3A {dimension_numbers = #tpu.dot_dimension_numbers<[1], [0], [0], [1], [0, 0, 1, 1], [], []>, transpose_lhs_hint = false} : vector<1024x128xf32>, vector<128x128xf32>, vector<1024x128xf32> -> vector<1024x128xf32>
    %swap3A = arith.constant 0 : index
    %swap3A_6 = arith.constant 0 : index
    %swap3A_7 = vector.load %arg3[%swap3A, %swap3A_6] : memref<1024x128xf32, #tpu.memory_space<vmem>>, vector<1024x128xf32>
    tpu.vector_store %arg3[%swap3A, %swap3A_6], %dot_general3A_5 {strides = array<i32>} : memref<1024x128xf32, #tpu.memory_space<vmem>>, vector<1024x128xf32>,
    return
  }
  func.func @transform_0(%arg0: i32) -> (i32, i32) {
    %c0_i32 = arith.constant 0 : i32
    %c0_i32_0 = arith.constant 0 : i32
    return %arg0, %c0_i32 : i32, i32
  }
  func.func @transform_1(%arg0: i32) -> (i32, i32) {
    %c0_i32 = arith.constant 0 : i32
    %c0_i32_0 = arith.constant 0 : i32
    %c0_i32_1 = arith.constant 0 : i32
    return %c0_i32, %c0_i32_0 : i32, i32
  }
  func.func @transform_2(%arg0: i32) -> (i32, i32) {
    %c0_i32 = arith.constant 0 : i32
    %c0_i32_0 = arith.constant 0 : i32
    return %arg0, %c0_i32 : i32, i32
  }
}

module attributes {stable_mosaic.version = 14 : i64} {
  func.func @_elu_mm_kernel(%arg0: i32, %arg1: memref<1024x128xf32, #tpu.memory_space<vmem>>, %arg2: memref<1x128xf32, #tpu.memory_space<vmem>>, %arg3: memref<128x128xf32, #tpu.memory_space<vmem>>, %arg4: memref<1024x128xf32, #tpu.memory_space<vmem>>) attributes {dimension_semantics = [#tpu.dimension_semantics<arbitrary>], iteration_bounds = array<i64: 10>, scalar_prefetch = 0 : i64, scratch_operands = 0 : i64, tpu.core_type = #tpu.core_type<tc>, window_params = [{transform_indices = @transform_0, window_bounds = array<i64: 1024, 128>}, {pipeline_mode = #tpu.pipeline_mode<synchronous>, transform_indices = @transform_1, window_bounds = array<i64: 1, 128>}, {pipeline_mode = #tpu.pipeline_mode<synchronous>, transform_indices = @transform_2, window_bounds = array<i64: 128, 128>}, {transform_indices = @transform_3, window_bounds = array<i64: 1024, 128>}]} {
    %get3A = arith.constant 0 : index
    %get3A_0 = arith.constant 0 : index
    %get3A_1 = vector.load %arg1[%get3A, %get3A_0] : memref<1024x128xf32, #tpu.memory_space<vmem>>, vector<1024x128xf32>
    %get3A_2 = arith.constant 0 : index
    %get3A_3 = arith.constant 0 : index
    %get3A_4 = vector.load %arg2[%get3A_2, %get3A_3] : memref<1x128xf32, #tpu.memory_space<vmem>>, vector<1x128xf32>
    %add3A = vector.broadcast %get3A_4 : vector<1x128xf32> to vector<1024x128xf32>
    %add3A_5 = arith.addf %get3A_1, %add3A : vector<1024x128xf32>
    %gt3A = arith.constant 0.000000e+00 : f32
    %gt3A_6 = vector.broadcast %gt3A : f32 to vector<1024x128xf32>
    %gt3A_7 = arith.cmpf ogt, %add3A_5, %gt3A_6 : vector<1024x128xf32>
    %min3A = arith.constant 0.000000e+00 : f32
    %min3A_8 = vector.broadcast %min3A : f32 to vector<1024x128xf32>
    %min3A_9 = arith.minimumf %add3A_5, %min3A_8 : vector<1024x128xf32>
    %exp3A = math.exp %min3A_9 : vector<1024x128xf32>
    %sub3A = arith.constant 1.000000e+00 : f32
    %sub3A_10 = vector.broadcast %sub3A : f32 to vector<1024x128xf32>
    %sub3A_11 = arith.subf %exp3A, %sub3A_10 : vector<1024x128xf32>
    %select_n3A = arith.select %gt3A_7, %add3A_5, %sub3A_11 : vector<1024x128xi1>, vector<1024x128xf32>
    %get3A_12 = arith.constant 0 : index
    %get3A_13 = arith.constant 0 : index
    %get3A_14 = vector.load %arg3[%get3A_12, %get3A_13] : memref<128x128xf32, #tpu.memory_space<vmem>>, vector<128x128xf32>
    %dot_general3A = arith.constant dense<0.000000e+00> : vector<1024x128xf32>
    %dot_general3A_15 = tpu.matmul %select_n3A, %get3A_14, %dot_general3A {dimension_numbers = #tpu.dot_dimension_numbers<[1], [0], [0], [1], [0, 0, 1, 1], [], []>, transpose_lhs_hint = false} : vector<1024x128xf32>, vector<128x128xf32>, vector<1024x128xf32> -> vector<1024x128xf32>
    %swap3A = arith.constant 0 : index
    %swap3A_16 = arith.constant 0 : index
    %swap3A_17 = vector.load %arg4[%swap3A, %swap3A_16] : memref<1024x128xf32, #tpu.memory_space<vmem>>, vector<1024x128xf32>
    tpu.vector_store %arg4[%swap3A, %swap3A_16], %dot_general3A_15 {strides = array<i32>} : memref<1024x128xf32, #tpu.memory_space<vmem>>, vector<1024x128xf32>,
    return
  }
  func.func @transform_0(%arg0: i32) -> (i32, i32) {
    %c0_i32 = arith.constant 0 : i32
    %c0_i32_0 = arith.constant 0 : i32
    return %arg0, %c0_i32 : i32, i32
  }
  func.func @transform_1(%arg0: i32) -> (i32, i32) {
    %c0_i32 = arith.constant 0 : i32
    %c0_i32_0 = arith.constant 0 : i32
    %c0_i32_1 = arith.constant 0 : i32
    return %c0_i32, %c0_i32_0 : i32, i32
  }
  func.func @transform_2(%arg0: i32) -> (i32, i32) {
    %c0_i32 = arith.constant 0 : i32
    %c0_i32_0 = arith.constant 0 : i32
    %c0_i32_1 = arith.constant 0 : i32
    return %c0_i32, %c0_i32_0 : i32, i32
  }
  func.func @transform_3(%arg0: i32) -> (i32, i32) {
    %c0_i32 = arith.constant 0 : i32
    %c0_i32_0 = arith.constant 0 : i32
    return %arg0, %c0_i32 : i32, i32
  }
}

module attributes {stable_mosaic.version = 14 : i64} {
  func.func @_elu_bias_kernel(%arg0: i32, %arg1: memref<1024x128xf32, #tpu.memory_space<vmem>>, %arg2: memref<1x128xf32, #tpu.memory_space<vmem>>, %arg3: memref<1024x128xf32, #tpu.memory_space<vmem>>) attributes {dimension_semantics = [#tpu.dimension_semantics<arbitrary>], iteration_bounds = array<i64: 10>, scalar_prefetch = 0 : i64, scratch_operands = 0 : i64, tpu.core_type = #tpu.core_type<tc>, window_params = [{transform_indices = @transform_0, window_bounds = array<i64: 1024, 128>}, {pipeline_mode = #tpu.pipeline_mode<synchronous>, transform_indices = @transform_1, window_bounds = array<i64: 1, 128>}, {transform_indices = @transform_2, window_bounds = array<i64: 1024, 128>}]} {
    %get3A = arith.constant 0 : index
    %get3A_0 = arith.constant 0 : index
    %get3A_1 = vector.load %arg1[%get3A, %get3A_0] : memref<1024x128xf32, #tpu.memory_space<vmem>>, vector<1024x128xf32>
    %get3A_2 = arith.constant 0 : index
    %get3A_3 = arith.constant 0 : index
    %get3A_4 = vector.load %arg2[%get3A_2, %get3A_3] : memref<1x128xf32, #tpu.memory_space<vmem>>, vector<1x128xf32>
    %add3A = vector.broadcast %get3A_4 : vector<1x128xf32> to vector<1024x128xf32>
    %add3A_5 = arith.addf %get3A_1, %add3A : vector<1024x128xf32>
    %gt3A = arith.constant 0.000000e+00 : f32
    %gt3A_6 = vector.broadcast %gt3A : f32 to vector<1024x128xf32>
    %gt3A_7 = arith.cmpf ogt, %add3A_5, %gt3A_6 : vector<1024x128xf32>
    %min3A = arith.constant 0.000000e+00 : f32
    %min3A_8 = vector.broadcast %min3A : f32 to vector<1024x128xf32>
    %min3A_9 = arith.minimumf %add3A_5, %min3A_8 : vector<1024x128xf32>
    %exp3A = math.exp %min3A_9 : vector<1024x128xf32>
    %sub3A = arith.constant 1.000000e+00 : f32
    %sub3A_10 = vector.broadcast %sub3A : f32 to vector<1024x128xf32>
    %sub3A_11 = arith.subf %exp3A, %sub3A_10 : vector<1024x128xf32>
    %select_n3A = arith.select %gt3A_7, %add3A_5, %sub3A_11 : vector<1024x128xi1>, vector<1024x128xf32>
    %swap3A = arith.constant 0 : index
    %swap3A_12 = arith.constant 0 : index
    %swap3A_13 = vector.load %arg3[%swap3A, %swap3A_12] : memref<1024x128xf32, #tpu.memory_space<vmem>>, vector<1024x128xf32>
    tpu.vector_store %arg3[%swap3A, %swap3A_12], %select_n3A {strides = array<i32>} : memref<1024x128xf32, #tpu.memory_space<vmem>>, vector<1024x128xf32>,
    return
  }
  func.func @transform_0(%arg0: i32) -> (i32, i32) {
    %c0_i32 = arith.constant 0 : i32
    %c0_i32_0 = arith.constant 0 : i32
    return %arg0, %c0_i32 : i32, i32
  }
  func.func @transform_1(%arg0: i32) -> (i32, i32) {
    %c0_i32 = arith.constant 0 : i32
    %c0_i32_0 = arith.constant 0 : i32
    %c0_i32_1 = arith.constant 0 : i32
    return %c0_i32, %c0_i32_0 : i32, i32
  }
  func.func @transform_2(%arg0: i32) -> (i32, i32) {
    %c0_i32 = arith.constant 0 : i32
    %c0_i32_0 = arith.constant 0 : i32
    return %arg0, %c0_i32 : i32, i32
  }
}

module attributes {stable_mosaic.version = 14 : i64} {
  func.func @_cdist_kernel(%arg0: i32, %arg1: memref<1024x128xf32, #tpu.memory_space<vmem>>, %arg2: memref<1024x128xf32, #tpu.memory_space<vmem>>, %arg3: memref<1024x1xi32, #tpu.memory_space<vmem>>, %arg4: memref<1x1024xi32, #tpu.memory_space<vmem>>, %arg5: memref<1024x1024xf32, #tpu.memory_space<vmem>>) attributes {dimension_semantics = [#tpu.dimension_semantics<arbitrary>], iteration_bounds = array<i64: 10>, scalar_prefetch = 0 : i64, scratch_operands = 0 : i64, tpu.core_type = #tpu.core_type<tc>, window_params = [{pipeline_mode = #tpu.pipeline_mode<synchronous>, transform_indices = @transform_0, window_bounds = array<i64: 1024, 128>}, {transform_indices = @transform_1, window_bounds = array<i64: 1024, 128>}, {pipeline_mode = #tpu.pipeline_mode<synchronous>, transform_indices = @transform_2, window_bounds = array<i64: 1024, 1>}, {transform_indices = @transform_3, window_bounds = array<i64: 1, 1024>}, {transform_indices = @transform_4, window_bounds = array<i64: 1024, 1024>}]} {
    %get3A = arith.constant 0 : index
    %get3A_0 = arith.constant 0 : index
    %get3A_1 = vector.load %arg1[%get3A, %get3A_0] : memref<1024x128xf32, #tpu.memory_space<vmem>>, vector<1024x128xf32>
    %get3A_2 = arith.constant 0 : index
    %get3A_3 = arith.constant 0 : index
    %get3A_4 = vector.load %arg2[%get3A_2, %get3A_3] : memref<1024x128xf32, #tpu.memory_space<vmem>>, vector<1024x128xf32>
    %mul3A = arith.mulf %get3A_1, %get3A_1 : vector<1024x128xf32>
    %reduce_sum3A = arith.constant dense<0.000000e+00> : vector<1024xf32>
    %reduce_sum3A_5 = vector.multi_reduction <add>, %mul3A, %reduce_sum3A [1] : vector<1024x128xf32> to vector<1024xf32>
    %broadcast_in_dim3A = vector.shape_cast %reduce_sum3A_5 : vector<1024xf32> to vector<1024x1xf32>
    %mul3A_6 = arith.mulf %get3A_4, %get3A_4 : vector<1024x128xf32>
    %reduce_sum3A_7 = arith.constant dense<0.000000e+00> : vector<1024xf32>
    %reduce_sum3A_8 = vector.multi_reduction <add>, %mul3A_6, %reduce_sum3A_7 [1] : vector<1024x128xf32> to vector<1024xf32>
    %broadcast_in_dim3A_9 = vector.shape_cast %reduce_sum3A_8 : vector<1024xf32> to vector<1x1024xf32>
    %add3A = vector.broadcast %broadcast_in_dim3A : vector<1024x1xf32> to vector<1024x1024xf32>
    %add3A_10 = vector.broadcast %broadcast_in_dim3A_9 : vector<1x1024xf32> to vector<1024x1024xf32>
    %add3A_11 = arith.addf %add3A, %add3A_10 : vector<1024x1024xf32>
    %dot_general3A = arith.constant dense<0.000000e+00> : vector<1024x1024xf32>
    %dot_general3A_12 = tpu.matmul %get3A_1, %get3A_4, %dot_general3A {dimension_numbers = #tpu.dot_dimension_numbers<[1], [1], [0], [0], [0, 0, 1, 0], [], []>, transpose_lhs_hint = false} : vector<1024x128xf32>, vector<1024x128xf32>, vector<1024x1024xf32> -> vector<1024x1024xf32>
    %mul3A_13 = arith.constant 2.000000e+00 : f32
    %mul3A_14 = vector.broadcast %mul3A_13 : f32 to vector<1024x1024xf32>
    %mul3A_15 = arith.mulf %mul3A_14, %dot_general3A_12 : vector<1024x1024xf32>
    %sub3A = arith.subf %add3A_11, %mul3A_15 : vector<1024x1024xf32>
    %max3A = arith.constant 0.000000e+00 : f32
    %max3A_16 = vector.broadcast %max3A : f32 to vector<1024x1024xf32>
    %max3A_17 = arith.maximumf %sub3A, %max3A_16 : vector<1024x1024xf32>
    %sqrt3A = math.sqrt %max3A_17 : vector<1024x1024xf32>
    %get3A_18 = arith.constant 0 : index
    %get3A_19 = arith.constant 0 : index
    %get3A_20 = vector.load %arg3[%get3A_18, %get3A_19] : memref<1024x1xi32, #tpu.memory_space<vmem>>, vector<1024x1xi32>
    %get3A_21 = arith.constant 0 : index
    %get3A_22 = arith.constant 0 : index
    %get3A_23 = vector.load %arg4[%get3A_21, %get3A_22] : memref<1x1024xi32, #tpu.memory_space<vmem>>, vector<1x1024xi32>
    %eq3A = vector.broadcast %get3A_20 : vector<1024x1xi32> to vector<1024x1024xi32>
    %eq3A_24 = vector.broadcast %get3A_23 : vector<1x1024xi32> to vector<1024x1024xi32>
    %eq3A_25 = arith.cmpi eq, %eq3A, %eq3A_24 : vector<1024x1024xi32>
    %jit3A = arith.constant 0x7F800000 : f32
    %broadcast_in_dim3A_26 = vector.broadcast %jit3A : f32 to vector<1024x1024xf32>
    %select_n3A = arith.select %eq3A_25, %sqrt3A, %broadcast_in_dim3A_26 : vector<1024x1024xi1>, vector<1024x1024xf32>
    %swap3A = arith.constant 0 : index
    %swap3A_27 = arith.constant 0 : index
    %swap3A_28 = vector.load %arg5[%swap3A, %swap3A_27] : memref<1024x1024xf32, #tpu.memory_space<vmem>>, vector<1024x1024xf32>
    tpu.vector_store %arg5[%swap3A, %swap3A_27], %select_n3A {strides = array<i32>} : memref<1024x1024xf32, #tpu.memory_space<vmem>>, vector<1024x1024xf32>,
    return
  }
  func.func @transform_0(%arg0: i32) -> (i32, i32) {
    %c0_i32 = arith.constant 0 : i32
    %c0_i32_0 = arith.constant 0 : i32
    %c0_i32_1 = arith.constant 0 : i32
    return %c0_i32, %c0_i32_0 : i32, i32
  }
  func.func @transform_1(%arg0: i32) -> (i32, i32) {
    %c0_i32 = arith.constant 0 : i32
    %c0_i32_0 = arith.constant 0 : i32
    return %arg0, %c0_i32 : i32, i32
  }
  func.func @transform_2(%arg0: i32) -> (i32, i32) {
    %c0_i32 = arith.constant 0 : i32
    %c0_i32_0 = arith.constant 0 : i32
    %c0_i32_1 = arith.constant 0 : i32
    return %c0_i32, %c0_i32_0 : i32, i32
  }
  func.func @transform_3(%arg0: i32) -> (i32, i32) {
    %c0_i32 = arith.constant 0 : i32
    %c0_i32_0 = arith.constant 0 : i32
    return %c0_i32, %arg0 : i32, i32
  }
  func.func @transform_4(%arg0: i32) -> (i32, i32) {
    %c0_i32 = arith.constant 0 : i32
    %c0_i32_0 = arith.constant 0 : i32
    return %c0_i32, %arg0 : i32, i32
  }
}

module attributes {stable_mosaic.version = 14 : i64} {
  func.func @_dec_kernel(%arg0: i32, %arg1: memref<4096x128xf32, #tpu.memory_space<vmem>>, %arg2: memref<4096x128xf32, #tpu.memory_space<vmem>>, %arg3: memref<128x128xf32, #tpu.memory_space<vmem>>, %arg4: memref<1x128xf32, #tpu.memory_space<vmem>>, %arg5: memref<128x128xf32, #tpu.memory_space<vmem>>, %arg6: memref<1x128xf32, #tpu.memory_space<vmem>>, %arg7: memref<4096x128xf32, #tpu.memory_space<vmem>>) attributes {dimension_semantics = [#tpu.dimension_semantics<arbitrary>], iteration_bounds = array<i64: 16>, scalar_prefetch = 0 : i64, scratch_operands = 0 : i64, tpu.core_type = #tpu.core_type<tc>, window_params = [{transform_indices = @transform_0, window_bounds = array<i64: 4096, 128>}, {transform_indices = @transform_1, window_bounds = array<i64: 4096, 128>}, {pipeline_mode = #tpu.pipeline_mode<synchronous>, transform_indices = @transform_2, window_bounds = array<i64: 128, 128>}, {pipeline_mode = #tpu.pipeline_mode<synchronous>, transform_indices = @transform_3, window_bounds = array<i64: 1, 128>}, {pipeline_mode = #tpu.pipeline_mode<synchronous>, transform_indices = @transform_4, window_bounds = array<i64: 128, 128>}, {pipeline_mode = #tpu.pipeline_mode<synchronous>, transform_indices = @transform_5, window_bounds = array<i64: 1, 128>}, {transform_indices = @transform_6, window_bounds = array<i64: 4096, 128>}]} {
    %get3A = arith.constant 0 : index
    %get3A_0 = arith.constant 0 : index
    %get3A_1 = vector.load %arg1[%get3A, %get3A_0] : memref<4096x128xf32, #tpu.memory_space<vmem>>, vector<4096x128xf32>
    %get3A_2 = arith.constant 0 : index
    %get3A_3 = arith.constant 0 : index
    %get3A_4 = vector.load %arg2[%get3A_2, %get3A_3] : memref<4096x128xf32, #tpu.memory_space<vmem>>, vector<4096x128xf32>
    %mul3A = arith.mulf %get3A_1, %get3A_4 : vector<4096x128xf32>
    %get3A_5 = arith.constant 0 : index
    %get3A_6 = arith.constant 0 : index
    %get3A_7 = vector.load %arg3[%get3A_5, %get3A_6] : memref<128x128xf32, #tpu.memory_space<vmem>>, vector<128x128xf32>
    %dot_general3A = arith.constant dense<0.000000e+00> : vector<4096x128xf32>
    %dot_general3A_8 = tpu.matmul %mul3A, %get3A_7, %dot_general3A {dimension_numbers = #tpu.dot_dimension_numbers<[1], [0], [0], [1], [0, 0, 1, 1], [], []>, transpose_lhs_hint = false} : vector<4096x128xf32>, vector<128x128xf32>, vector<4096x128xf32> -> vector<4096x128xf32>
    %get3A_9 = arith.constant 0 : index
    %get3A_10 = arith.constant 0 : index
    %get3A_11 = vector.load %arg4[%get3A_9, %get3A_10] : memref<1x128xf32, #tpu.memory_space<vmem>>, vector<1x128xf32>
    %add3A = vector.broadcast %get3A_11 : vector<1x128xf32> to vector<4096x128xf32>
    %add3A_12 = arith.addf %dot_general3A_8, %add3A : vector<4096x128xf32>
    %max3A = arith.constant 0.000000e+00 : f32
    %max3A_13 = vector.broadcast %max3A : f32 to vector<4096x128xf32>
    %max3A_14 = arith.maximumf %add3A_12, %max3A_13 : vector<4096x128xf32>
    %get3A_15 = arith.constant 0 : index
    %get3A_16 = arith.constant 0 : index
    %get3A_17 = vector.load %arg5[%get3A_15, %get3A_16] : memref<128x128xf32, #tpu.memory_space<vmem>>, vector<128x128xf32>
    %dot_general3A_18 = arith.constant dense<0.000000e+00> : vector<4096x128xf32>
    %dot_general3A_19 = tpu.matmul %max3A_14, %get3A_17, %dot_general3A_18 {dimension_numbers = #tpu.dot_dimension_numbers<[1], [0], [0], [1], [0, 0, 1, 1], [], []>, transpose_lhs_hint = false} : vector<4096x128xf32>, vector<128x128xf32>, vector<4096x128xf32> -> vector<4096x128xf32>
    %get3A_20 = arith.constant 0 : index
    %get3A_21 = arith.constant 0 : index
    %get3A_22 = vector.load %arg6[%get3A_20, %get3A_21] : memref<1x128xf32, #tpu.memory_space<vmem>>, vector<1x128xf32>
    %add3A_23 = vector.broadcast %get3A_22 : vector<1x128xf32> to vector<4096x128xf32>
    %add3A_24 = arith.addf %dot_general3A_19, %add3A_23 : vector<4096x128xf32>
    %swap3A = arith.constant 0 : index
    %swap3A_25 = arith.constant 0 : index
    %swap3A_26 = vector.load %arg7[%swap3A, %swap3A_25] : memref<4096x128xf32, #tpu.memory_space<vmem>>, vector<4096x128xf32>
    tpu.vector_store %arg7[%swap3A, %swap3A_25], %add3A_24 {strides = array<i32>} : memref<4096x128xf32, #tpu.memory_space<vmem>>, vector<4096x128xf32>,
    return
  }
  func.func @transform_0(%arg0: i32) -> (i32, i32) {
    %c0_i32 = arith.constant 0 : i32
    %c0_i32_0 = arith.constant 0 : i32
    return %arg0, %c0_i32 : i32, i32
  }
  func.func @transform_1(%arg0: i32) -> (i32, i32) {
    %c0_i32 = arith.constant 0 : i32
    %c0_i32_0 = arith.constant 0 : i32
    return %arg0, %c0_i32 : i32, i32
  }
  func.func @transform_2(%arg0: i32) -> (i32, i32) {
    %c0_i32 = arith.constant 0 : i32
    %c0_i32_0 = arith.constant 0 : i32
    %c0_i32_1 = arith.constant 0 : i32
    return %c0_i32, %c0_i32_0 : i32, i32
  }
  func.func @transform_3(%arg0: i32) -> (i32, i32) {
    %c0_i32 = arith.constant 0 : i32
    %c0_i32_0 = arith.constant 0 : i32
    %c0_i32_1 = arith.constant 0 : i32
    return %c0_i32, %c0_i32_0 : i32, i32
  }
  func.func @transform_4(%arg0: i32) -> (i32, i32) {
    %c0_i32 = arith.constant 0 : i32
    %c0_i32_0 = arith.constant 0 : i32
    %c0_i32_1 = arith.constant 0 : i32
    return %c0_i32, %c0_i32_0 : i32, i32
  }
  func.func @transform_5(%arg0: i32) -> (i32, i32) {
    %c0_i32 = arith.constant 0 : i32
    %c0_i32_0 = arith.constant 0 : i32
    %c0_i32_1 = arith.constant 0 : i32
    return %c0_i32, %c0_i32_0 : i32, i32
  }
  func.func @transform_6(%arg0: i32) -> (i32, i32) {
    %c0_i32 = arith.constant 0 : i32
    %c0_i32_0 = arith.constant 0 : i32
    return %arg0, %c0_i32 : i32, i32
  }
}

module attributes {stable_mosaic.version = 14 : i64} {
  func.func @_norm_kernel(%arg0: i32, %arg1: memref<1024x128xf32, #tpu.memory_space<vmem>>, %arg2: memref<1024x128xf32, #tpu.memory_space<vmem>>) attributes {dimension_semantics = [#tpu.dimension_semantics<arbitrary>], iteration_bounds = array<i64: 10>, scalar_prefetch = 0 : i64, scratch_operands = 0 : i64, tpu.core_type = #tpu.core_type<tc>, window_params = [{transform_indices = @transform_0, window_bounds = array<i64: 1024, 128>}, {transform_indices = @transform_1, window_bounds = array<i64: 1024, 128>}]} {
    %get3A = arith.constant 0 : index
    %get3A_0 = arith.constant 0 : index
    %get3A_1 = vector.load %arg1[%get3A, %get3A_0] : memref<1024x128xf32, #tpu.memory_space<vmem>>, vector<1024x128xf32>
    %mul3A = arith.mulf %get3A_1, %get3A_1 : vector<1024x128xf32>
    %reduce_sum3A = arith.constant dense<0.000000e+00> : vector<1024xf32>
    %reduce_sum3A_2 = vector.multi_reduction <add>, %mul3A, %reduce_sum3A [1] : vector<1024x128xf32> to vector<1024xf32>
    %broadcast_in_dim3A = vector.shape_cast %reduce_sum3A_2 : vector<1024xf32> to vector<1024x1xf32>
    %sqrt3A = math.sqrt %broadcast_in_dim3A : vector<1024x1xf32>
    %max3A = arith.constant 9.99999996E-13 : f32
    %max3A_3 = vector.broadcast %max3A : f32 to vector<1024x1xf32>
    %max3A_4 = arith.maximumf %sqrt3A, %max3A_3 : vector<1024x1xf32>
    %div3A = vector.broadcast %max3A_4 : vector<1024x1xf32> to vector<1024x128xf32>
    %div3A_5 = arith.divf %get3A_1, %div3A : vector<1024x128xf32>
    %swap3A = arith.constant 0 : index
    %swap3A_6 = arith.constant 0 : index
    %swap3A_7 = vector.load %arg2[%swap3A, %swap3A_6] : memref<1024x128xf32, #tpu.memory_space<vmem>>, vector<1024x128xf32>
    tpu.vector_store %arg2[%swap3A, %swap3A_6], %div3A_5 {strides = array<i32>} : memref<1024x128xf32, #tpu.memory_space<vmem>>, vector<1024x128xf32>,
    return
  }
  func.func @transform_0(%arg0: i32) -> (i32, i32) {
    %c0_i32 = arith.constant 0 : i32
    %c0_i32_0 = arith.constant 0 : i32
    return %arg0, %c0_i32 : i32, i32
  }
  func.func @transform_1(%arg0: i32) -> (i32, i32) {
    %c0_i32 = arith.constant 0 : i32
    %c0_i32_0 = arith.constant 0 : i32
    return %arg0, %c0_i32 : i32, i32
  }
}

</mosaic_0001>

<sc_bundles>
// kernel: gather_offload_async_start
scs
__scs_entry_jumppad:
0x0: {  	(pc) =	sbr.rel $0x88, $3  }
0x1: {  	(tag) =	ssettag $0x0;
	lr =	simm.s32 $0x1  }
0x2: {  	[smem:$0x3F93] =	sst lr;
	_ =	strace $0xD0000000  }
0x3: {  	_ = 	snop  }
0x4: {  	_ = 	snop  }
0x5: {  	_ = 	snop  }
0x6: {  	_ = 	snop  }
0x7: {  	_ = 	snop  }
__scs_overlays_trampoline_lowered:
0x8: {  	[smem:$0x3FA2] =	sst s0  }
0x9: {  	[smem:$0x3FA3] =	sst s1  }
0xa: {  	[smem:$0x3FA4] =	sst s2  }
0xb: {  	[smem:$0x3FA5] =	sst s3  }
0xc: {  	[smem:$0x3FA6] =	sst s4  }
0xd: {  	[smem:$0x3FA7] =	sst s5  }
0xe: {  	[smem:$0x3FA8] =	sst s6  }
0xf: {  	[smem:$0x3FA9] =	sst s7  }
0x10: {  	[smem:$0x3FAA] =	sst s8  }
0x11: {  	[smem:$0x3FAB] =	sst s9;
	s0 =	simm.s32 @!p0 $0x0  }
0x12: {  	s1 =	sld [smem:$0x3F91];
	s0 =	simm.s32 @p0 $0x1  }
0x13: {  	[smem:$0x3FAC] =	sst s0;
	s0 =	simm.s32 @!p1 $0x0  }
0x14: {  	s2 =	sld [smem:$0x3F90];
	s0 =	simm.s32 @p1 $0x1  }
0x15: {  	[smem:$0x3FAD] =	sst s0;
	s0 =	simm.s32 @!p2 $0x0  }
0x16: {  	s3 =	sld [smem:$0x3FDB];
	s0 =	simm.s32 @p2 $0x1  }
0x17: {  	s4 =	simm.s32 $0x1BF5;
	[smem:$0x3FAF] =	sst s0  }
0x18: {  	s0 =	sld [smem:$0x3F92];
	_ =	swait.ge [sflag:s4], $0x0  }
0x19: {  	s7 =	sld [smem:$0x3F93]  }
0x1a: {  	s8 =	sadd.s32 $0xFFFFE003, lr  }
0x1b: {  	s9 =	sadd.s32 $0xFFFFFEF7, lr;
	s5 =	simm.s32 $0xFFFFFFFF;
	p2 =	slt.u32 s8, $0xFFFFF086  }
0x1c: {  	p1 =	slt.u32 s9, $0xF7A;
	s5 =	simm.s32 @!p2 $0x0  }
0x1d: {  	s5 =	simm.s32 @p1 $0x1;
	p0 =	seq.s32 s7, s2  }
0x1e: {  	s7 =	smul.u32 @!p0 $0xF7A, s2;
	p2 =	seq.s32 @!p0 s5, $0x0  }
0x1f: {  	s9 =	smul.u32 $0xF7A, s1;
	s8 =	simm.s32 @!p0 $0x1BF5;
	p2 =	por !p2, p0  }
0x20: {  	[sflag:s8] =	ssyncset.s32 @!p0 $0xFFFFF086;
	s6 =	sadd.s32 @!p0 s3, s7;
	s7 =	simm.s32 @!p0 $0x108  }
0x21: {  	s3 =	sadd.s32 s3, s9;
	s6 =	sadd.s32 @!p0 $0x88, s6;
	s7 =	simm.s32 @p2 $0x1082  }
0x22: {  	[simem:s7], [sflag:s8] =	dma.local @!p0 [hbm:s6], $0xF7A  }
0x23: {  	s9 =	sor.u32 $0xD0000000, s2;
	s6 =	simm.s32 $0x108;
	_ =	swait.ge @!p0 [sflag:s8], $0x0  }
0x24: {  	s3 =	sadd.s32 $0x88, s3;
	s6 =	simm.s32 @!p1 $0x1082;
	[sflag:s4] =	ssyncset.s32 $0xFFFFF086  }
0x25: {  	[simem:s6], [sflag:s4] =	dma.local [hbm:s3], $0xF7A  }
0x26: {  	[smem:$0x3F93] =	sst s1;
	(tag) =	ssettag s2;
	_ =	strace s9  }
0x27: {  	s1 =	sld [smem:$0x3FA3]  }
0x28: {  	s2 =	sld [smem:$0x3FA4]  }
0x29: {  	s4 =	sld [smem:$0x3FA6]  }
0x2a: {  	p0 =	seq.s32 s5, $0x0;
	s5 =	sld [smem:$0x3FA7]  }
0x2b: {  	s6 =	sld [smem:$0x3FA8]  }
0x2c: {  	s7 =	sld [smem:$0x3FA9]  }
0x2d: {  	s3 =	simm.s32 $0x108;
	s8 =	sld [smem:$0x3FAA]  }
0x2e: {  	s3 =	simm.s32 @!p0 $0x1082;
	s9 =	sld [smem:$0x3FAB]  }
0x2f: {  	lr =	sadd.s32 s0, s3;
	s0 =	sld [smem:$0x3FA2]  }
0x30: {  	s3 =	sld [smem:$0x3FA5]  }
0x31: {  	[smem:$0x3FAE] =	sst s10  }
0x32: {  	s10 =	sld [smem:$0x3FAC];
	_ =	sdelay $0x3  }
0x33: {  	p0 =	seq.s32 s10, $0x1;
	s10 =	sld [smem:$0x3FAE];
	_ =	sdelay $0x3  }
0x34: {  	[smem:$0x3FAE] =	sst s10  }
0x35: {  	s10 =	sld [smem:$0x3FAD];
	_ =	sdelay $0x3  }
0x36: {  	p1 =	seq.s32 s10, $0x1;
	s10 =	sld [smem:$0x3FAE];
	_ =	sdelay $0x3  }
0x37: {  	[smem:$0x3FAE] =	sst s10  }
0x38: {  	s10 =	sld [smem:$0x3FAF]  }
0x39: {  	_ = 	snop;
	(pc) =	sbr.ind lr, $3  }
0x3a: {  	_ = 	snop  }
0x3b: {  	_ = 	snop  }
0x3c: {  	p2 =	seq.s32 s10, $0x1;
	s10 =	sld [smem:$0x3FAE]  }
0x3d: {  	_ =	shalt  }
0x3e: {  	_ =	shalt  }
0x3f: {  	_ =	shalt  }
0x40: {  	_ =	shalt  }
0x41: {  	_ =	shalt  }
0x42: {  	_ =	shalt  }
0x43: {  	_ =	shalt  }
0x44: {  	_ =	shalt  }
0x45: {  	_ =	shalt  }
0x46: {  	_ =	shalt  }
0x47: {  	_ =	shalt  }
0x48: {  	_ =	shalt  }
0x49: {  	_ =	shalt  }
0x4a: {  	_ =	shalt  }
0x4b: {  	_ =	shalt  }
0x4c: {  	_ =	shalt  }
0x4d: {  	_ =	shalt  }
0x4e: {  	_ =	shalt  }
0x4f: {  	_ =	shalt  }
0x50: {  	_ =	shalt  }
0x51: {  	_ =	shalt  }
0x52: {  	_ =	shalt  }
0x53: {  	_ =	shalt  }
0x54: {  	_ =	shalt  }
0x55: {  	_ =	shalt  }
0x56: {  	_ =	shalt  }
0x57: {  	_ =	shalt  }
0x58: {  	_ =	shalt  }
0x59: {  	_ =	shalt  }
0x5a: {  	_ =	shalt  }
0x5b: {  	_ =	shalt  }
0x5c: {  	_ =	shalt  }
0x5d: {  	_ =	shalt  }
0x5e: {  	_ =	shalt  }
0x5f: {  	_ =	shalt  }
0x60: {  	_ =	shalt  }
0x61: {  	_ =	shalt  }
0x62: {  	_ =	shalt  }
0x63: {  	_ =	shalt  }
0x64: {  	_ =	shalt  }
0x65: {  	_ =	shalt  }
0x66: {  	_ =	shalt  }
0x67: {  	_ =	shalt  }
0x68: {  	_ =	shalt  }
0x69: {  	_ =	shalt  }
0x6a: {  	_ =	shalt  }
0x6b: {  	_ =	shalt  }
0x6c: {  	_ =	shalt  }
0x6d: {  	_ =	shalt  }
0x6e: {  	_ =	shalt  }
0x6f: {  	_ =	shalt  }
0x70: {  	_ =	shalt  }
0x71: {  	_ =	shalt  }
0x72: {  	_ =	shalt  }
0x73: {  	_ =	shalt  }
0x74: {  	_ =	shalt  }
0x75: {  	_ =	shalt  }
0x76: {  	_ =	shalt  }
0x77: {  	_ =	shalt  }
0x78: {  	_ =	shalt  }
0x79: {  	_ =	shalt  }
0x7a: {  	_ =	shalt  }
0x7b: {  	_ =	shalt  }
0x7c: {  	_ =	shalt  }
0x7d: {  	_ =	shalt  }
0x7e: {  	_ =	shalt  }
0x7f: {  	_ =	shalt  }
0x80: {  	_ =	shalt  }
0x81: {  	_ =	shalt  }
0x82: {  	_ =	shalt  }
0x83: {  	_ =	shalt  }
0x84: {  	_ =	shalt  }
0x85: {  	_ =	shalt  }
0x86: {  	_ =	shalt  }
0x87: {  	_ =	shalt  }
.Lfunc_end0:
.L_simem_size_0:
called_computation.5_lowered:
.L_overlay_start_0:
0x88: {  	s2 =	sld [smem:$0x3FD9]  }
0x89: {  	s3 =	sld [smem:$0x3FFE];
	_ =	sdelay $0x1  }
0x8a: {  	s1 =	srdreg.scid  }
0x8b: {  	s0 =	sand.u32 $0x1, s1  }
0x8c: {  	s14 =	sshll.u32 s0, $0xA;
	s2 =	sadd.s32 s3, s2  }
0x8d: {  	s2 =	sadd.s32 s2, s14  }
0x8e: {  	[smem:$0x3FBA] =	sst s2  }
0x8f: {  	_ = 	snop  }
0x90: {  	s2 =	sld [smem:$0x3FD0];
	_ =	sdelay $0x2  }
0x91: {  	s15 =	simm.s32 $0xB;
	s4 =	simm.s32 $0x10  }
0x92: {  	[smem:s4], [sflag:s15] =	dma.local [hbm:s2], $0x1  }
0x93: {  	_ =	swait.eq [sflag:s15], $0x1  }
0x94: {  	[sflag:s15] =	ssyncset.done $0x0  }
0x95: {  	s16 =	sld [smem:$0x10];
	[sflag:s15] =	ssyncadd.s32 $0xFFFFFFFF  }
0x96: {  	s17 =	sld [smem:$0x11];
	(tm) =	ssettm $0x1  }
0x97: {  	s18 =	sld [smem:$0x3FFB];
	_ =	sdelay $0x3  }
0x98: {  	_ =	strace s18  }
0x99: {  	s4 =	sld [smem:$0x3FFC];
	_ =	sdelay $0x3  }
0x9a: {  	_ =	strace s4  }
0x9b: {  	s4 =	sld [smem:$0x3FFD];
	_ =	sdelay $0x3  }
0x9c: {  	_ =	strace s4  }
0x9d: {  	_ =	strace $0x8FFFFFFF  }
0x9e: {  	s19 =	sld [smem:$0x3FDB];
	_ =	sdelay $0x1  }
0x9f: {  	s5 =	simm.s32 $_scs_section_size  }
0xa0: {  	s6 =	simm.s32 $_size__tile_overlayer_lowered;
	s7 =	simm.s32 $_tile_overlayer_lowered  }
0xa1: {  	s22 =	simm.s32 $0x1BFF;
	s21 =	sshll.u32 s7, $0x1;
	s4 =	sadd.s32 s5, s19  }
0xa2: {  	s8 =	simm.s32 $0x0;
	s20 =	sshll.u32 s6, $0x1;
	s6 =	sadd.s32 s21, s4  }
0xa3: {  	[timem:s8], [sflag:s22] =	dma.local [hbm:s6], s20  }
0xa4: {  	_ =	swait.ge [sflag:s22], s20  }
0xa5: {  	s5 =	ssub.s32 $0x0, s20;
	[sflag:s22] =	ssyncset.done $0x0  }
0xa6: {  	[sflag:s22] =	ssyncadd.s32 s5;
	_ =	sdelay $0x1  }
0xa7: {  	s23 =	simm.s32 $0x1B8B  }
0xa8: {  	_ =	swait.ge [sflag:s23], $0x1  }
0xa9: {  	[sflag:s23] =	ssyncset.done $0x0  }
0xaa: {  	s25 =	simm.s32 $0x1B8E;
	s24 =	sld [smem:$0x3FFE];
	[sflag:s23] =	ssyncadd.s32 $0xFFFFFFFF  }
0xab: {  	s26 =	simm.s32 $execute0_lowered;
	[smem:$0x3FD2] =	sst s25  }
0xac: {  	s6 =	sshll.u32 s26, $0x1;
	_ =	strace $0x80000055;
	[dreg:$0x1] =	wrdreg $0xFFFFFFFF  }
0xad: {  	s28 =	simm.s32 $_size_execute0_lowered;
	s4 =	sadd.s32 s4, s6;
	[dreg:$0x0] =	wrdreg $0x0  }
0xae: {  	s6 =	sshll.u32 s28, $0x1;
	[dreg:$0x2] =	wrdreg s4  }
0xaf: {  	[dreg:$0x3] =	wrdreg s6  }
0xb0: {  	[dreg:$0x4] =	wrdreg $0xC0  }
0xb1: {  	_ =	task [dreg:s8], $0x5FFFF  }
0xb2: {  	[dreg:$0x1] =	wrdreg $0xFFFFFFFF  }
0xb3: {  	[dreg:$0x0] =	wrdreg $0x60  }
0xb4: {  	[dreg:$0x2] =	wrdreg s16  }
0xb5: {  	[dreg:$0x3] =	wrdreg s17  }
0xb6: {  	[dreg:$0x4] =	wrdreg s24  }
0xb7: {  	[dreg:$0x5] =	wrdreg $0x9  }
0xb8: {  	_ =	task.clear_ibuf [dreg:s8], $0x6FFFF;
	_ =	strace $0x90000055  }
0xb9: {  	s29 =	simm.s32 $0x9;
	_ =	strace $0x80000057  }
0xba: {  	_ =	swait.ge [sflag:s29], $0x1  }
0xbb: {  	[sflag:s29] =	ssyncadd.s32 $0xFFFFFFFF  }
0xbc: {  	_ =	strace $0x90000057  }
0xbd: {  	_ =	sfence  }
0xbe: {  	s30 =	sld [smem:$0x0];
	_ =	sdelay $0x2  }
0xbf: {  	s31 =	sshll.u32 s1, $0xD;
	s1 =	sshrl.u32 s1, $0x2  }
0xc0: {  	s3 =	sand.u32 $0x4000, s31;
	s1 =	sadd.s32 s1, s30  }
0xc1: {  	s0 =	sor.u32 s3, s0;
	s1 =	sshll.u32 s1, $0x11  }
0xc2: {  	s0 =	sor.u32 s1, s0  }
0xc3: {  	s0 =	sadd.s32 $0x8F2B, s0  }
0xc4: {  	[sflag:s0] =	ssyncadd.remote.s32 $0x1  }
0xc5: {  	_ =	sfence.sel $0xFFFF  }
0xc6: {  	[dreg:$0x0] =	wrdreg $0xFFFFFFFF;
	(pc) =	sbr.abs _section_cstart, $3  }
0xc7: {  	[dreg:$0x1] =	wrdreg $0xFFFFFFFF  }
0xc8: {  	_ =	task.clear_ibuf [dreg:s8], $0x2FFFF;
	_ =	strace $0x9FFFFFFF  }
0xc9: {  	(tm) =	ssettm $0x7FFFFFFF  }
tec
execute0_lowered:
.L_overlay_start_1:
0x0: {  	(tag) =	ssettag $0x1  }
0x1: {  	s2 =	rddreg [dreg:$0x0]  }
0x2: {  	s3 =	rddreg [dreg:$0x1];
	s0 =	srdreg.scid  }
0x3: {  	s7 =	rddreg [dreg:$0x2];
	s1 =	stileid.u32;
	s6 =	simm.s32 $0x2  }
0x4: {  	s4 =	sshll.u32 s0, $0x4;
	s0 =	rddreg [dreg:$0x3];
	_ =	strace $0x80000056  }
.Ltmp0:
0x5: {  	s5 =	sand.u32 $0x10, s4;
	s4 =	simm.s32 $0x1;
	(pc) =	sbr.rel .LBB2_1-.Ltmp0, $4  }
0x6: {  	s9 =	simm.s32 $0x3;
	s5 =	sor.u32 s1, s5;
	[sflag:s4] =	ssyncpa.u1 $0x0  }
0x7: {  	s12 =	simm.s32 $0x0;
	s5 =	smul.u32 $0x60, s5;
	[sflag:s6] =	ssyncpa.u1 $0x0  }
0x8: {  	s10 =	simm.s32 $0x0;
	s7 =	sadd.s32 $0x5000, s7;
	[sflag:s9] =	ssyncpa.u1 $0x0  }
0x9: {  	vm0 =	vmmov $0xff;
	vm1 =	vcmask $0x3F20;
	s9 =	simm.s32 $0x60;
	s8 =	sadd.s32 $0x60, s5;
	s11 =	smov.u32 s5  }
.LBB2_10:
0xa: {  	s12 =	sshrl.u32 s11, $0x3  }
0xb: {  	s13 =	sand.u32 $0x7, s11;
	s12 =	sadd.s32 s3, s12  }
0xc: {  	[tilespmem:s9], [sflag:$0x2] =	stream.linear.gather [hbm4b:s12+s13], $0x60, $0x38;
	[tilespmem:$0x60C0] =	vst v63  }
.LBB2_8:
0xd: {  	s12 =	sadd.s32 $0x60, s11  }
0xe: {  	s13 =	smov.u32 s5;
	p0 =	slt.s32 s12, s8  }
0xf: {  	s13 =	smov.u32 @p0 s12  }
0x10: {  	s10 =	sadd.s32 $0x1, s10;
	s12 =	smov.u32 s11;
	s11 =	smov.u32 s13  }
.LBB2_1:
0x11: {  	p0 =	seq.s32 s10, $0x0  }
.Ltmp1:
0x12: {  	_ = 	snop;
	(pc) =	sbr.rel @p0 .LBB2_10-.Ltmp1, $1  }
0x13: {  	_ =	sdelay $0x3  }
0x14: {  	p0 =	seq.s32 s10, $0x1  }
.Ltmp2:
0x15: {  	_ = 	snop;
	(pc) =	sbr.rel @!p0 .LBB2_9-.Ltmp2, $1  }
0x16: {  	_ =	sdelay $0x3  }
0x17: {  	_ =	swait.ge [sflag:s6], $0x60  }
0x18: {  	[sflag:s6] =	ssyncset.done $0x0  }
0x19: {  	s13 =	simm.s32 $0x0;
	[sflag:s6] =	ssyncadd.s32 $0xFFFFFFA0  }
0x1a: {  	v0 =	vld.msk [tilespmem:s13+$0x60 ss:$0x1], $0xffff;
	_ =	sdelay $0x4  }
0x1b: {  	vm2 =	vgt.s32 v0, $0x0  }
0x1c: {  	v0 =	vnsel vm2, $0x0, v0  }
0x1d: {  	v0 =	vmin.u32 v0, $0x270F  }
0x1e: {  	v0 =	vshll.u32 v0, $0x4;
	_ =	sdelay $0x3  }
0x1f: {  	s13 =	simm.s32 $0x30C0  }
0x20: {  	[tilespmem:s13], [sflag:$0x1] =	stream.indirect_vreg.gather [hbm:s2], $0x80, v0, vm0, $0x38;
	[tilespmem:$0x60C0] =	vst v63  }
0x21: {  	s14 =	simm.s32 $0x34C0;
	s31 =	simm.s32 $0x10  }
0x22: {  	[tilespmem:s14], [sflag:$0x1] =	stream.indirect_vreg.gather [hbm:s2], $0x80, v0, vm1, $0x38;
	[tilespmem:$0x60C0] =	vst v63  }
0x23: {  	s14 =	simm.s32 $0x80;
	v0 =	vld.msk [tilespmem:s31+$0x60 ss:$0x1], $0xffff  }
.LBB2_4:
0x24: {  	p0 =	sne.s32 s14, $0x140;
	_ =	sdelay $0x4  }
0x25: {  	vm2 =	vgt.s32 v0, $0x0  }
0x26: {  	v0 =	vnsel vm2, $0x0, v0  }
0x27: {  	v0 =	vmin.u32 v0, $0x270F  }
0x28: {  	v0 =	vshll.u32 v0, $0x4;
	_ =	sdelay $0x3  }
.Ltmp3:
0x29: {  	s13 =	sadd.s32 $0x800, s13;
	(pc) =	sbr.rel @p0 .LBB2_4-.Ltmp3, $4  }
0x2a: {  	[tilespmem:s13], [sflag:$0x1] =	stream.indirect_vreg.gather [hbm:s2], $0x80, v0, vm0, $0x38;
	[tilespmem:$0x60C0] =	vst v63  }
0x2b: {  	s15 =	sshra.s32 s14, $0x2;
	s16 =	sadd.s32 $0x400, s13  }
0x2c: {  	[tilespmem:s16], [sflag:$0x1] =	stream.indirect_vreg.gather [hbm:s2], $0x80, v0, vm1, $0x38;
	[tilespmem:$0x60C0] =	vst v63  }
0x2d: {  	s14 =	sadd.s32 $0x40, s14;
	v0 =	vld.msk [tilespmem:s15+$0x60 ss:$0x1], $0xffff  }
0x2e: {  	_ =	sdelay $0x3  }
0x2f: {  	vm2 =	vgt.s32 v0, $0x0  }
0x30: {  	v0 =	vnsel vm2, $0x0, v0  }
0x31: {  	v0 =	vmin.u32 v0, $0x270F  }
0x32: {  	v0 =	vshll.u32 v0, $0x4;
	_ =	sdelay $0x3  }
0x33: {  	s13 =	sadd.s32 $0x800, s13  }
0x34: {  	[tilespmem:s13], [sflag:$0x1] =	stream.indirect_vreg.gather [hbm:s2], $0x80, v0, vm0, $0x38;
	[tilespmem:$0x60C0] =	vst v63  }
0x35: {  	s13 =	sadd.s32 $0x400, s13  }
0x36: {  	[tilespmem:s13], [sflag:$0x1] =	stream.indirect_vreg.gather [hbm:s2], $0x80, v0, vm1, $0x38;
	[tilespmem:$0x60C0] =	vst v63  }
0x37: {  	s12 =	sshll.u32 s12, $0x4;
	s14 =	simm.s32 $0x80;
	_ =	swait.ge [sflag:s4], $0x3000  }
0x38: {  	s15 =	simm.s32 $0x34C0;
	s12 =	sadd.s32 s12, s7;
	[sflag:s4] =	ssyncset.done $0x0  }
0x39: {  	s16 =	sadd.s32 $0x0, s12;
	s13 =	simm.s32 $0x30C0;
	[sflag:s4] =	ssyncadd.s32 $0xFFFFD000  }
.LBB2_6:
0x3a: {  	[hbm:s16] =	stream.linear.scatter [tilespmem:s13], [sflag:$0x3], $0x400, $0x38;
	[tilespmem:$0x60C0] =	vst v63  }
0x3b: {  	s16 =	smov.u32 s14;
	s13 =	smov.u32 s15;
	p0 =	seq.s32 s14, $0x580  }
.Ltmp4:
0x3c: {  	s14 =	sadd.s32 $0x80, s14;
	(pc) =	sbr.rel @!p0 .LBB2_6-.Ltmp4, $2  }
0x3d: {  	_ =	sdelay $0x2  }
0x3e: {  	s15 =	sadd.s32 $0x400, s15;
	s16 =	sadd.s32 s16, s12  }
.Ltmp5:
0x3f: {  	(pc) =	sbr.rel .LBB2_8-.Ltmp5, $2  }
0x40: {  	_ =	sdelay $0x2  }
0x41: {  	[hbm:s16] =	stream.linear.scatter [tilespmem:s13], [sflag:$0x3], $0x400, $0x38;
	[tilespmem:$0x60C0] =	vst v63  }
.LBB2_9:
0x42: {  	s2 =	simm.s32 $0x3  }
0x43: {  	_ =	swait.ge [sflag:s2], $0x3000  }
0x44: {  	[sflag:s2] =	ssyncset.done $0x0  }
0x45: {  	[sflag:s2] =	ssyncadd.s32 $0xFFFFD000  }
0x46: {  	_ =	sfence.sel $0x180000  }
0x47: {  	s3 =	simm.s32 $0x2;
	[bflag:$0x0] =	sbarrier.arrive $0xFFFF  }
0x48: {  	[sflag:s3] =	ssyncpa.u1 $0x1  }
0x49: {  	s31 =	simm.s32 $0x1;
	[sflag:s2] =	ssyncpa.u1 $0x1  }
0x4a: {  	[sflag:s31] =	ssyncpa.u1 $0x1  }
0x4b: {  	p0 =	sne.s32 s1, $0x0;
	_ =	strace $0x90000056  }
0x4c: {  	s0 =	sadd.s32 @!p0 $0x100000, s0;
	[bflag:$0x2] =	sbarrier.arrive $0xFFFF  }
0x4d: {  	[sflag:s0] =	ssyncadd.tile.s32 @!p0 $0x1;
	_ =	shalt  }
.Lfunc_end2:
_tile_overlayer_lowered:
.L_overlay_start_2:
0x4e: {  	(tag) =	ssettag $0x2  }
0x4f: {  	s0 =	rddreg [dreg:$0x0];
	s2 =	stileid.u32  }
0x50: {  	s1 =	rddreg [dreg:$0x1];
	p0 =	sne.s32 s2, $0x0  }
0x51: {  	s3 =	rddreg [dreg:$0x2];
	[bflag:$0x3] =	sbarrier.arrive $0xFFFF;
	s2 =	simm.s32 @!p0 $0x1C01  }
0x52: {  	[timem:s3], [sflag:s2] =	dma.local @!p0 [hbm:s0], s1  }
0x53: {  	s0 =	simm.s32 @!p0 $0x1  }
0x54: {  	_ =	swait.ge @!p0 [sflag:s0], s1  }
0x55: {  	s1 =	ssub.s32 @!p0 $0x0, s1;
	[sflag:s0] =	ssyncset.done @!p0 $0x0  }
0x56: {  	[sflag:s0] =	ssyncadd.s32 @!p0 s1  }
0x57: {  	[bflag:$0x3] =	sbarrier.arrive $0xFFFF  }
0x58: {  	_ =	shalt  }

// kernel: scatter_offload_async_start.1
scs
__scs_entry_jumppad:
0x0: {  	(pc) =	sbr.rel $0x88, $3  }
0x1: {  	(tag) =	ssettag $0x0;
	lr =	simm.s32 $0x1  }
0x2: {  	[smem:$0x3F93] =	sst lr;
	_ =	strace $0xD0000000  }
0x3: {  	_ = 	snop  }
0x4: {  	_ = 	snop  }
0x5: {  	_ = 	snop  }
0x6: {  	_ = 	snop  }
0x7: {  	_ = 	snop  }
__scs_overlays_trampoline_lowered:
0x8: {  	[smem:$0x3FA2] =	sst s0  }
0x9: {  	[smem:$0x3FA3] =	sst s1  }
0xa: {  	[smem:$0x3FA4] =	sst s2  }
0xb: {  	[smem:$0x3FA5] =	sst s3  }
0xc: {  	[smem:$0x3FA6] =	sst s4  }
0xd: {  	[smem:$0x3FA7] =	sst s5  }
0xe: {  	[smem:$0x3FA8] =	sst s6  }
0xf: {  	[smem:$0x3FA9] =	sst s7  }
0x10: {  	[smem:$0x3FAA] =	sst s8  }
0x11: {  	[smem:$0x3FAB] =	sst s9;
	s0 =	simm.s32 @!p0 $0x0  }
0x12: {  	s1 =	sld [smem:$0x3F91];
	s0 =	simm.s32 @p0 $0x1  }
0x13: {  	[smem:$0x3FAC] =	sst s0;
	s0 =	simm.s32 @!p1 $0x0  }
0x14: {  	s2 =	sld [smem:$0x3F90];
	s0 =	simm.s32 @p1 $0x1  }
0x15: {  	[smem:$0x3FAD] =	sst s0;
	s0 =	simm.s32 @!p2 $0x0  }
0x16: {  	s3 =	sld [smem:$0x3FDB];
	s0 =	simm.s32 @p2 $0x1  }
0x17: {  	s4 =	simm.s32 $0x1BF5;
	[smem:$0x3FAF] =	sst s0  }
0x18: {  	s0 =	sld [smem:$0x3F92];
	_ =	swait.ge [sflag:s4], $0x0  }
0x19: {  	s7 =	sld [smem:$0x3F93]  }
0x1a: {  	s8 =	sadd.s32 $0xFFFFE003, lr  }
0x1b: {  	s9 =	sadd.s32 $0xFFFFFEF7, lr;
	s5 =	simm.s32 $0xFFFFFFFF;
	p2 =	slt.u32 s8, $0xFFFFF086  }
0x1c: {  	p1 =	slt.u32 s9, $0xF7A;
	s5 =	simm.s32 @!p2 $0x0  }
0x1d: {  	s5 =	simm.s32 @p1 $0x1;
	p0 =	seq.s32 s7, s2  }
0x1e: {  	s7 =	smul.u32 @!p0 $0xF7A, s2;
	p2 =	seq.s32 @!p0 s5, $0x0  }
0x1f: {  	s9 =	smul.u32 $0xF7A, s1;
	s8 =	simm.s32 @!p0 $0x1BF5;
	p2 =	por !p2, p0  }
0x20: {  	[sflag:s8] =	ssyncset.s32 @!p0 $0xFFFFF086;
	s6 =	sadd.s32 @!p0 s3, s7;
	s7 =	simm.s32 @!p0 $0x108  }
0x21: {  	s3 =	sadd.s32 s3, s9;
	s6 =	sadd.s32 @!p0 $0x88, s6;
	s7 =	simm.s32 @p2 $0x1082  }
0x22: {  	[simem:s7], [sflag:s8] =	dma.local @!p0 [hbm:s6], $0xF7A  }
0x23: {  	s9 =	sor.u32 $0xD0000000, s2;
	s6 =	simm.s32 $0x108;
	_ =	swait.ge @!p0 [sflag:s8], $0x0  }
0x24: {  	s3 =	sadd.s32 $0x88, s3;
	s6 =	simm.s32 @!p1 $0x1082;
	[sflag:s4] =	ssyncset.s32 $0xFFFFF086  }
0x25: {  	[simem:s6], [sflag:s4] =	dma.local [hbm:s3], $0xF7A  }
0x26: {  	[smem:$0x3F93] =	sst s1;
	(tag) =	ssettag s2;
	_ =	strace s9  }
0x27: {  	s1 =	sld [smem:$0x3FA3]  }
0x28: {  	s2 =	sld [smem:$0x3FA4]  }
0x29: {  	s4 =	sld [smem:$0x3FA6]  }
0x2a: {  	p0 =	seq.s32 s5, $0x0;
	s5 =	sld [smem:$0x3FA7]  }
0x2b: {  	s6 =	sld [smem:$0x3FA8]  }
0x2c: {  	s7 =	sld [smem:$0x3FA9]  }
0x2d: {  	s3 =	simm.s32 $0x108;
	s8 =	sld [smem:$0x3FAA]  }
0x2e: {  	s3 =	simm.s32 @!p0 $0x1082;
	s9 =	sld [smem:$0x3FAB]  }
0x2f: {  	lr =	sadd.s32 s0, s3;
	s0 =	sld [smem:$0x3FA2]  }
0x30: {  	s3 =	sld [smem:$0x3FA5]  }
0x31: {  	[smem:$0x3FAE] =	sst s10  }
0x32: {  	s10 =	sld [smem:$0x3FAC];
	_ =	sdelay $0x3  }
0x33: {  	p0 =	seq.s32 s10, $0x1;
	s10 =	sld [smem:$0x3FAE];
	_ =	sdelay $0x3  }
0x34: {  	[smem:$0x3FAE] =	sst s10  }
0x35: {  	s10 =	sld [smem:$0x3FAD];
	_ =	sdelay $0x3  }
0x36: {  	p1 =	seq.s32 s10, $0x1;
	s10 =	sld [smem:$0x3FAE];
	_ =	sdelay $0x3  }
0x37: {  	[smem:$0x3FAE] =	sst s10  }
0x38: {  	s10 =	sld [smem:$0x3FAF]  }
0x39: {  	_ = 	snop;
	(pc) =	sbr.ind lr, $3  }
0x3a: {  	_ = 	snop  }
0x3b: {  	_ = 	snop  }
0x3c: {  	p2 =	seq.s32 s10, $0x1;
	s10 =	sld [smem:$0x3FAE]  }
0x3d: {  	_ =	shalt  }
0x3e: {  	_ =	shalt  }
0x3f: {  	_ =	shalt  }
0x40: {  	_ =	shalt  }
0x41: {  	_ =	shalt  }
0x42: {  	_ =	shalt  }
0x43: {  	_ =	shalt  }
0x44: {  	_ =	shalt  }
0x45: {  	_ =	shalt  }
0x46: {  	_ =	shalt  }
0x47: {  	_ =	shalt  }
0x48: {  	_ =	shalt  }
0x49: {  	_ =	shalt  }
0x4a: {  	_ =	shalt  }
0x4b: {  	_ =	shalt  }
0x4c: {  	_ =	shalt  }
0x4d: {  	_ =	shalt  }
0x4e: {  	_ =	shalt  }
0x4f: {  	_ =	shalt  }
0x50: {  	_ =	shalt  }
0x51: {  	_ =	shalt  }
0x52: {  	_ =	shalt  }
0x53: {  	_ =	shalt  }
0x54: {  	_ =	shalt  }
0x55: {  	_ =	shalt  }
0x56: {  	_ =	shalt  }
0x57: {  	_ =	shalt  }
0x58: {  	_ =	shalt  }
0x59: {  	_ =	shalt  }
0x5a: {  	_ =	shalt  }
0x5b: {  	_ =	shalt  }
0x5c: {  	_ =	shalt  }
0x5d: {  	_ =	shalt  }
0x5e: {  	_ =	shalt  }
0x5f: {  	_ =	shalt  }
0x60: {  	_ =	shalt  }
0x61: {  	_ =	shalt  }
0x62: {  	_ =	shalt  }
0x63: {  	_ =	shalt  }
0x64: {  	_ =	shalt  }
0x65: {  	_ =	shalt  }
0x66: {  	_ =	shalt  }
0x67: {  	_ =	shalt  }
0x68: {  	_ =	shalt  }
0x69: {  	_ =	shalt  }
0x6a: {  	_ =	shalt  }
0x6b: {  	_ =	shalt  }
0x6c: {  	_ =	shalt  }
0x6d: {  	_ =	shalt  }
0x6e: {  	_ =	shalt  }
0x6f: {  	_ =	shalt  }
0x70: {  	_ =	shalt  }
0x71: {  	_ =	shalt  }
0x72: {  	_ =	shalt  }
0x73: {  	_ =	shalt  }
0x74: {  	_ =	shalt  }
0x75: {  	_ =	shalt  }
0x76: {  	_ =	shalt  }
0x77: {  	_ =	shalt  }
0x78: {  	_ =	shalt  }
0x79: {  	_ =	shalt  }
0x7a: {  	_ =	shalt  }
0x7b: {  	_ =	shalt  }
0x7c: {  	_ =	shalt  }
0x7d: {  	_ =	shalt  }
0x7e: {  	_ =	shalt  }
0x7f: {  	_ =	shalt  }
0x80: {  	_ =	shalt  }
0x81: {  	_ =	shalt  }
0x82: {  	_ =	shalt  }
0x83: {  	_ =	shalt  }
0x84: {  	_ =	shalt  }
0x85: {  	_ =	shalt  }
0x86: {  	_ =	shalt  }
0x87: {  	_ =	shalt  }
.Lfunc_end0:
.L_simem_size_0:
called_computation.1_lowered:
.L_overlay_start_0:
0x88: {  	s0 =	sld [smem:$0x3FD9]  }
0x89: {  	s1 =	sld [smem:$0x3FFE];
	_ =	sdelay $0x3  }
0x8a: {  	s0 =	sadd.s32 s1, s0  }
0x8b: {  	[smem:$0x3FBA] =	sst s0  }
0x8c: {  	_ = 	snop  }
0x8d: {  	s0 =	sld [smem:$0x3FD0];
	_ =	sdelay $0x2  }
0x8e: {  	s12 =	simm.s32 $0xB;
	s2 =	simm.s32 $0x10  }
0x8f: {  	[smem:s2], [sflag:s12] =	dma.local [hbm:s0], $0x1  }
0x90: {  	_ =	swait.eq [sflag:s12], $0x1  }
0x91: {  	[sflag:s12] =	ssyncset.done $0x0  }
0x92: {  	[sflag:s12] =	ssyncadd.s32 $0xFFFFFFFF  }
0x93: {  	s13 =	sld [smem:$0x10];
	(tm) =	ssettm $0x1  }
0x94: {  	s14 =	sld [smem:$0x3FFB];
	_ =	sdelay $0x3  }
0x95: {  	_ =	strace s14  }
0x96: {  	s0 =	sld [smem:$0x3FFC];
	_ =	sdelay $0x3  }
0x97: {  	_ =	strace s0  }
0x98: {  	s0 =	sld [smem:$0x3FFD];
	_ =	sdelay $0x3  }
0x99: {  	_ =	strace s0  }
0x9a: {  	_ =	strace $0x8FFFFFFF  }
0x9b: {  	s15 =	sld [smem:$0x3FDB];
	_ =	sdelay $0x1  }
0x9c: {  	s16 =	simm.s32 $_scs_section_size  }
0x9d: {  	s3 =	simm.s32 $_size__tile_overlayer_lowered;
	s4 =	simm.s32 $_tile_overlayer_lowered  }
0x9e: {  	s5 =	simm.s32 $0x1BFF;
	s17 =	sshll.u32 s4, $0x1;
	s2 =	sadd.s32 s16, s15  }
0x9f: {  	s18 =	simm.s32 $0x0;
	s3 =	sshll.u32 s3, $0x1;
	s4 =	sadd.s32 s17, s2  }
0xa0: {  	[timem:s18], [sflag:s5] =	dma.local [hbm:s4], s3  }
0xa1: {  	_ =	swait.ge [sflag:s5], s3  }
0xa2: {  	s3 =	ssub.s32 $0x0, s3;
	[sflag:s5] =	ssyncset.done $0x0  }
0xa3: {  	[sflag:s5] =	ssyncadd.s32 s3;
	_ =	sdelay $0x1  }
0xa4: {  	s19 =	simm.s32 $0x1B8B  }
0xa5: {  	_ =	swait.ge [sflag:s19], $0x1  }
0xa6: {  	[sflag:s19] =	ssyncset.done $0x0  }
0xa7: {  	s21 =	simm.s32 $0x1B8E;
	s20 =	sld [smem:$0x3FFE];
	[sflag:s19] =	ssyncadd.s32 $0xFFFFFFFF  }
0xa8: {  	s22 =	simm.s32 $execute0_lowered;
	[smem:$0x3FD2] =	sst s21  }
0xa9: {  	s4 =	sshll.u32 s22, $0x1;
	_ =	strace $0x80000049;
	[dreg:$0x1] =	wrdreg $0xFFFFFFFF  }
0xaa: {  	s23 =	simm.s32 $_size_execute0_lowered;
	s4 =	sadd.s32 s2, s4;
	[dreg:$0x0] =	wrdreg $0x0  }
0xab: {  	s5 =	sshll.u32 s23, $0x1;
	[dreg:$0x2] =	wrdreg s4  }
0xac: {  	[dreg:$0x3] =	wrdreg s5  }
0xad: {  	[dreg:$0x4] =	wrdreg $0xC0  }
0xae: {  	s24 =	simm.s32 $execute1_lowered;
	_ =	task [dreg:s18], $0x5FFFF  }
0xaf: {  	s4 =	sshll.u32 s24, $0x1;
	[dreg:$0x1] =	wrdreg $0xFFFFFFFF  }
0xb0: {  	s2 =	sadd.s32 s2, s4;
	[dreg:$0x0] =	wrdreg $0x60  }
0xb1: {  	[dreg:$0x2] =	wrdreg s2  }
0xb2: {  	[dreg:$0x3] =	wrdreg s13  }
0xb3: {  	[dreg:$0x4] =	wrdreg s20  }
0xb4: {  	[dreg:$0x5] =	wrdreg $0x9  }
0xb5: {  	_ =	task.clear_ibuf [dreg:s18], $0x6FFFF;
	_ =	strace $0x90000049  }
0xb6: {  	s25 =	simm.s32 $0x9;
	_ =	strace $0x8000004B  }
0xb7: {  	_ =	swait.ge [sflag:s25], $0x1  }
0xb8: {  	[sflag:s25] =	ssyncadd.s32 $0xFFFFFFFF  }
0xb9: {  	_ =	strace $0x9000004B  }
0xba: {  	_ =	strace $0x8000004C;
	[dreg:$0x1] =	wrdreg $0xFFFFFFFF  }
0xbb: {  	[dreg:$0x0] =	wrdreg $0x2030  }
0xbc: {  	[dreg:$0x2] =	wrdreg s20  }
0xbd: {  	[dreg:$0x3] =	wrdreg $0xA  }
0xbe: {  	_ =	task.clear_ibuf [dreg:s18], $0x4FFFF;
	_ =	strace $0x9000004C  }
0xbf: {  	s26 =	simm.s32 $0xA;
	_ =	strace $0x8000004E  }
0xc0: {  	_ =	swait.ge [sflag:s26], $0x1  }
0xc1: {  	[sflag:s26] =	ssyncadd.s32 $0xFFFFFFFF  }
0xc2: {  	_ =	strace $0x9000004E  }
0xc3: {  	_ =	sfence  }
0xc4: {  	s28 =	sld [smem:$0x0];
	_ =	sdelay $0x1  }
0xc5: {  	s29 =	srdreg.scid  }
0xc6: {  	s30 =	sshll.u32 s29, $0xD;
	s31 =	sshrl.u32 s29, $0x2  }
0xc7: {  	s3 =	sand.u32 $0x4000, s30;
	s2 =	sand.u32 $0x1, s29;
	s1 =	sadd.s32 s31, s28  }
0xc8: {  	s2 =	sor.u32 s3, s2;
	s1 =	sshll.u32 s1, $0x11  }
0xc9: {  	s1 =	sor.u32 s1, s2  }
0xca: {  	s1 =	sadd.s32 $0x8F2B, s1  }
0xcb: {  	[sflag:s1] =	ssyncadd.remote.s32 $0x1  }
0xcc: {  	_ =	sfence.sel $0xFFFF  }
0xcd: {  	[dreg:$0x0] =	wrdreg $0xFFFFFFFF;
	(pc) =	sbr.abs _section_cstart, $3  }
0xce: {  	[dreg:$0x1] =	wrdreg $0xFFFFFFFF  }
0xcf: {  	_ =	task.clear_ibuf [dreg:s18], $0x2FFFF;
	_ =	strace $0x9FFFFFFF  }
0xd0: {  	(tm) =	ssettm $0x7FFFFFFF  }
0xd1: {  	_ =	shalt  }
tec
execute0_lowered:
.L_overlay_start_1:
0x0: {  	(tag) =	ssettag $0x1  }
0x1: {  	s3 =	rddreg [dreg:$0x0]  }
0x2: {  	s2 =	rddreg [dreg:$0x1]  }
0x3: {  	s4 =	rddreg [dreg:$0x2]  }
0x4: {  	s0 =	rddreg [dreg:$0x3];
	s5 =	stileid.u32;
	[bflag:$0x3] =	sbarrier.arrive $0xFFFF  }
0x5: {  	s1 =	simm.s32 $_size_execute1_lowered;
	s31 =	simm.s32 $0x2;
	p0 =	sne.s32 s5, $0x0  }
0x6: {  	s1 =	sshll.u32 s1, $0x1;
	s6 =	simm.s32 @!p0 $0x1C3F;
	s7 =	simm.s32 @!p0 $0x4060  }
0x7: {  	[timem:s7], [sflag:s6] =	dma.local @!p0 [hbm:s3], s1  }
.Ltmp0:
0x8: {  	s8 =	simm.s32 $0x0;
	s12 =	simm.s32 $0x0;
	(pc) =	sbr.rel .LBB2_1-.Ltmp0, $4  }
0x9: {  	s10 =	simm.s32 $0x0;
	s11 =	simm.s32 $0x0;
	s3 =	sshll.u32 s5, $0x7  }
0xa: {  	s5 =	simm.s32 $0x1;
	_ =	strace $0x8000004A;
	s30 =	ssub.s32 $0x2700, s3  }
0xb: {  	s4 =	sadd.s32 $0x552A00, s4;
	[sflag:s5] =	ssyncpa.u1 $0x0;
	s6 =	sshrl.u32 s30, $0xB  }
0xc: {  	s9 =	smov.u32 s3;
	[sflag:s31] =	ssyncpa.u1 $0x0;
	s7 =	sadd.s32 $0x2, s6  }
.LBB2_4:
0xd: {  	_ = 	snop  }
.LBB2_7:
0xe: {  	_ =	sdelay $0x3  }
0xf: {  	[tilespmem:v0+s16+$0x0 ss:$0x1] =	vst.idx.msk @p1 $0xffff, v2  }
0x10: {  	v56 =	vld.idx.msk [tilespmem:v1+s15+$0x0 ss:$0x1], $0xffff;
	s24 =	sor.u32 $0x70, s15;
	[tilespmem:v0+s17+$0x0 ss:$0x1] =	vst.idx.msk @p1 $0xffff, v4  }
0x11: {  	s25 =	sor.u32 $0x10, s15;
	[tilespmem:v0+s18+$0x0 ss:$0x1] =	vst.idx.msk @p1 $0xffff, v3;
	v57 =	vld.idx.msk [tilespmem:v1+s24+$0x0 ss:$0x1], $0xffff  }
0x12: {  	s26 =	sor.u32 $0x20, s15;
	[tilespmem:v0+s19+$0x0 ss:$0x1] =	vst.idx.msk @p1 $0xffff, v5;
	v58 =	vld.idx.msk [tilespmem:v1+s25+$0x0 ss:$0x1], $0xffff  }
0x13: {  	s28 =	sor.u32 $0x30, s15;
	[tilespmem:v0+s20+$0x0 ss:$0x1] =	vst.idx.msk @p1 $0xffff, v6;
	v59 =	vld.idx.msk [tilespmem:v1+s26+$0x0 ss:$0x1], $0xffff  }
0x14: {  	s29 =	sor.u32 $0x40, s15;
	[tilespmem:v0+s21+$0x0 ss:$0x1] =	vst.idx.msk @p1 $0xffff, v7;
	v60 =	vld.idx.msk [tilespmem:v1+s28+$0x0 ss:$0x1], $0xffff  }
0x15: {  	s30 =	sor.u32 $0x50, s15;
	v61 =	vld.idx.msk [tilespmem:v1+s29+$0x0 ss:$0x1], $0xffff;
	[tilespmem:v0+s15+$0x0 ss:$0x1] =	vst.idx.msk $0xffff, v56  }
0x16: {  	s31 =	sor.u32 $0x60, s15;
	v62 =	vld.idx.msk [tilespmem:v1+s30+$0x0 ss:$0x1], $0xffff;
	[tilespmem:v0+s24+$0x0 ss:$0x1] =	vst.idx.msk $0xffff, v57  }
0x17: {  	v63 =	vld.idx.msk [tilespmem:v1+s31+$0x0 ss:$0x1], $0xffff;
	[tilespmem:v0+s25+$0x0 ss:$0x1] =	vst.idx.msk $0xffff, v58  }
0x18: {  	[tilespmem:v0+s26+$0x0 ss:$0x1] =	vst.idx.msk $0xffff, v59  }
0x19: {  	[tilespmem:v0+s28+$0x0 ss:$0x1] =	vst.idx.msk $0xffff, v60  }
0x1a: {  	[tilespmem:v0+s29+$0x0 ss:$0x1] =	vst.idx.msk $0xffff, v61  }
0x1b: {  	[tilespmem:v0+s30+$0x0 ss:$0x1] =	vst.idx.msk $0xffff, v62  }
0x1c: {  	[tilespmem:v0+s31+$0x0 ss:$0x1] =	vst.idx.msk $0xffff, v63  }
.LBB2_8:
0x1d: {  	s15 =	sand.u32 $0x1FFFFFF, s10  }
0x1e: {  	s16 =	smulhi.u32 $0x1A36E2F, s15;
	_ =	sdelay $0x1  }
0x1f: {  	s16 =	sshrl.u32 s16, $0x6  }
0x20: {  	s16 =	smul.u32 $0x2710, s16;
	_ =	sdelay $0x1  }
0x21: {  	s15 =	ssub.s32 s15, s16  }
0x22: {  	s15 =	sshll.u32 s15, $0x4  }
0x23: {  	s15 =	sadd.s32 s4, s15  }
0x24: {  	[hbm4b:s15+s8] =	stream.linear.scatter [tilespmem:s14], [sflag:$0x2], s13, $0x38;
	[tilespmem:$0x10000] =	vst v63  }
.LBB2_9:
0x25: {  	p1 =	slt.u32 s11, $0x2  }
0x26: {  	p2 =	sgt.s32 @!p1 s12, $0x2690  }
0x27: {  	s13 =	smov.u32 s12;
	s14 =	sshra.s32 @!p1 s12, $0x1F;
	p2 =	por !p2, p1  }
0x28: {  	s12 =	sand.u32 @!p1 s14, s12;
	s13 =	simm.s32 @p2 $0x2690  }
0x29: {  	s12 =	ssub.s32 @!p1 s13, s12  }
0x2a: {  	s12 =	sadd.s32 @!p1 $0xFFFFD970, s12  }
0x2b: {  	s13 =	sshll.u32 @!p1 s12, $0x9  }
0x2c: {  	p2 =	sgt.s32 @!p1 s12, $0x7F;
	s12 =	ssub.s32 @!p1 $0x10000, s13  }
0x2d: {  	s14 =	sadd.s32 $0x800, s9;
	p2 =	por !p2, p1;
	s12 =	sshrl.u32 @!p1 s12, $0x2  }
0x2e: {  	s12 =	simm.s32 @!p2 $0x0;
	p2 =	sgt.s32 s14, $0x270F  }
0x2f: {  	s14 =	smov.u32 @p2 s3;
	p2 =	sne.s32 s11, s7  }
.Ltmp1:
0x30: {  	_ = 	snop;
	(pc) =	sbr.rel @!p2 .LBB2_10-.Ltmp1, $4  }
0x31: {  	s13 =	simm.s32 @!p1 $0x2  }
0x32: {  	_ =	swait.ge @!p1 [sflag:s13], s12;
	s15 =	ssub.s32 @!p1 $0x0, s12  }
0x33: {  	s12 =	smov.u32 s10;
	s11 =	sadd.s32 $0x1, s11;
	[sflag:s13] =	ssyncset.done @!p1 $0x0  }
0x34: {  	s10 =	smov.u32 s9;
	s9 =	smov.u32 s14;
	[sflag:s13] =	ssyncadd.s32 @!p1 s15  }
.LBB2_1:
0x35: {  	p1 =	sgt.u32 s11, s6  }
0x36: {  	s13 =	sand.u32 @!p1 $0x1FFFFFF, s9  }
0x37: {  	p2 =	sgt.s32 @!p1 s9, $0x2690;
	s14 =	smulhi.u32 @!p1 $0x1A36E2F, s13  }
0x38: {  	s15 =	smov.u32 s9;
	s16 =	sshra.s32 @!p1 s9, $0x1F;
	p2 =	por !p2, p1  }
0x39: {  	s16 =	sand.u32 @!p1 s16, s9;
	s15 =	simm.s32 @p2 $0x2690;
	s14 =	sshrl.u32 @!p1 s14, $0x6  }
0x3a: {  	s15 =	ssub.s32 @!p1 s15, s16;
	s14 =	smul.u32 @!p1 $0x2710, s14  }
0x3b: {  	s16 =	sxor.u32 @!p1 $0xFFFFFFFF, s11;
	s15 =	sadd.s32 @!p1 $0xFFFFD970, s15  }
0x3c: {  	s16 =	sshll.u32 @!p1 s16, $0xE;
	s13 =	ssub.s32 @!p1 s13, s14;
	s14 =	sshll.u32 @!p1 s15, $0x9  }
0x3d: {  	s16 =	sand.u32 @!p1 $0x4000, s16;
	p2 =	sgt.s32 @!p1 s15, $0x7F;
	s14 =	ssub.s32 @!p1 $0x10000, s14  }
0x3e: {  	p2 =	por !p2, p1;
	s13 =	sshll.u32 @!p1 s13, $0x4;
	s14 =	sshrl.u32 @!p1 s14, $0x2  }
0x3f: {  	s15 =	simm.s32 @!p1 $0x0;
	s13 =	sadd.s32 @!p1 s2, s13;
	s14 =	simm.s32 @!p2 $0x0  }
0x40: {  	[tilespmem:s16], [sflag:$0x1] =	stream.linear.gather @!p1 [hbm4b:s13+s15], s14, $0x38;
	[tilespmem:$0x10000] =	vst v63  }
0x41: {  	p1 =	seq.s32 s11, $0x0  }
0x42: {  	p2 =	sge.u32 @!p1 s11, s7  }
0x43: {  	p1 =	por p1, p2  }
.Ltmp2:
0x44: {  	_ = 	snop;
	(pc) =	sbr.rel @p1 .LBB2_9-.Ltmp2, $1  }
0x45: {  	_ =	sdelay $0x3  }
0x46: {  	p1 =	sgt.s32 s10, $0x2690;
	s13 =	smov.u32 s10;
	s14 =	sshra.s32 s10, $0x1F  }
0x47: {  	s13 =	simm.s32 @!p1 $0x2690;
	s14 =	sand.u32 s14, s10  }
0x48: {  	s13 =	ssub.s32 s13, s14  }
0x49: {  	s13 =	sadd.s32 $0xFFFFD970, s13  }
0x4a: {  	s31 =	sshll.u32 s13, $0x9  }
0x4b: {  	s14 =	ssub.s32 $0x10000, s31  }
0x4c: {  	p1 =	sgt.s32 s13, $0x7F;
	s13 =	sshrl.u32 s14, $0x2;
	s14 =	sadd.s32 $0x80, s10  }
0x4d: {  	s13 =	simm.s32 @p1 $0x0;
	p1 =	slt.s32 s14, $0x2710  }
0x4e: {  	s14 =	simm.s32 @!p1 $0x2710  }
0x4f: {  	s16 =	ssub.s32 s14, s10  }
0x50: {  	p1 =	slt.s32 s16, $0x1  }
.Ltmp3:
0x51: {  	_ = 	snop;
	(pc) =	sbr.rel @p1 .LBB2_8-.Ltmp3, $4  }
0x52: {  	_ = 	snop  }
0x53: {  	s15 =	sshll.u32 s11, $0xE;
	_ =	swait.ge [sflag:s5], s13  }
0x54: {  	s15 =	sand.u32 $0x4000, s15;
	s17 =	ssub.s32 $0x0, s13;
	[sflag:s5] =	ssyncset.done $0x0  }
0x55: {  	s14 =	sor.u32 $0x8000, s15;
	[sflag:s5] =	ssyncadd.s32 s17  }
0x56: {  	p2 =	sne.s32 s16, $0x1  }
.Ltmp4:
0x57: {  	v1 =	vmov s15;
	v0 =	vmov s14;
	(pc) =	sbr.rel @!p2 .LBB2_4-.Ltmp4, $3  }
0x58: {  	_ =	sdelay $0x1  }
0x59: {  	s17 =	simm.s32 $0x0  }
0x5a: {  	s23 =	sadd.s32 $0xFFFFFFFF, s16;
	p1 =	por $0x0, $0x0;
	s15 =	sand.u32 $0x3F80, s17  }
0x5b: {  	_ =	sdelay $0x3  }
0x5c: {  	v6 =	vld.idx.msk [tilespmem:v1+s15+$0x0 ss:$0x1], $0xffff;
	s24 =	sor.u32 $0x70, s15  }
0x5d: {  	s16 =	sor.u32 $0x10, s15;
	v8 =	vld.idx.msk [tilespmem:v1+s24+$0x0 ss:$0x1], $0xffff  }
0x5e: {  	s17 =	sor.u32 $0x20, s15;
	p2 =	sne.s32 s23, $0x1;
	v2 =	vld.idx.msk [tilespmem:v1+s16+$0x0 ss:$0x1], $0xffff  }
.Ltmp5:
0x5f: {  	s18 =	sor.u32 $0x30, s15;
	v4 =	vld.idx.msk [tilespmem:v1+s17+$0x0 ss:$0x1], $0xffff;
	(pc) =	sbr.rel @!p2 .LBB2_7-.Ltmp5, $4  }
0x60: {  	s19 =	sor.u32 $0x40, s15;
	v3 =	vld.idx.msk [tilespmem:v1+s18+$0x0 ss:$0x1], $0xffff  }
0x61: {  	s21 =	sor.u32 $0x60, s15;
	v5 =	vld.idx.msk [tilespmem:v1+s19+$0x0 ss:$0x1], $0xffff  }
0x62: {  	s20 =	sor.u32 $0x50, s15;
	s22 =	simm.s32 $0x80;
	v7 =	vld.idx.msk [tilespmem:v1+s21+$0x0 ss:$0x1], $0xffff;
	[tilespmem:v0+s15+$0x0 ss:$0x1] =	vst.idx.msk $0xffff, v6  }
0x63: {  	s23 =	sadd.s32 $0xFFFFFFFF, s23;
	p1 =	por $0x1, $0x1;
	v6 =	vld.idx.msk [tilespmem:v1+s20+$0x0 ss:$0x1], $0xffff;
	s15 =	sand.u32 $0x3F80, s22;
	[tilespmem:v0+s24+$0x0 ss:$0x1] =	vst.idx.msk $0xffff, v8  }
.LBB2_6:
0x64: {  	p2 =	sne.s32 s23, $0x1;
	v8 =	vld.idx.msk [tilespmem:v1+s15+$0x0 ss:$0x1], $0xffff;
	s24 =	sor.u32 $0x70, s15;
	[tilespmem:v0+s16+$0x0 ss:$0x1] =	vst.idx.msk $0xffff, v2;
	s16 =	sor.u32 $0x10, s15  }
0x65: {  	s25 =	sor.u32 $0x30, s15;
	s26 =	sor.u32 $0x40, s15;
	v9 =	vld.idx.msk [tilespmem:v1+s24+$0x0 ss:$0x1], $0xffff;
	[tilespmem:v0+s17+$0x0 ss:$0x1] =	vst.idx.msk $0xffff, v4;
	s17 =	sor.u32 $0x20, s15  }
0x66: {  	s28 =	sor.u32 $0x50, s15;
	s29 =	sor.u32 $0x60, s15;
	v2 =	vld.idx.msk [tilespmem:v1+s16+$0x0 ss:$0x1], $0xffff;
	[tilespmem:v0+s18+$0x0 ss:$0x1] =	vst.idx.msk $0xffff, v3;
	s18 =	smov.u32 s25  }
.Ltmp6:
0x67: {  	v4 =	vld.idx.msk [tilespmem:v1+s17+$0x0 ss:$0x1], $0xffff;
	[tilespmem:v0+s19+$0x0 ss:$0x1] =	vst.idx.msk $0xffff, v5;
	s19 =	smov.u32 s26;
	(pc) =	sbr.rel @p2 .LBB2_6-.Ltmp6, $4  }
0x68: {  	v3 =	vld.idx.msk [tilespmem:v1+s18+$0x0 ss:$0x1], $0xffff;
	[tilespmem:v0+s20+$0x0 ss:$0x1] =	vst.idx.msk $0xffff, v6;
	s20 =	smov.u32 s28  }
0x69: {  	v5 =	vld.idx.msk [tilespmem:v1+s19+$0x0 ss:$0x1], $0xffff;
	[tilespmem:v0+s21+$0x0 ss:$0x1] =	vst.idx.msk $0xffff, v7;
	s21 =	smov.u32 s29  }
0x6a: {  	s22 =	sadd.s32 $0x80, s22;
	[tilespmem:v0+s15+$0x0 ss:$0x1] =	vst.idx.msk $0xffff, v8;
	v6 =	vld.idx.msk [tilespmem:v1+s20+$0x0 ss:$0x1], $0xffff  }
0x6b: {  	s23 =	sadd.s32 $0xFFFFFFFF, s23;
	s15 =	sand.u32 $0x3F80, s22;
	v7 =	vld.idx.msk [tilespmem:v1+s21+$0x0 ss:$0x1], $0xffff;
	[tilespmem:v0+s24+$0x0 ss:$0x1] =	vst.idx.msk $0xffff, v9  }
.Ltmp7:
0x6c: {  	_ = 	snop;
	(pc) =	sbr.rel .LBB2_7-.Ltmp7, $1  }
0x6d: {  	_ =	sdelay $0x3  }
.LBB2_10:
0x6e: {  	_ =	sfence.sel $0x180000  }
0x6f: {  	s2 =	simm.s32 $0x1;
	[bflag:$0x0] =	sbarrier.arrive $0xFFFF  }
0x70: {  	s31 =	simm.s32 $0x2;
	[sflag:s2] =	ssyncpa.u1 $0x1  }
0x71: {  	[sflag:s31] =	ssyncpa.u1 $0x1  }
0x72: {  	_ =	strace $0x9000004A  }
0x73: {  	s0 =	sadd.s32 @!p0 $0x100000, s0;
	[bflag:$0x2] =	sbarrier.arrive $0xFFFF  }
0x74: {  	[sflag:s0] =	ssyncadd.tile.s32 @!p0 $0x1;
	s0 =	simm.s32 @!p0 $0x3F  }
0x75: {  	_ =	swait.ge @!p0 [sflag:s0], s1  }
0x76: {  	s1 =	ssub.s32 @!p0 $0x0, s1;
	[sflag:s0] =	ssyncset.done @!p0 $0x0  }
0x77: {  	[sflag:s0] =	ssyncadd.s32 @!p0 s1  }
0x78: {  	[bflag:$0x3] =	sbarrier.arrive $0xFFFF  }
0x79: {  	_ =	shalt  }
.Lfunc_end2:
execute1_lowered:
.L_overlay_start_2:
0x7a: {  	(tag) =	ssettag $0x2  }
0x7b: {  	s0 =	rddreg [dreg:$0x0];
	_ =	strace $0x8000004D;
	s1 =	simm.s32 $0x1  }
0x7c: {  	s8 =	simm.s32 $0x108;
	v0 =	vimm.s32 $0x0;
	[sflag:s1] =	ssyncpa.u1 $0x0  }
0x7d: {  	[tilespmem:s8+$0x70] =	vst v0  }
0x7e: {  	[tilespmem:s8+$0x60] =	vst v0  }
0x7f: {  	[tilespmem:s8+$0x50] =	vst v0  }
0x80: {  	[tilespmem:s8+$0x40] =	vst v0  }
0x81: {  	[tilespmem:s8+$0x30] =	vst v0  }
0x82: {  	s2 =	simm.s32 $0x40;
	s1 =	sadd.s32 $0x552A00, s0;
	[tilespmem:s8+$0x20] =	vst v0  }
0x83: {  	s3 =	sadd.s32 $0x35400, s0;
	s4 =	sadd.s32 $0x49800, s0;
	s5 =	sadd.s32 $0x3F600, s0;
	[tilespmem:s8+$0x10] =	vst v0  }
.LBB3_1:
0x84: {  	s2 =	sadd.s32 $0x40, s2;
	[tilespmem:s8+$0x0] =	vst v0;
	s8 =	sadd.s32 $0x80, s8  }
0x85: {  	p0 =	slt.u32 s2, $0x3C40;
	[tilespmem:s8+$0x70] =	vst v0  }
0x86: {  	[tilespmem:s8+$0x60] =	vst v0  }
.Ltmp8:
0x87: {  	[tilespmem:s8+$0x50] =	vst v0;
	(pc) =	sbr.rel @p0 .LBB3_1-.Ltmp8, $4  }
0x88: {  	[tilespmem:s8+$0x40] =	vst v0  }
0x89: {  	[tilespmem:s8+$0x30] =	vst v0  }
0x8a: {  	[tilespmem:s8+$0x20] =	vst v0  }
0x8b: {  	[tilespmem:s8+$0x10] =	vst v0  }
0x8c: {  	s13 =	stileid.u32  }
0x8d: {  	s0 =	simm.s32 $0x4FB0;
	s6 =	smul.u32 $0x50A0, s13;
	p0 =	seq.s32 s13, $0xF  }
0x8e: {  	s0 =	simm.s32 @!p0 $0x50A0  }
0x8f: {  	s0 =	sadd.s32 s6, s0  }
0x90: {  	s7 =	smin.u32 s0, $0x50910  }
0x91: {  	s0 =	ssub.s32 s7, s6  }
0x92: {  	p0 =	sgt.s32 s0, $0x0  }
0x93: {  	s0 =	simm.s32 @!p0 $0x0  }
0x94: {  	s2 =	simm.s32 $0x2;
	s9 =	simm.s32 $0x7;
	s31 =	smulhi.u32 $0x1111112, s0  }
0x95: {  	s10 =	simm.s32 $0x8;
	s19 =	simm.s32 $0x0;
	s15 =	simm.s32 $0xA  }
0x96: {  	s17 =	simm.s32 $0x0;
	s18 =	simm.s32 $0x0;
	s11 =	smul.u32 $0xF0, s31  }
.Ltmp9:
0x97: {  	[tilespmem:s8+$0x0] =	vst v0;
	v0 =	vimm.s32 $0xFFFFFFFF;
	[sflag:s2] =	ssyncpa.u1 $0x0;
	s13 =	sshll.u32 s13, $0x8;
	(pc) =	sbr.rel .LBB3_3-.Ltmp9, $4  }
0x98: {  	[tilespmem:$0xF208] =	vst v0;
	[sflag:s9] =	ssyncpa.u1 $0x0;
	p0 =	sne.s32 s0, s11;
	s0 =	simm.s32 $0x1  }
0x99: {  	[sflag:s10] =	ssyncpa.u1 $0x0;
	s10 =	simm.s32 $0x9;
	s0 =	simm.s32 @!p0 $0x0  }
0x9a: {  	s16 =	smov.u32 s6;
	[sflag:s10] =	ssyncpa.u1 $0x0;
	s12 =	sadd.s32 s0, s31  }
0x9b: {  	v0 =	vlaneseq.u32;
	s11 =	simm.s32 $0x1;
	p0 =	por $0x0, $0x0;
	s14 =	sadd.s32 $0x1, s12  }
.LBB3_18:
0x9c: {  	s0 =	sshrl.u32 s28, $0x2  }
.LBB3_20:
0x9d: {  	_ =	swait.ge [sflag:s15], s0  }
0x9e: {  	s31 =	ssub.s32 $0x0, s0;
	v1 =	vmov s21;
	vm0 =	veq.s32 v0, $0x0;
	[sflag:s15] =	ssyncset.done $0x0  }
0x9f: {  	vm15 =	veq.s32 v0, $0x2;
	v1 =	vsel vm0, s26, v1;
	[sflag:s15] =	ssyncadd.s32 s31  }
0xa0: {  	v1 =	vsel vm15, s19, v1;
	[sflag:s15] =	ssyncpa.u1 $0x1  }
0xa1: {  	[tilespmem:$0xF208] =	vst v1  }
.LBB3_21:
0xa2: {  	s0 =	sadd.s32 $0xF0, s16  }
0xa3: {  	s2 =	smov.u32 s6;
	p1 =	slt.s32 s0, s7  }
0xa4: {  	s2 =	smov.u32 @p1 s0;
	p1 =	sne.s32 s18, s14  }
.Ltmp10:
0xa5: {  	_ = 	snop;
	(pc) =	sbr.rel @!p1 .LBB3_22-.Ltmp10, $3  }
0xa6: {  	_ =	sdelay $0x1  }
0xa7: {  	s19 =	smov.u32 s17;
	s31 =	sadd.s32 $0x1, s18;
	s17 =	smov.u32 s16  }
0xa8: {  	p0 =	por !p0, !p0;
	s18 =	smov.u32 s31;
	s16 =	smov.u32 s2  }
.LBB3_3:
0xa9: {  	p1 =	sge.u32 s18, s12  }
0xaa: {  	s0 =	smulhi.u32 @!p1 $0xAAAAAAAB, s18  }
0xab: {  	s2 =	smov.u32 s16;
	p2 =	sgt.s32 @!p1 s16, $0x50820  }
0xac: {  	s20 =	sshra.s32 @!p1 s16, $0x1F;
	p2 =	por !p2, p1;
	s0 =	sshrl.u32 @!p1 s0, $0x1  }
0xad: {  	s20 =	sand.u32 @!p1 s20, s16;
	s2 =	simm.s32 @p2 $0x50820;
	s0 =	smul.u32 @!p1 $0x3, s0  }
0xae: {  	s2 =	ssub.s32 @!p1 s2, s20  }
0xaf: {  	s2 =	sadd.s32 @!p1 $0xFFFAF7E0, s2;
	s0 =	ssub.s32 @!p1 s18, s0  }
0xb0: {  	s20 =	sshll.u32 @!p1 s2, $0x2;
	p2 =	sgt.s32 @!p1 s2, $0xEF;
	s0 =	smul.u32 @!p1 $0x3C0, s0  }
0xb1: {  	s21 =	sand.u32 @!p1 $0x7, s16;
	s2 =	ssub.s32 @!p1 $0x3C0, s20;
	p2 =	por !p2, p1  }
0xb2: {  	s20 =	sshrl.u32 @!p1 s16, $0x3;
	s2 =	sshrl.u32 @!p1 s2, $0x2;
	s0 =	sshrl.u32 @!p1 s0, $0x2  }
0xb3: {  	s20 =	sadd.s32 @!p1 s5, s20;
	s2 =	simm.s32 @!p2 $0x0;
	s0 =	sadd.s32 @!p1 $0x10238, s0  }
0xb4: {  	[tilespmem:s0], [sflag:$0x8] =	stream.linear.gather @!p1 [hbm4b:s20+s21], s2, $0x38;
	[tilespmem:$0x1F6E8] =	vst v63  }
0xb5: {  	s0 =	sadd.s32 $0xFFFFFFFF, s18  }
0xb6: {  	p1 =	sge.u32 s0, s12  }
0xb7: {  	p2 =	sgt.s32 @!p1 s17, $0x50820  }
0xb8: {  	s2 =	smov.u32 s17;
	s20 =	sshra.s32 @!p1 s17, $0x1F;
	p2 =	por !p2, p1  }
0xb9: {  	s20 =	sand.u32 @!p1 s20, s17;
	s2 =	simm.s32 @p2 $0x50820  }
0xba: {  	s2 =	ssub.s32 @!p1 s2, s20  }
0xbb: {  	s2 =	sadd.s32 @!p1 $0xFFFAF7E0, s2  }
0xbc: {  	s21 =	smulhi.u32 @!p1 $0xAAAAAAAB, s0;
	s22 =	sand.u32 @!p1 $0x1, s0;
	s20 =	sshll.u32 @!p1 s2, $0x2  }
0xbd: {  	s24 =	smul.u32 @!p1 $0x3C0, s22;
	p2 =	sgt.s32 @!p1 s2, $0xEF;
	s2 =	ssub.s32 @!p1 $0x3C0, s20  }
0xbe: {  	p2 =	por !p2, p1;
	s20 =	sshrl.u32 @!p1 s21, $0x1;
	s2 =	sshrl.u32 @!p1 s2, $0x2  }
0xbf: {  	s21 =	simm.s32 @!p1 $0x8;
	s20 =	smul.u32 @!p1 $0x3, s20;
	s2 =	simm.s32 @!p2 $0x0  }
0xc0: {  	s22 =	smul.u32 @!p1 $0x1E000, s22;
	_ =	swait.ge @!p1 [sflag:s21], s2;
	s23 =	ssub.s32 @!p1 $0x0, s2  }
0xc1: {  	s0 =	ssub.s32 @!p1 s0, s20;
	s20 =	sshrl.u32 @!p1 s17, $0x3;
	[sflag:s21] =	ssyncset.done @!p1 $0x0  }
0xc2: {  	s20 =	sadd.s32 @!p1 s3, s20;
	[sflag:s21] =	ssyncadd.s32 @!p1 s23;
	s21 =	sshrl.u32 @!p1 s24, $0x2  }
0xc3: {  	s0 =	smul.u32 @!p1 $0x3C0, s0;
	s23 =	sand.u32 @!p1 $0x7, s17;
	s21 =	sor.u32 @!p1 $0x10508, s21  }
0xc4: {  	[tilespmem:s21], [sflag:$0x9] =	stream.linear.gather @!p1 [hbm4b:s20+s23], s2, $0x38;
	[tilespmem:$0x1F6E8] =	vst v63  }
0xc5: {  	s0 =	sshrl.u32 @!p1 s0, $0x2;
	s2 =	sshrl.u32 @!p1 s22, $0x2  }
0xc6: {  	s0 =	sadd.s32 @!p1 $0x10238, s0;
	s20 =	simm.s32 @!p1 $0xF0;
	s2 =	sor.u32 @!p1 $0x106E8, s2  }
0xc7: {  	[tilespmem:s2], [sflag:$0x7] =	stream.indirect.gather @!p1 [hbm4b:s4+s20], $0x80, s0, s20, $0xb8;
	[tilespmem:$0x1F6E8] =	vst v63  }
0xc8: {  	p1 =	slt.u32 s18, $0x2  }
.Ltmp11:
0xc9: {  	_ = 	snop;
	(pc) =	sbr.rel @p1 .LBB3_21-.Ltmp11, $1  }
0xca: {  	_ =	sdelay $0x3  }
0xcb: {  	p1 =	sgt.s32 s19, $0x50820;
	s0 =	smov.u32 s19;
	s2 =	sshra.s32 s19, $0x1F  }
0xcc: {  	s0 =	simm.s32 @!p1 $0x50820;
	s2 =	sand.u32 s2, s19  }
0xcd: {  	s0 =	ssub.s32 s0, s2  }
0xce: {  	s0 =	sadd.s32 $0xFFFAF7E0, s0  }
0xcf: {  	s30 =	sshll.u32 s0, $0x2  }
0xd0: {  	_ =	swait.ge [sflag:s9], $0x7800;
	s2 =	ssub.s32 $0x3C0, s30  }
0xd1: {  	[sflag:s9] =	ssyncset.done $0x0;
	p1 =	sgt.s32 s0, $0xEF;
	s0 =	sshrl.u32 s2, $0x2  }
0xd2: {  	[sflag:s9] =	ssyncadd.s32 $0xFFFF8800;
	s0 =	simm.s32 @p1 $0x0  }
0xd3: {  	_ =	swait.ge [sflag:s10], s0  }
0xd4: {  	s0 =	ssub.s32 $0x0, s0;
	[sflag:s10] =	ssyncset.done $0x0  }
0xd5: {  	[sflag:s10] =	ssyncadd.s32 s0  }
0xd6: {  	v1 =	vld [tilespmem:$0xF208];
	_ =	sdelay $0x4  }
0xd7: {  	(v2sf) =	vpush v1, $0x0  }
0xd8: {  	(v2sf) =	vpush v1, $0x1  }
0xd9: {  	(v2sf) =	vpush v1, $0x2;
	_ =	sdelay $0x3  }
0xda: {  	s0 =	sadd.s32 $0xF0, s19  }
0xdb: {  	s2 =	ssub.s32 $0x50910, s19;
	p1 =	slt.s32 s7, s0  }
0xdc: {  	s0 =	smov.u32 @p1 s7;
	p1 =	sgt.s32 s2, $0x0  }
0xdd: {  	s23 =	ssub.s32 s0, s19;
	s2 =	simm.s32 @!p1 $0x0  }
0xde: {  	p1 =	slt.s32 s2, s23  }
0xdf: {  	s23 =	smov.u32 @p1 s2  }
0xe0: {  	s22 =	simm.s32 $0x1;
	p1 =	slt.s32 s23, $0x1  }
.Ltmp12:
0xe1: {  	s22 =	simm.s32 @!p0 $0x0;
	(pc) =	sbr.rel @p1 .LBB3_8-.Ltmp12, $4  }
0xe2: {  	s31 =	smul.u32 $0x3C0, s22  }
0xe3: {  	s24 =	spop (v2sf)  }
0xe4: {  	s0 =	sshrl.u32 s31, $0x2;
	s26 =	spop (v2sf)  }
0xe5: {  	s20 =	sor.u32 $0x10508, s0;
	s19 =	spop (v2sf)  }
0xe6: {  	s0 =	smin.u32 s23, $0x10  }
0xe7: {  	v1 =	vmov s0  }
0xe8: {  	p2 =	sgt.s32 s23, $0x10;
	vm1 =	vgt.u32 v1, v0  }
.Ltmp13:
0xe9: {  	_ = 	snop;
	(pc) =	sbr.rel @!p2 .LBB3_7-.Ltmp13, $2  }
0xea: {  	_ =	sdelay $0x2  }
0xeb: {  	s25 =	simm.s32 $0x10;
	s28 =	sadd.s32 $0xFFFFFFF0, s23;
	s21 =	smov.u32 s20;
	vm0 =	vmmov vm1  }
.LBB3_6:
0xec: {  	s0 =	smin.u32 s28, $0x10;
	s25 =	sadd.s32 $0x10, s25;
	v1 =	vld.msk [tilespmem:s21+$0x0 ss:$0x1], vm1  }
0xed: {  	v2 =	vmov s0;
	p2 =	slt.s32 s25, s23  }
0xee: {  	vm1 =	vgt.u32 v2, v0  }
.Ltmp14:
0xef: {  	(pc) =	sbr.rel @p2 .LBB3_6-.Ltmp14, $3  }
0xf0: {  	_ =	sdelay $0x1  }
0xf1: {  	v1 =	vshll.u32 v1, $0x4  }
0xf2: {  	s28 =	sadd.s32 $0xFFFFFFF0, s28;
	[tilespmem:s21+$0x0] =	vst.msk vm0, v1;
	s21 =	sadd.s32 $0x10, s21;
	vm0 =	vmmov vm1  }
.LBB3_7:
0xf3: {  	_ =	sdelay $0x4  }
0xf4: {  	v1 =	vld.msk [tilespmem:s21+$0x0 ss:$0x1], vm1;
	_ =	sdelay $0x4  }
0xf5: {  	v1 =	vshll.u32 v1, $0x4  }
0xf6: {  	[tilespmem:s21+$0x0] =	vst.msk vm0, v1  }
.LBB3_8:
0xf7: {  	s0 =	sand.u32 $0x1, s18  }
0xf8: {  	s0 =	smul.u32 $0xF0, s0  }
0xf9: {  	p2 =	sne.s32 s26, $0xFFFFFFFF  }
0xfa: {  	v1 =	vld.msk @!p2 [tilespmem:s0+$0x10508], $0x1;
	_ =	sdelay $0x4  }
0xfb: {  	(v2sf) =	vpush @!p2 v1, $0x0;
	_ =	sdelay $0xc  }
.Ltmp15:
0xfc: {  	_ = 	snop;
	(pc) =	sbr.rel @p1 .LBB3_19-.Ltmp15, $4  }
0xfd: {  	_ = 	snop  }
0xfe: {  	s25 =	spop @!p2 (v2sf)  }
0xff: {  	s19 =	simm.s32 @!p2 $0x0;
	s21 =	smov.u32 s25  }
0x100: {  	[sflag:s15] =	ssyncpa.u1 $0x0;
	s25 =	smov.u32 @p2 s24;
	s21 =	smov.u32 @p2 s26  }
0x101: {  	v1 =	vld.msk [tilespmem:s20+$0x0], $0x1;
	_ =	sdelay $0x4  }
0x102: {  	(v2sf) =	vpush v1, $0x0;
	_ =	sdelay $0xe  }
0x103: {  	s0 =	smul.u32 $0x1E000, s22;
	s29 =	spop (v2sf)  }
0x104: {  	s23 =	ssub.s32 $0x0, s23;
	p1 =	seq.s32 s25, s29  }
0x105: {  	s26 =	sadd.s32 $0x1, s23;
	s0 =	sshrl.u32 s0, $0x2;
	p2 =	sgt.s32 @!p1 s25, $0x0  }
0x106: {  	s22 =	sor.u32 $0x10728, s0;
	s0 =	smov.u32 s25;
	p2 =	por !p2, p1  }
0x107: {  	s0 =	simm.s32 @p2 $0x0;
	p2 =	seq.s32 s26, $0x0  }
.Ltmp16:
0x108: {  	_ = 	snop;
	(pc) =	sbr.rel @p2 .LBB3_11-.Ltmp16, $4  }
0x109: {  	_ = 	snop  }
0x10a: {  	s24 =	simm.s32 $0x0;
	s28 =	sadd.s32 $0x1, s20;
	s0 =	smin.u32 @!p1 s0, $0x270F0  }
0x10b: {  	s30 =	simm.s32 @!p1 $0x1;
	s31 =	simm.s32 @!p1 $0x7988;
	s2 =	sand.u32 @!p1 $0x3FFF8, s0  }
0x10c: {  	s30 =	smov.u32 @p1 s24;
	s0 =	sand.u32 @!p1 $0x7, s0;
	s2 =	sadd.s32 @!p1 s1, s2  }
.LBB3_10:
0x10d: {  	s8 =	smov.u32 s30  }
0x10e: {  	[tilespmem:s31], [sflag:$0x2] =	stream.linear.gather @!p1 [hbm4b:s2+s0], $0x80, $0x38;
	[tilespmem:$0x1F6E8] =	vst v63  }
0x10f: {  	s26 =	sadd.s32 $0x1, s26;
	s0 =	smov.u32 s29;
	v1 =	vld.msk [tilespmem:s28+$0x0], $0x1  }
0x110: {  	p2 =	seq.s32 s26, $0x0;
	_ =	sdelay $0x3  }
0x111: {  	(v2sf) =	vpush v1, $0x0;
	_ =	sdelay $0xe  }
0x112: {  	s29 =	spop (v2sf)  }
0x113: {  	p1 =	seq.s32 s0, s29  }
0x114: {  	p3 =	sgt.s32 @!p1 s0, $0x0;
	s2 =	sshll.u32 @!p1 s30, $0x9;
	s30 =	sadd.s32 @!p1 $0x1, s30  }
.Ltmp17:
0x115: {  	p3 =	por !p3, p1;
	s2 =	sshra.s32 @!p1 s2, $0x2;
	(pc) =	sbr.rel @!p2 .LBB3_10-.Ltmp17, $4  }
0x116: {  	s30 =	smov.u32 @p1 s8;
	s0 =	simm.s32 @p3 $0x0;
	s31 =	sadd.s32 @!p1 $0x7988, s2  }
0x117: {  	s0 =	smin.u32 @!p1 s0, $0x270F0  }
0x118: {  	s2 =	sand.u32 @!p1 $0x3FFF8, s0;
	s0 =	sand.u32 @!p1 $0x7, s0  }
0x119: {  	s28 =	sadd.s32 $0x1, s28;
	s2 =	sadd.s32 @!p1 s1, s2  }
.LBB3_11:
0x11a: {  	[tilespmem:s31], [sflag:$0x2] =	stream.linear.gather @!p1 [hbm4b:s2+s0], $0x80, $0x38;
	[tilespmem:$0x1F6E8] =	vst v63  }
.Ltmp18:
0x11b: {  	s30 =	sshll.u32 s30, $0x7;
	(pc) =	sbr.rel .LBB3_12-.Ltmp18, $4  }
0x11c: {  	s31 =	simm.s32 $0x2;
	s0 =	sand.u32 $0x3FFFFF80, s30  }
0x11d: {  	_ =	swait.ge [sflag:s31], s0  }
0x11e: {  	s0 =	ssub.s32 $0x0, s0;
	[sflag:s31] =	ssyncset.done $0x0  }
0x11f: {  	s28 =	simm.s32 $0x0;
	[sflag:s31] =	ssyncadd.s32 s0  }
.LBB3_13:
0x120: {  	v1 =	vld [tilespmem:s22+$0xFFFFFFC0];
	_ =	sdelay $0x3  }
0x121: {  	s0 =	sshra.s32 s0, $0x2  }
0x122: {  	[tilespmem:s0+$0x108] =	vst.add.f32.msk $0xffff, v1  }
0x123: {  	v1 =	vld [tilespmem:s22+$0xFFFFFFD0];
	_ =	sdelay $0x4  }
0x124: {  	[tilespmem:s0+$0x118] =	vst.add.f32.msk $0xffff, v1  }
0x125: {  	v1 =	vld [tilespmem:s22+$0xFFFFFFE0];
	_ =	sdelay $0x4  }
0x126: {  	[tilespmem:s0+$0x128] =	vst.add.f32.msk $0xffff, v1  }
0x127: {  	v1 =	vld [tilespmem:s22+$0xFFFFFFF0];
	_ =	sdelay $0x4  }
0x128: {  	[tilespmem:s0+$0x138] =	vst.add.f32.msk $0xffff, v1  }
0x129: {  	v1 =	vld [tilespmem:s22+$0x0];
	_ =	sdelay $0x4  }
0x12a: {  	[tilespmem:s0+$0x148] =	vst.add.f32.msk $0xffff, v1  }
0x12b: {  	v1 =	vld [tilespmem:s22+$0x10];
	_ =	sdelay $0x4  }
0x12c: {  	[tilespmem:s0+$0x158] =	vst.add.f32.msk $0xffff, v1  }
0x12d: {  	v1 =	vld [tilespmem:s22+$0x20];
	_ =	sdelay $0x4  }
0x12e: {  	[tilespmem:s0+$0x168] =	vst.add.f32.msk $0xffff, v1  }
0x12f: {  	v1 =	vld [tilespmem:s22+$0x30];
	_ =	sdelay $0x4  }
0x130: {  	[tilespmem:s0+$0x178] =	vst.add.f32.msk $0xffff, v1  }
.LBB3_17:
0x131: {  	s23 =	sadd.s32 $0x1, s23  }
0x132: {  	p1 =	seq.s32 s23, $0x0  }
.Ltmp19:
0x133: {  	_ = 	snop;
	(pc) =	sbr.rel @p1 .LBB3_18-.Ltmp19, $2  }
0x134: {  	_ =	sdelay $0x2  }
0x135: {  	s20 =	sadd.s32 $0x1, s20;
	s22 =	sadd.s32 $0x80, s22;
	s25 =	smov.u32 s26  }
.LBB3_12:
0x136: {  	v1 =	vld.msk [tilespmem:s20+$0x0], $0x1;
	_ =	sdelay $0x4  }
0x137: {  	(v2sf) =	vpush v1, $0x0;
	_ =	sdelay $0xe  }
0x138: {  	s26 =	spop (v2sf)  }
0x139: {  	p1 =	sne.s32 s25, s26  }
.Ltmp20:
0x13a: {  	_ = 	snop;
	(pc) =	sbr.rel @!p1 .LBB3_13-.Ltmp20, $2  }
0x13b: {  	_ =	sdelay $0x2  }
0x13c: {  	s0 =	sshll.u32 s19, $0x9  }
0x13d: {  	p1 =	seq.s32 s25, s21  }
.Ltmp21:
0x13e: {  	_ = 	snop;
	(pc) =	sbr.rel @!p1 .LBB3_15-.Ltmp21, $1  }
0x13f: {  	_ =	sdelay $0x3  }
0x140: {  	s0 =	sshra.s32 s0, $0x2  }
.Ltmp22:
0x141: {  	s0 =	sadd.s32 $0x108, s0;
	(pc) =	sbr.rel .LBB3_16-.Ltmp22, $4  }
0x142: {  	[spmem:s13] =	stream.linear.scatter [tilespmem:s0], [sflag:$0x1], $0x80, $0x38;
	[tilespmem:$0x1F6E8] =	vst v63  }
0x143: {  	_ =	swait.ge [sflag:s11], $0x80  }
0x144: {  	[sflag:s11] =	ssyncset.done $0x0  }
0x145: {  	[sflag:s11] =	ssyncadd.s32 $0xFFFFFF80  }
.LBB3_15:
0x146: {  	s2 =	sshll.u32 s24, $0x9  }
0x147: {  	s2 =	sshra.s32 s2, $0x2  }
0x148: {  	v1 =	vld [tilespmem:s2+$0x7988];
	_ =	sdelay $0x3  }
0x149: {  	s0 =	sshra.s32 s0, $0x2  }
0x14a: {  	[tilespmem:s0+$0x108] =	vst.add.f32.msk $0xffff, v1  }
0x14b: {  	v1 =	vld [tilespmem:s2+$0x7998];
	_ =	sdelay $0x4  }
0x14c: {  	[tilespmem:s0+$0x118] =	vst.add.f32.msk $0xffff, v1  }
0x14d: {  	v1 =	vld [tilespmem:s2+$0x79A8];
	_ =	sdelay $0x4  }
0x14e: {  	[tilespmem:s0+$0x128] =	vst.add.f32.msk $0xffff, v1  }
0x14f: {  	v1 =	vld [tilespmem:s2+$0x79B8];
	_ =	sdelay $0x4  }
0x150: {  	[tilespmem:s0+$0x138] =	vst.add.f32.msk $0xffff, v1  }
0x151: {  	v1 =	vld [tilespmem:s2+$0x79C8];
	_ =	sdelay $0x4  }
0x152: {  	[tilespmem:s0+$0x148] =	vst.add.f32.msk $0xffff, v1  }
0x153: {  	v1 =	vld [tilespmem:s2+$0x79D8];
	_ =	sdelay $0x4  }
0x154: {  	[tilespmem:s0+$0x158] =	vst.add.f32.msk $0xffff, v1  }
0x155: {  	v1 =	vld [tilespmem:s2+$0x79E8];
	_ =	sdelay $0x4  }
0x156: {  	[tilespmem:s0+$0x168] =	vst.add.f32.msk $0xffff, v1  }
0x157: {  	v1 =	vld [tilespmem:s2+$0x79F8];
	_ =	sdelay $0x2  }
0x158: {  	p1 =	sgt.u32 s25, $0x270F0  }
0x159: {  	s2 =	sand.u32 @!p1 $0x3FFF8, s25  }
0x15a: {  	s8 =	sadd.s32 $0x108, s0;
	[tilespmem:s0+$0x178] =	vst.add.f32.msk $0xffff, v1;
	s0 =	sadd.s32 @!p1 s1, s2;
	s2 =	sand.u32 @!p1 $0x7, s25  }
0x15b: {  	[hbm4b:s0+s2] =	stream.linear.scatter @!p1 [tilespmem:s8], [sflag:$0xA], $0x80, $0x38;
	[tilespmem:$0x1F6E8] =	vst v63  }
0x15c: {  	s0 =	simm.s32 $0x0  }
0x15d: {  	s0 =	simm.s32 @!p1 $0x200  }
0x15e: {  	s28 =	sadd.s32 s0, s28  }
.LBB3_16:
0x15f: {  	s0 =	sadd.s32 $0x1, s19  }
0x160: {  	s2 =	smulhi.u32 $0x88888889, s0;
	_ =	sdelay $0x1  }
0x161: {  	v1 =	vld [tilespmem:s22+$0xFFFFFFC0];
	s2 =	sshrl.u32 s2, $0x7  }
0x162: {  	s2 =	smul.u32 $0xF0, s2;
	_ =	sdelay $0x1  }
0x163: {  	s19 =	ssub.s32 s0, s2  }
0x164: {  	s0 =	sshll.u32 s19, $0x7  }
0x165: {  	[tilespmem:s0+$0x108] =	vst v1  }
0x166: {  	v1 =	vld [tilespmem:s22+$0xFFFFFFD0];
	_ =	sdelay $0x4  }
0x167: {  	[tilespmem:s0+$0x118] =	vst v1  }
0x168: {  	v1 =	vld [tilespmem:s22+$0xFFFFFFE0];
	_ =	sdelay $0x4  }
0x169: {  	[tilespmem:s0+$0x128] =	vst v1  }
0x16a: {  	v1 =	vld [tilespmem:s22+$0xFFFFFFF0];
	_ =	sdelay $0x4  }
0x16b: {  	[tilespmem:s0+$0x138] =	vst v1  }
0x16c: {  	v1 =	vld [tilespmem:s22+$0x0];
	_ =	sdelay $0x4  }
0x16d: {  	[tilespmem:s0+$0x148] =	vst v1  }
0x16e: {  	v1 =	vld [tilespmem:s22+$0x10];
	_ =	sdelay $0x4  }
0x16f: {  	[tilespmem:s0+$0x158] =	vst v1  }
0x170: {  	v1 =	vld [tilespmem:s22+$0x20];
	_ =	sdelay $0x4  }
0x171: {  	[tilespmem:s0+$0x168] =	vst v1  }
0x172: {  	v1 =	vld [tilespmem:s22+$0x30]  }
.Ltmp23:
0x173: {  	_ = 	snop;
	(pc) =	sbr.rel .LBB3_17-.Ltmp23, $2  }
0x174: {  	_ =	sdelay $0x2  }
0x175: {  	s24 =	sadd.s32 $0x1, s24;
	[tilespmem:s0+$0x178] =	vst v1  }
.LBB3_19:
.Ltmp24:
0x176: {  	(pc) =	sbr.rel .LBB3_20-.Ltmp24, $4  }
0x177: {  	_ = 	snop  }
0x178: {  	s0 =	simm.s32 $0x2  }
0x179: {  	_ =	swait.ge [sflag:s0], $0x0  }
0x17a: {  	s26 =	smov.u32 s25;
	[sflag:s0] =	ssyncset.done $0x0;
	s0 =	simm.s32 $0x0  }
.LBB3_22:
0x17b: {  	_ =	sfence.sel $0x180000  }
0x17c: {  	s0 =	simm.s32 $0x7;
	[bflag:$0x0] =	sbarrier.arrive $0xFFFF  }
0x17d: {  	s25 =	simm.s32 $0x8;
	[sflag:s0] =	ssyncpa.u1 $0x1  }
0x17e: {  	s26 =	simm.s32 $0x9;
	[sflag:s25] =	ssyncpa.u1 $0x1  }
0x17f: {  	s28 =	simm.s32 $0x2;
	[sflag:s26] =	ssyncpa.u1 $0x1  }
0x180: {  	[sflag:s28] =	ssyncpa.u1 $0x1  }
0x181: {  	v0 =	vld [tilespmem:$0xF208];
	_ =	sdelay $0x4  }
0x182: {  	(v2sf) =	vpush v0, $0x0  }
0x183: {  	(v2sf) =	vpush v0, $0x1;
	_ =	sdelay $0x1  }
0x184: {  	(v2sf) =	vpush v0, $0x2;
	_ =	sdelay $0xb  }
0x185: {  	s0 =	spop (v2sf)  }
0x186: {  	s2 =	spop (v2sf)  }
0x187: {  	s3 =	smov.u32 s0;
	p0 =	sne.s32 s0, s2  }
0x188: {  	s4 =	spop (v2sf);
	s3 =	simm.s32 @!p0 $0xFFFFFFFF  }
0x189: {  	v2 =	vimm.s32 $0x1;
	v3 =	vlaneseq.u32;
	p0 =	seq.s32 s4, $0xFFFFFFFF;
	v1 =	vmov s3  }
0x18a: {  	s7 =	stileid.u32;
	v0 =	vperm.xlane v0, v2;
	p1 =	sne.s32 @!p0 s0, s2;
	v1 =	vperm.xlane v1, v3  }
0x18b: {  	vm0 =	vcmask $0x3F04;
	s6 =	simm.s32 $0xF208;
	s0 =	simm.s32 @!p0 $0x1;
	p1 =	por !p1, p0  }
0x18c: {  	s3 =	sshll.u32 s7, $0x1;
	s2 =	sshll.u32 @!p0 s4, $0x9;
	s0 =	simm.s32 @p1 $0x0;
	v0 =	vsel vm0, v1, v0  }
0x18d: {  	s5 =	sor.u32 $0x1000, s3;
	s2 =	sshra.s32 @!p0 s2, $0x2;
	s0 =	sor.u32 @!p0 s0, s3;
	[tilespmem:$0xF208] =	vst v0  }
0x18e: {  	[spmem:s5] =	stream.linear.scatter [tilespmem:s6], [sflag:$0x1], $0x2, $0x38;
	[tilespmem:$0x1F6E8] =	vst v63  }
0x18f: {  	s2 =	sadd.s32 @!p0 $0x108, s2;
	s0 =	sshll.u32 @!p0 s0, $0x7  }
0x190: {  	[spmem:s0] =	stream.linear.scatter @!p0 [tilespmem:s2], [sflag:$0x1], $0x80, $0x38;
	[tilespmem:$0x1F6E8] =	vst v63  }
0x191: {  	s0 =	simm.s32 @!p0 $0x82  }
0x192: {  	s3 =	simm.s32 $0x1;
	s0 =	simm.s32 @p0 $0x2  }
0x193: {  	_ =	swait.ge [sflag:s3], s0  }
0x194: {  	s0 =	ssub.s32 $0x0, s0;
	[sflag:s3] =	ssyncset.done $0x0  }
0x195: {  	[sflag:s3] =	ssyncadd.s32 s0  }
0x196: {  	_ =	sfence.stream.spmem  }
0x197: {  	s29 =	simm.s32 $0x3;
	[bflag:$0x0] =	sbarrier.arrive $0xFFFF  }
0x198: {  	s30 =	simm.s32 $0x4;
	[sflag:s29] =	ssyncpa.u1 $0x1  }
0x199: {  	s31 =	simm.s32 $0x3C;
	[sflag:s30] =	ssyncpa.u1 $0x1  }
0x19a: {  	p0 =	sne.s32 s7, $0x0;
	[sflag:s31] =	ssyncpa.u1 $0x1  }
0x19b: {  	_ =	sfence @p0  }
0x19c: {  	[sflag:s3] =	ssyncpa.u1 @p0 $0x1  }
0x19d: {  	_ =	strace @p0 $0x9000004D  }
0x19e: {  	[bflag:$0x2] =	sbarrier.arrive @p0 $0xFFFF  }
0x19f: {  	_ =	shalt @p0  }
.LBB3_23:
0x1a0: {  	_ =	sfence.stream.spmem;
	s0 =	simm.s32 $0x5  }
0x1a1: {  	s2 =	simm.s32 $0x1000;
	s3 =	simm.s32 $0xF218;
	[sflag:s0] =	ssyncpa.u1 $0x0  }
0x1a2: {  	[tilespmem:s3], [sflag:$0x5] =	stream.linear.gather [spmem:s2], $0x20, $0x38;
	[tilespmem:$0x1F6E8] =	vst v63  }
0x1a3: {  	s30 =	simm.s32 $0xF238;
	s2 =	simm.s32 $0x0  }
0x1a4: {  	[tilespmem:s30], [sflag:$0x5] =	stream.linear.gather [spmem:s2], $0x1000, $0x38;
	[tilespmem:$0x1F6E8] =	vst v63  }
.Ltmp25:
0x1a5: {  	_ = 	snop;
	(pc) =	sbr.rel .LBB3_24-.Ltmp25, $4  }
0x1a6: {  	_ =	swait.ge [sflag:s0], $0x1020  }
0x1a7: {  	[sflag:s0] =	ssyncset.done $0x0  }
0x1a8: {  	s31 =	simm.s32 $0x6;
	[sflag:s0] =	ssyncadd.s32 $0xFFFFEFE0  }
0x1a9: {  	s3 =	simm.s32 $0x0;
	[sflag:s31] =	ssyncpa.u1 $0x0  }
.LBB3_30:
0x1aa: {  	p0 =	slt.u32 s4, $0x270F1  }
0x1ab: {  	s0 =	sand.u32 @p0 $0x3FFF8, s4  }
0x1ac: {  	s4 =	sand.u32 @p0 $0x7, s4;
	s5 =	simm.s32 @p0 $0xF188;
	s0 =	sadd.s32 @p0 s1, s0  }
0x1ad: {  	[tilespmem:s5], [sflag:$0x6] =	stream.linear.gather @p0 [hbm4b:s0+s4], $0x80, $0x38;
	[tilespmem:$0x1F6E8] =	vst v63  }
0x1ae: {  	s0 =	simm.s32 @p0 $0x6  }
0x1af: {  	_ =	swait.ge @p0 [sflag:s0], $0x80  }
0x1b0: {  	[sflag:s0] =	ssyncset.done @p0 $0x0  }
0x1b1: {  	[sflag:s0] =	ssyncadd.s32 @p0 $0xFFFFFF80  }
0x1b2: {  	v1 =	vld @p0 [tilespmem:$0xF188];
	_ =	sdelay $0x2  }
0x1b3: {  	s0 =	sshll.u32 @p0 s3, $0x9  }
0x1b4: {  	s4 =	sshrl.u32 @p0 s0, $0x2  }
0x1b5: {  	[tilespmem:s4+$0xF238] =	vst.add.f32.msk @p0 $0xffff, v1  }
0x1b6: {  	v1 =	vld @p0 [tilespmem:$0xF198];
	_ =	sdelay $0x4  }
0x1b7: {  	[tilespmem:s4+$0xF248] =	vst.add.f32.msk @p0 $0xffff, v1  }
0x1b8: {  	v1 =	vld @p0 [tilespmem:$0xF1A8];
	_ =	sdelay $0x4  }
0x1b9: {  	[tilespmem:s4+$0xF258] =	vst.add.f32.msk @p0 $0xffff, v1  }
0x1ba: {  	v1 =	vld @p0 [tilespmem:$0xF1B8];
	_ =	sdelay $0x4  }
0x1bb: {  	[tilespmem:s4+$0xF268] =	vst.add.f32.msk @p0 $0xffff, v1  }
0x1bc: {  	v1 =	vld @p0 [tilespmem:$0xF1C8];
	_ =	sdelay $0x4  }
0x1bd: {  	[tilespmem:s4+$0xF278] =	vst.add.f32.msk @p0 $0xffff, v1  }
0x1be: {  	v1 =	vld @p0 [tilespmem:$0xF1D8];
	_ =	sdelay $0x4  }
0x1bf: {  	[tilespmem:s4+$0xF288] =	vst.add.f32.msk @p0 $0xffff, v1  }
0x1c0: {  	v1 =	vld @p0 [tilespmem:$0xF1E8];
	_ =	sdelay $0x4  }
0x1c1: {  	[tilespmem:s4+$0xF298] =	vst.add.f32.msk @p0 $0xffff, v1  }
0x1c2: {  	v1 =	vld @p0 [tilespmem:$0xF1F8];
	_ =	sdelay $0x3  }
0x1c3: {  	s5 =	sshll.u32 @!p0 s3, $0x9  }
0x1c4: {  	s5 =	smov.u32 @p0 s0;
	[tilespmem:s4+$0xF2A8] =	vst.add.f32.msk @p0 $0xffff, v1  }
0x1c5: {  	s0 =	sshrl.u32 s5, $0x2;
	[tilespmem:s2+$0xF218] =	vst.msk $0x1, v0  }
0x1c6: {  	v0 =	vld [tilespmem:s0+$0xF238];
	_ =	sdelay $0x2  }
0x1c7: {  	s31 =	sshll.u32 s2, $0x9  }
0x1c8: {  	s4 =	sshra.s32 s31, $0x2  }
0x1c9: {  	[tilespmem:s4+$0xF238] =	vst v0  }
0x1ca: {  	v0 =	vld [tilespmem:s0+$0xF248];
	_ =	sdelay $0x4  }
0x1cb: {  	[tilespmem:s4+$0xF248] =	vst v0  }
0x1cc: {  	v0 =	vld [tilespmem:s0+$0xF258];
	_ =	sdelay $0x4  }
0x1cd: {  	[tilespmem:s4+$0xF258] =	vst v0  }
0x1ce: {  	v0 =	vld [tilespmem:s0+$0xF268];
	_ =	sdelay $0x4  }
0x1cf: {  	[tilespmem:s4+$0xF268] =	vst v0  }
0x1d0: {  	v0 =	vld [tilespmem:s0+$0xF278];
	_ =	sdelay $0x4  }
0x1d1: {  	[tilespmem:s4+$0xF278] =	vst v0  }
0x1d2: {  	v0 =	vld [tilespmem:s0+$0xF288];
	_ =	sdelay $0x4  }
0x1d3: {  	[tilespmem:s4+$0xF288] =	vst v0  }
0x1d4: {  	v0 =	vld [tilespmem:s0+$0xF298];
	_ =	sdelay $0x4  }
0x1d5: {  	[tilespmem:s4+$0xF298] =	vst v0  }
0x1d6: {  	v0 =	vld [tilespmem:s0+$0xF2A8];
	_ =	sdelay $0x4  }
0x1d7: {  	s2 =	sadd.s32 $0x1, s2;
	[tilespmem:s4+$0xF2A8] =	vst v0  }
.LBB3_31:
0x1d8: {  	s3 =	sadd.s32 $0x1, s3  }
0x1d9: {  	p0 =	sne.s32 s3, $0x20  }
.Ltmp26:
0x1da: {  	_ = 	snop;
	(pc) =	sbr.rel @!p0 .LBB3_32-.Ltmp26, $1  }
0x1db: {  	_ =	sdelay $0x3  }
.LBB3_24:
0x1dc: {  	v0 =	vld.msk [tilespmem:s3+$0xF218], $0x1;
	_ =	sdelay $0x4  }
0x1dd: {  	(v2sf) =	vpush v0, $0x0;
	_ =	sdelay $0xe  }
0x1de: {  	s4 =	spop (v2sf)  }
0x1df: {  	p0 =	seq.s32 s4, $0xFFFFFFFF  }
.Ltmp27:
0x1e0: {  	_ = 	snop;
	(pc) =	sbr.rel @p0 .LBB3_31-.Ltmp27, $1  }
0x1e1: {  	_ =	sdelay $0x3  }
0x1e2: {  	p0 =	slt.s32 s2, $0x1  }
.Ltmp28:
0x1e3: {  	_ = 	snop;
	(pc) =	sbr.rel @p0 .LBB3_30-.Ltmp28, $1  }
0x1e4: {  	_ =	sdelay $0x3  }
0x1e5: {  	s5 =	simm.s32 $0xF218;
	p0 =	por $0x0, $0x0  }
0x1e6: {  	v1 =	vld.msk @!p0 [tilespmem:s5+$0x0], $0x1;
	_ =	sdelay $0x4  }
0x1e7: {  	(v2sf) =	vpush @!p0 v1, $0x0;
	_ =	sdelay $0xd  }
0x1e8: {  	p2 =	sne.s32 s2, $0x1  }
.Ltmp29:
0x1e9: {  	s0 =	spop @!p0 (v2sf);
	(pc) =	sbr.rel @!p2 .LBB3_28-.Ltmp29, $4  }
0x1ea: {  	p1 =	seq.s32 @!p0 s4, s0  }
0x1eb: {  	s6 =	simm.s32 $0x0;
	p1 =	por !p1, p0  }
0x1ec: {  	s0 =	simm.s32 $0xFFFFFFFF;
	s6 =	simm.s32 @p1 $0xFFFFFFFF  }
0x1ed: {  	s7 =	simm.s32 $0x1;
	s6 =	smov.u32 @p0 s0  }
.LBB3_27:
0x1ee: {  	s0 =	smov.u32 s6;
	p0 =	sne.s32 s6, $0xFFFFFFFF  }
0x1ef: {  	s5 =	sadd.s32 $0x1, s5;
	s6 =	smov.u32 s7;
	s7 =	sadd.s32 $0x1, s7  }
0x1f0: {  	p1 =	sne.s32 s2, s7;
	v1 =	vld.msk @!p0 [tilespmem:s5+$0x0], $0x1;
	_ =	sdelay $0x4  }
0x1f1: {  	(v2sf) =	vpush @!p0 v1, $0x0;
	_ =	sdelay $0xe  }
.Ltmp30:
0x1f2: {  	s8 =	spop @!p0 (v2sf);
	(pc) =	sbr.rel @p1 .LBB3_27-.Ltmp30, $4  }
0x1f3: {  	p2 =	seq.s32 @!p0 s4, s8  }
0x1f4: {  	p2 =	por !p2, p0  }
0x1f5: {  	s6 =	simm.s32 @p2 $0xFFFFFFFF  }
0x1f6: {  	s6 =	smov.u32 @p0 s0  }
.LBB3_28:
0x1f7: {  	p0 =	seq.s32 s6, $0xFFFFFFFF  }
.Ltmp31:
0x1f8: {  	_ = 	snop;
	(pc) =	sbr.rel @p0 .LBB3_30-.Ltmp31, $1  }
0x1f9: {  	_ =	sdelay $0x3  }
0x1fa: {  	s0 =	sshll.u32 s3, $0x7  }
0x1fb: {  	s0 =	sand.u32 $0x3FFFFF80, s0  }
0x1fc: {  	v0 =	vld [tilespmem:s0+$0xF238];
	_ =	sdelay $0x2  }
0x1fd: {  	s4 =	sshll.u32 s6, $0x9  }
0x1fe: {  	s4 =	sshra.s32 s4, $0x2  }
0x1ff: {  	[tilespmem:s4+$0xF238] =	vst.add.f32.msk $0xffff, v0  }
0x200: {  	v0 =	vld [tilespmem:s0+$0xF248];
	_ =	sdelay $0x4  }
0x201: {  	[tilespmem:s4+$0xF248] =	vst.add.f32.msk $0xffff, v0  }
0x202: {  	v0 =	vld [tilespmem:s0+$0xF258];
	_ =	sdelay $0x4  }
0x203: {  	[tilespmem:s4+$0xF258] =	vst.add.f32.msk $0xffff, v0  }
0x204: {  	v0 =	vld [tilespmem:s0+$0xF268];
	_ =	sdelay $0x4  }
0x205: {  	[tilespmem:s4+$0xF268] =	vst.add.f32.msk $0xffff, v0  }
0x206: {  	v0 =	vld [tilespmem:s0+$0xF278];
	_ =	sdelay $0x4  }
0x207: {  	[tilespmem:s4+$0xF278] =	vst.add.f32.msk $0xffff, v0  }
0x208: {  	v0 =	vld [tilespmem:s0+$0xF288];
	_ =	sdelay $0x4  }
0x209: {  	[tilespmem:s4+$0xF288] =	vst.add.f32.msk $0xffff, v0  }
0x20a: {  	v0 =	vld [tilespmem:s0+$0xF298];
	_ =	sdelay $0x4  }
0x20b: {  	[tilespmem:s4+$0xF298] =	vst.add.f32.msk $0xffff, v0  }
0x20c: {  	v0 =	vld [tilespmem:s0+$0xF2A8]  }
.Ltmp32:
0x20d: {  	_ = 	snop;
	(pc) =	sbr.rel .LBB3_31-.Ltmp32, $2  }
0x20e: {  	_ =	sdelay $0x2  }
0x20f: {  	[tilespmem:s4+$0xF2A8] =	vst.add.f32.msk $0xffff, v0  }
.LBB3_32:
0x210: {  	p0 =	slt.s32 s2, $0x1  }
.Ltmp33:
0x211: {  	_ = 	snop;
	(pc) =	sbr.rel @p0 .LBB3_36-.Ltmp33, $3  }
0x212: {  	_ =	sdelay $0x1  }
0x213: {  	s0 =	simm.s32 $0x6  }
0x214: {  	s3 =	simm.s32 $0x0;
	[sflag:s0] =	ssyncpa.u1 $0x1  }
0x215: {  	s0 =	simm.s32 $0xF218  }
0x216: {  	v0 =	vld.msk [tilespmem:s0+$0x0], $0x1;
	_ =	sdelay $0x4  }
0x217: {  	(v2sf) =	vpush v0, $0x0;
	_ =	sdelay $0xd  }
0x218: {  	s2 =	sadd.s32 $0xFFFFFFFF, s2  }
0x219: {  	p1 =	sne.s32 s2, $0x0;
	s0 =	spop (v2sf)  }
.Ltmp34:
0x21a: {  	p0 =	sgt.u32 s0, $0x270F0;
	(pc) =	sbr.rel @!p1 .LBB3_35-.Ltmp34, $4  }
0x21b: {  	s4 =	simm.s32 $0xF238;
	s5 =	sand.u32 @!p0 $0x3FFF8, s0  }
0x21c: {  	s6 =	simm.s32 $0x0;
	s0 =	sand.u32 @!p0 $0x7, s0;
	s5 =	sadd.s32 @!p0 s1, s5  }
0x21d: {  	[hbm4b:s5+s0] =	stream.linear.scatter @!p0 [tilespmem:s4], [sflag:$0x5], $0x80, $0x38;
	[tilespmem:$0x1F6E8] =	vst v63  }
0x21e: {  	s6 =	simm.s32 @!p0 $0x200;
	s5 =	simm.s32 $0xF219  }
.LBB3_34:
0x21f: {  	v0 =	vld.msk [tilespmem:s5+$0x0], $0x1;
	s2 =	sadd.s32 $0xFFFFFFFF, s2;
	s3 =	sadd.s32 s3, s6  }
0x220: {  	p0 =	sne.s32 s2, $0x0;
	_ =	sdelay $0x3  }
0x221: {  	(v2sf) =	vpush v0, $0x0;
	_ =	sdelay $0xe  }
.Ltmp35:
0x222: {  	s0 =	spop (v2sf);
	(pc) =	sbr.rel @p0 .LBB3_34-.Ltmp35, $4  }
0x223: {  	s6 =	simm.s32 $0x0;
	p1 =	sgt.u32 s0, $0x270F0  }
0x224: {  	s4 =	sadd.s32 $0x80, s4;
	s6 =	simm.s32 @!p1 $0x200;
	s7 =	sand.u32 @!p1 $0x3FFF8, s0  }
0x225: {  	s5 =	sadd.s32 $0x1, s5;
	s0 =	sand.u32 @!p1 $0x7, s0;
	s7 =	sadd.s32 @!p1 s1, s7  }
0x226: {  	[hbm4b:s7+s0] =	stream.linear.scatter @!p1 [tilespmem:s4], [sflag:$0x5], $0x80, $0x38;
	[tilespmem:$0x1F6E8] =	vst v63  }
.LBB3_35:
0x227: {  	s0 =	sadd.s32 s3, s6  }
0x228: {  	s3 =	sshrl.u32 s0, $0x2  }
.LBB3_36:
0x229: {  	s0 =	simm.s32 $0x5  }
0x22a: {  	_ =	swait.ge [sflag:s0], s3  }
0x22b: {  	s1 =	ssub.s32 $0x0, s3;
	[sflag:s0] =	ssyncset.done $0x0  }
0x22c: {  	[sflag:s0] =	ssyncadd.s32 s1  }
0x22d: {  	[sflag:s0] =	ssyncpa.u1 $0x1  }
0x22e: {  	s30 =	simm.s32 $0x1;
	_ =	sfence  }
0x22f: {  	[sflag:s30] =	ssyncpa.u1 $0x1  }
0x230: {  	_ =	strace $0x9000004D  }
0x231: {  	[bflag:$0x2] =	sbarrier.arrive $0xFFFF  }
0x232: {  	s31 =	rddreg [dreg:$0x1]  }
0x233: {  	s0 =	sadd.s32 $0x100000, s31  }
0x234: {  	[sflag:s0] =	ssyncadd.tile.s32 $0x1;
	_ =	shalt  }
.Lfunc_end3:
_tile_overlayer_lowered:
.L_overlay_start_3:
0x235: {  	(tag) =	ssettag $0x3  }
0x236: {  	s0 =	rddreg [dreg:$0x0];
	s2 =	stileid.u32  }
0x237: {  	s1 =	rddreg [dreg:$0x1];
	p0 =	sne.s32 s2, $0x0  }
0x238: {  	s3 =	rddreg [dreg:$0x2];
	[bflag:$0x3] =	sbarrier.arrive $0xFFFF;
	s2 =	simm.s32 @!p0 $0x1C01  }
0x239: {  	[timem:s3], [sflag:s2] =	dma.local @!p0 [hbm:s0], s1  }
0x23a: {  	s0 =	simm.s32 @!p0 $0x1  }
0x23b: {  	_ =	swait.ge @!p0 [sflag:s0], s1  }
0x23c: {  	s1 =	ssub.s32 @!p0 $0x0, s1;
	[sflag:s0] =	ssyncset.done @!p0 $0x0  }
0x23d: {  	[sflag:s0] =	ssyncadd.s32 @!p0 s1  }
0x23e: {  	[bflag:$0x3] =	sbarrier.arrive $0xFFFF  }
0x23f: {  	_ =	shalt  }

// kernel: scatter_offload_async_start.2
scs
__scs_entry_jumppad:
0x0: {  	(pc) =	sbr.rel $0x88, $3  }
0x1: {  	(tag) =	ssettag $0x0;
	lr =	simm.s32 $0x1  }
0x2: {  	[smem:$0x3F93] =	sst lr;
	_ =	strace $0xD0000000  }
0x3: {  	_ = 	snop  }
0x4: {  	_ = 	snop  }
0x5: {  	_ = 	snop  }
0x6: {  	_ = 	snop  }
0x7: {  	_ = 	snop  }
__scs_overlays_trampoline_lowered:
0x8: {  	[smem:$0x3FA2] =	sst s0  }
0x9: {  	[smem:$0x3FA3] =	sst s1  }
0xa: {  	[smem:$0x3FA4] =	sst s2  }
0xb: {  	[smem:$0x3FA5] =	sst s3  }
0xc: {  	[smem:$0x3FA6] =	sst s4  }
0xd: {  	[smem:$0x3FA7] =	sst s5  }
0xe: {  	[smem:$0x3FA8] =	sst s6  }
0xf: {  	[smem:$0x3FA9] =	sst s7  }
0x10: {  	[smem:$0x3FAA] =	sst s8  }
0x11: {  	[smem:$0x3FAB] =	sst s9;
	s0 =	simm.s32 @!p0 $0x0  }
0x12: {  	s1 =	sld [smem:$0x3F91];
	s0 =	simm.s32 @p0 $0x1  }
0x13: {  	[smem:$0x3FAC] =	sst s0;
	s0 =	simm.s32 @!p1 $0x0  }
0x14: {  	s2 =	sld [smem:$0x3F90];
	s0 =	simm.s32 @p1 $0x1  }
0x15: {  	[smem:$0x3FAD] =	sst s0;
	s0 =	simm.s32 @!p2 $0x0  }
0x16: {  	s3 =	sld [smem:$0x3FDB];
	s0 =	simm.s32 @p2 $0x1  }
0x17: {  	s4 =	simm.s32 $0x1BF5;
	[smem:$0x3FAF] =	sst s0  }
0x18: {  	s0 =	sld [smem:$0x3F92];
	_ =	swait.ge [sflag:s4], $0x0  }
0x19: {  	s7 =	sld [smem:$0x3F93]  }
0x1a: {  	s8 =	sadd.s32 $0xFFFFE003, lr  }
0x1b: {  	s9 =	sadd.s32 $0xFFFFFEF7, lr;
	s5 =	simm.s32 $0xFFFFFFFF;
	p2 =	slt.u32 s8, $0xFFFFF086  }
0x1c: {  	p1 =	slt.u32 s9, $0xF7A;
	s5 =	simm.s32 @!p2 $0x0  }
0x1d: {  	s5 =	simm.s32 @p1 $0x1;
	p0 =	seq.s32 s7, s2  }
0x1e: {  	s7 =	smul.u32 @!p0 $0xF7A, s2;
	p2 =	seq.s32 @!p0 s5, $0x0  }
0x1f: {  	s9 =	smul.u32 $0xF7A, s1;
	s8 =	simm.s32 @!p0 $0x1BF5;
	p2 =	por !p2, p0  }
0x20: {  	[sflag:s8] =	ssyncset.s32 @!p0 $0xFFFFF086;
	s6 =	sadd.s32 @!p0 s3, s7;
	s7 =	simm.s32 @!p0 $0x108  }
0x21: {  	s3 =	sadd.s32 s3, s9;
	s6 =	sadd.s32 @!p0 $0x88, s6;
	s7 =	simm.s32 @p2 $0x1082  }
0x22: {  	[simem:s7], [sflag:s8] =	dma.local @!p0 [hbm:s6], $0xF7A  }
0x23: {  	s9 =	sor.u32 $0xD0000000, s2;
	s6 =	simm.s32 $0x108;
	_ =	swait.ge @!p0 [sflag:s8], $0x0  }
0x24: {  	s3 =	sadd.s32 $0x88, s3;
	s6 =	simm.s32 @!p1 $0x1082;
	[sflag:s4] =	ssyncset.s32 $0xFFFFF086  }
0x25: {  	[simem:s6], [sflag:s4] =	dma.local [hbm:s3], $0xF7A  }
0x26: {  	[smem:$0x3F93] =	sst s1;
	(tag) =	ssettag s2;
	_ =	strace s9  }
0x27: {  	s1 =	sld [smem:$0x3FA3]  }
0x28: {  	s2 =	sld [smem:$0x3FA4]  }
0x29: {  	s4 =	sld [smem:$0x3FA6]  }
0x2a: {  	p0 =	seq.s32 s5, $0x0;
	s5 =	sld [smem:$0x3FA7]  }
0x2b: {  	s6 =	sld [smem:$0x3FA8]  }
0x2c: {  	s7 =	sld [smem:$0x3FA9]  }
0x2d: {  	s3 =	simm.s32 $0x108;
	s8 =	sld [smem:$0x3FAA]  }
0x2e: {  	s3 =	simm.s32 @!p0 $0x1082;
	s9 =	sld [smem:$0x3FAB]  }
0x2f: {  	lr =	sadd.s32 s0, s3;
	s0 =	sld [smem:$0x3FA2]  }
0x30: {  	s3 =	sld [smem:$0x3FA5]  }
0x31: {  	[smem:$0x3FAE] =	sst s10  }
0x32: {  	s10 =	sld [smem:$0x3FAC];
	_ =	sdelay $0x3  }
0x33: {  	p0 =	seq.s32 s10, $0x1;
	s10 =	sld [smem:$0x3FAE];
	_ =	sdelay $0x3  }
0x34: {  	[smem:$0x3FAE] =	sst s10  }
0x35: {  	s10 =	sld [smem:$0x3FAD];
	_ =	sdelay $0x3  }
0x36: {  	p1 =	seq.s32 s10, $0x1;
	s10 =	sld [smem:$0x3FAE];
	_ =	sdelay $0x3  }
0x37: {  	[smem:$0x3FAE] =	sst s10  }
0x38: {  	s10 =	sld [smem:$0x3FAF]  }
0x39: {  	_ = 	snop;
	(pc) =	sbr.ind lr, $3  }
0x3a: {  	_ = 	snop  }
0x3b: {  	_ = 	snop  }
0x3c: {  	p2 =	seq.s32 s10, $0x1;
	s10 =	sld [smem:$0x3FAE]  }
0x3d: {  	_ =	shalt  }
0x3e: {  	_ =	shalt  }
0x3f: {  	_ =	shalt  }
0x40: {  	_ =	shalt  }
0x41: {  	_ =	shalt  }
0x42: {  	_ =	shalt  }
0x43: {  	_ =	shalt  }
0x44: {  	_ =	shalt  }
0x45: {  	_ =	shalt  }
0x46: {  	_ =	shalt  }
0x47: {  	_ =	shalt  }
0x48: {  	_ =	shalt  }
0x49: {  	_ =	shalt  }
0x4a: {  	_ =	shalt  }
0x4b: {  	_ =	shalt  }
0x4c: {  	_ =	shalt  }
0x4d: {  	_ =	shalt  }
0x4e: {  	_ =	shalt  }
0x4f: {  	_ =	shalt  }
0x50: {  	_ =	shalt  }
0x51: {  	_ =	shalt  }
0x52: {  	_ =	shalt  }
0x53: {  	_ =	shalt  }
0x54: {  	_ =	shalt  }
0x55: {  	_ =	shalt  }
0x56: {  	_ =	shalt  }
0x57: {  	_ =	shalt  }
0x58: {  	_ =	shalt  }
0x59: {  	_ =	shalt  }
0x5a: {  	_ =	shalt  }
0x5b: {  	_ =	shalt  }
0x5c: {  	_ =	shalt  }
0x5d: {  	_ =	shalt  }
0x5e: {  	_ =	shalt  }
0x5f: {  	_ =	shalt  }
0x60: {  	_ =	shalt  }
0x61: {  	_ =	shalt  }
0x62: {  	_ =	shalt  }
0x63: {  	_ =	shalt  }
0x64: {  	_ =	shalt  }
0x65: {  	_ =	shalt  }
0x66: {  	_ =	shalt  }
0x67: {  	_ =	shalt  }
0x68: {  	_ =	shalt  }
0x69: {  	_ =	shalt  }
0x6a: {  	_ =	shalt  }
0x6b: {  	_ =	shalt  }
0x6c: {  	_ =	shalt  }
0x6d: {  	_ =	shalt  }
0x6e: {  	_ =	shalt  }
0x6f: {  	_ =	shalt  }
0x70: {  	_ =	shalt  }
0x71: {  	_ =	shalt  }
0x72: {  	_ =	shalt  }
0x73: {  	_ =	shalt  }
0x74: {  	_ =	shalt  }
0x75: {  	_ =	shalt  }
0x76: {  	_ =	shalt  }
0x77: {  	_ =	shalt  }
0x78: {  	_ =	shalt  }
0x79: {  	_ =	shalt  }
0x7a: {  	_ =	shalt  }
0x7b: {  	_ =	shalt  }
0x7c: {  	_ =	shalt  }
0x7d: {  	_ =	shalt  }
0x7e: {  	_ =	shalt  }
0x7f: {  	_ =	shalt  }
0x80: {  	_ =	shalt  }
0x81: {  	_ =	shalt  }
0x82: {  	_ =	shalt  }
0x83: {  	_ =	shalt  }
0x84: {  	_ =	shalt  }
0x85: {  	_ =	shalt  }
0x86: {  	_ =	shalt  }
0x87: {  	_ =	shalt  }
.Lfunc_end0:
.L_simem_size_0:
called_computation.2_lowered:
.L_overlay_start_0:
0x88: {  	s0 =	sld [smem:$0x3FD9]  }
0x89: {  	s1 =	sld [smem:$0x3FFE];
	_ =	sdelay $0x3  }
0x8a: {  	s0 =	sadd.s32 s1, s0  }
0x8b: {  	[smem:$0x3FBA] =	sst s0  }
0x8c: {  	_ = 	snop  }
0x8d: {  	s0 =	sld [smem:$0x3FD0];
	_ =	sdelay $0x2  }
0x8e: {  	s13 =	simm.s32 $0xB;
	s2 =	simm.s32 $0x10  }
0x8f: {  	[smem:s2], [sflag:s13] =	dma.local [hbm:s0], $0x1  }
0x90: {  	_ =	swait.eq [sflag:s13], $0x1  }
0x91: {  	[sflag:s13] =	ssyncset.done $0x0  }
0x92: {  	[sflag:s13] =	ssyncadd.s32 $0xFFFFFFFF  }
0x93: {  	s14 =	sld [smem:$0x10];
	(tm) =	ssettm $0x1  }
0x94: {  	s15 =	sld [smem:$0x3FFB];
	_ =	sdelay $0x3  }
0x95: {  	_ =	strace s15  }
0x96: {  	s1 =	sld [smem:$0x3FFC];
	_ =	sdelay $0x3  }
0x97: {  	_ =	strace s1  }
0x98: {  	s1 =	sld [smem:$0x3FFD];
	_ =	sdelay $0x3  }
0x99: {  	_ =	strace s1  }
0x9a: {  	_ =	strace $0x8FFFFFFF  }
0x9b: {  	s16 =	sld [smem:$0x3FDB];
	_ =	sdelay $0x1  }
0x9c: {  	s17 =	simm.s32 $_scs_section_size  }
0x9d: {  	s3 =	simm.s32 $_size__tile_overlayer_lowered;
	s4 =	simm.s32 $_tile_overlayer_lowered  }
0x9e: {  	s20 =	simm.s32 $0x1BFF;
	s19 =	sshll.u32 s4, $0x1;
	s1 =	sadd.s32 s17, s16  }
0x9f: {  	s5 =	simm.s32 $0x0;
	s18 =	sshll.u32 s3, $0x1;
	s3 =	sadd.s32 s19, s1  }
0xa0: {  	[timem:s5], [sflag:s20] =	dma.local [hbm:s3], s18  }
0xa1: {  	_ =	swait.ge [sflag:s20], s18  }
0xa2: {  	s2 =	ssub.s32 $0x0, s18;
	[sflag:s20] =	ssyncset.done $0x0  }
0xa3: {  	[sflag:s20] =	ssyncadd.s32 s2;
	_ =	sdelay $0x1  }
0xa4: {  	s21 =	simm.s32 $0x1B8B  }
0xa5: {  	_ =	swait.ge [sflag:s21], $0x1  }
0xa6: {  	[sflag:s21] =	ssyncset.done $0x0  }
0xa7: {  	s23 =	simm.s32 $0x1B8E;
	s22 =	sld [smem:$0x3FFE];
	[sflag:s21] =	ssyncadd.s32 $0xFFFFFFFF  }
0xa8: {  	s24 =	simm.s32 $execute0_lowered;
	[smem:$0x3FD2] =	sst s23  }
0xa9: {  	s3 =	sshll.u32 s24, $0x1;
	_ =	strace $0x8000004F;
	[dreg:$0x1] =	wrdreg $0xFFFFFFFF  }
0xaa: {  	s25 =	simm.s32 $_size_execute0_lowered;
	s1 =	sadd.s32 s1, s3;
	[dreg:$0x0] =	wrdreg $0x0  }
0xab: {  	s3 =	sshll.u32 s25, $0x1;
	[dreg:$0x2] =	wrdreg s1  }
0xac: {  	[dreg:$0x3] =	wrdreg s3  }
0xad: {  	[dreg:$0x4] =	wrdreg $0xC0  }
0xae: {  	_ =	task [dreg:s5], $0x5FFFF  }
0xaf: {  	[dreg:$0x1] =	wrdreg $0xFFFFFFFF  }
0xb0: {  	[dreg:$0x0] =	wrdreg $0x60  }
0xb1: {  	[dreg:$0x2] =	wrdreg s14  }
0xb2: {  	[dreg:$0x3] =	wrdreg s22  }
0xb3: {  	[dreg:$0x4] =	wrdreg $0x9  }
0xb4: {  	_ =	task.clear_ibuf [dreg:s5], $0x5FFFF;
	_ =	strace $0x9000004F  }
0xb5: {  	s26 =	simm.s32 $0x9;
	_ =	strace $0x80000051  }
0xb6: {  	_ =	swait.ge [sflag:s26], $0x1  }
0xb7: {  	[sflag:s26] =	ssyncadd.s32 $0xFFFFFFFF  }
0xb8: {  	_ =	strace $0x90000051  }
0xb9: {  	_ =	sfence  }
0xba: {  	s28 =	sld [smem:$0x0];
	_ =	sdelay $0x1  }
0xbb: {  	s29 =	srdreg.scid  }
0xbc: {  	s30 =	sshll.u32 s29, $0xD;
	s31 =	sshrl.u32 s29, $0x2  }
0xbd: {  	s2 =	sand.u32 $0x4000, s30;
	s1 =	sand.u32 $0x1, s29;
	s0 =	sadd.s32 s31, s28  }
0xbe: {  	s1 =	sor.u32 s2, s1;
	s0 =	sshll.u32 s0, $0x11  }
0xbf: {  	s0 =	sor.u32 s0, s1  }
0xc0: {  	s0 =	sadd.s32 $0x8F2B, s0  }
0xc1: {  	[sflag:s0] =	ssyncadd.remote.s32 $0x1  }
0xc2: {  	_ =	sfence.sel $0xFFFF  }
0xc3: {  	[dreg:$0x0] =	wrdreg $0xFFFFFFFF;
	(pc) =	sbr.abs _section_cstart, $3  }
0xc4: {  	[dreg:$0x1] =	wrdreg $0xFFFFFFFF  }
0xc5: {  	_ =	task.clear_ibuf [dreg:s5], $0x2FFFF;
	_ =	strace $0x9FFFFFFF  }
0xc6: {  	(tm) =	ssettm $0x7FFFFFFF  }
0xc7: {  	_ =	shalt  }
tec
execute0_lowered:
.L_overlay_start_1:
0x0: {  	(tag) =	ssettag $0x1  }
0x1: {  	s1 =	rddreg [dreg:$0x0]  }
0x2: {  	s0 =	rddreg [dreg:$0x1];
	_ =	strace $0x80000050;
	s2 =	simm.s32 $0x1  }
0x3: {  	s8 =	simm.s32 $0x108;
	v0 =	vimm.s32 $0x0;
	[sflag:s2] =	ssyncpa.u1 $0x0  }
0x4: {  	[tilespmem:s8+$0x70] =	vst v0  }
0x5: {  	[tilespmem:s8+$0x60] =	vst v0  }
0x6: {  	[tilespmem:s8+$0x50] =	vst v0  }
0x7: {  	[tilespmem:s8+$0x40] =	vst v0  }
0x8: {  	[tilespmem:s8+$0x30] =	vst v0  }
0x9: {  	s3 =	sadd.s32 $0x35400, s0;
	[tilespmem:s8+$0x20] =	vst v0  }
0xa: {  	s4 =	sadd.s32 $0x49800, s0;
	s5 =	sadd.s32 $0x3F600, s0;
	s2 =	simm.s32 $0x40;
	[tilespmem:s8+$0x10] =	vst v0  }
.LBB2_1:
0xb: {  	s2 =	sadd.s32 $0x40, s2;
	[tilespmem:s8+$0x0] =	vst v0;
	s8 =	sadd.s32 $0x80, s8  }
0xc: {  	p0 =	slt.u32 s2, $0x3C40;
	[tilespmem:s8+$0x70] =	vst v0  }
0xd: {  	[tilespmem:s8+$0x60] =	vst v0  }
.Ltmp0:
0xe: {  	[tilespmem:s8+$0x50] =	vst v0;
	(pc) =	sbr.rel @p0 .LBB2_1-.Ltmp0, $4  }
0xf: {  	[tilespmem:s8+$0x40] =	vst v0  }
0x10: {  	[tilespmem:s8+$0x30] =	vst v0  }
0x11: {  	[tilespmem:s8+$0x20] =	vst v0  }
0x12: {  	[tilespmem:s8+$0x10] =	vst v0  }
0x13: {  	s13 =	stileid.u32  }
0x14: {  	s0 =	simm.s32 $0x4FB0;
	s6 =	smul.u32 $0x50A0, s13;
	p0 =	seq.s32 s13, $0xF  }
0x15: {  	s0 =	simm.s32 @!p0 $0x50A0  }
0x16: {  	s0 =	sadd.s32 s6, s0  }
0x17: {  	s7 =	smin.u32 s0, $0x50910  }
0x18: {  	s0 =	ssub.s32 s7, s6  }
0x19: {  	p0 =	sgt.s32 s0, $0x0  }
0x1a: {  	s0 =	simm.s32 @!p0 $0x0  }
0x1b: {  	s2 =	simm.s32 $0x2;
	s9 =	simm.s32 $0x7;
	s31 =	smulhi.u32 $0x1111112, s0  }
0x1c: {  	s10 =	simm.s32 $0x8;
	s19 =	simm.s32 $0x0;
	s15 =	simm.s32 $0xA  }
0x1d: {  	s17 =	simm.s32 $0x0;
	s18 =	simm.s32 $0x0;
	s11 =	smul.u32 $0xF0, s31  }
.Ltmp1:
0x1e: {  	[tilespmem:s8+$0x0] =	vst v0;
	v0 =	vimm.s32 $0xFFFFFFFF;
	[sflag:s2] =	ssyncpa.u1 $0x0;
	s13 =	sshll.u32 s13, $0x8;
	(pc) =	sbr.rel .LBB2_3-.Ltmp1, $4  }
0x1f: {  	[tilespmem:$0xF208] =	vst v0;
	[sflag:s9] =	ssyncpa.u1 $0x0;
	p0 =	sne.s32 s0, s11;
	s0 =	simm.s32 $0x1  }
0x20: {  	[sflag:s10] =	ssyncpa.u1 $0x0;
	s10 =	simm.s32 $0x9;
	s0 =	simm.s32 @!p0 $0x0  }
0x21: {  	s16 =	smov.u32 s6;
	[sflag:s10] =	ssyncpa.u1 $0x0;
	s12 =	sadd.s32 s0, s31  }
0x22: {  	v0 =	vlaneseq.u32;
	s11 =	simm.s32 $0x1;
	p0 =	por $0x0, $0x0;
	s14 =	sadd.s32 $0x1, s12  }
.LBB2_18:
0x23: {  	s0 =	sshrl.u32 s28, $0x2  }
.LBB2_20:
0x24: {  	_ =	swait.ge [sflag:s15], s0  }
0x25: {  	s31 =	ssub.s32 $0x0, s0;
	v1 =	vmov s21;
	vm0 =	veq.s32 v0, $0x0;
	[sflag:s15] =	ssyncset.done $0x0  }
0x26: {  	vm15 =	veq.s32 v0, $0x2;
	v1 =	vsel vm0, s26, v1;
	[sflag:s15] =	ssyncadd.s32 s31  }
0x27: {  	v1 =	vsel vm15, s19, v1;
	[sflag:s15] =	ssyncpa.u1 $0x1  }
0x28: {  	[tilespmem:$0xF208] =	vst v1  }
.LBB2_21:
0x29: {  	s0 =	sadd.s32 $0xF0, s16  }
0x2a: {  	s2 =	smov.u32 s6;
	p1 =	slt.s32 s0, s7  }
0x2b: {  	s2 =	smov.u32 @p1 s0;
	p1 =	sne.s32 s18, s14  }
.Ltmp2:
0x2c: {  	_ = 	snop;
	(pc) =	sbr.rel @!p1 .LBB2_22-.Ltmp2, $3  }
0x2d: {  	_ =	sdelay $0x1  }
0x2e: {  	s19 =	smov.u32 s17;
	s31 =	sadd.s32 $0x1, s18;
	s17 =	smov.u32 s16  }
0x2f: {  	p0 =	por !p0, !p0;
	s18 =	smov.u32 s31;
	s16 =	smov.u32 s2  }
.LBB2_3:
0x30: {  	p1 =	sge.u32 s18, s12  }
0x31: {  	s0 =	smulhi.u32 @!p1 $0xAAAAAAAB, s18  }
0x32: {  	s2 =	smov.u32 s16;
	p2 =	sgt.s32 @!p1 s16, $0x50820  }
0x33: {  	s20 =	sshra.s32 @!p1 s16, $0x1F;
	p2 =	por !p2, p1;
	s0 =	sshrl.u32 @!p1 s0, $0x1  }
0x34: {  	s20 =	sand.u32 @!p1 s20, s16;
	s2 =	simm.s32 @p2 $0x50820;
	s0 =	smul.u32 @!p1 $0x3, s0  }
0x35: {  	s2 =	ssub.s32 @!p1 s2, s20  }
0x36: {  	s2 =	sadd.s32 @!p1 $0xFFFAF7E0, s2;
	s0 =	ssub.s32 @!p1 s18, s0  }
0x37: {  	s20 =	sshll.u32 @!p1 s2, $0x2;
	p2 =	sgt.s32 @!p1 s2, $0xEF;
	s0 =	smul.u32 @!p1 $0x3C0, s0  }
0x38: {  	s21 =	sand.u32 @!p1 $0x7, s16;
	s2 =	ssub.s32 @!p1 $0x3C0, s20;
	p2 =	por !p2, p1  }
0x39: {  	s20 =	sshrl.u32 @!p1 s16, $0x3;
	s2 =	sshrl.u32 @!p1 s2, $0x2;
	s0 =	sshrl.u32 @!p1 s0, $0x2  }
0x3a: {  	s20 =	sadd.s32 @!p1 s5, s20;
	s2 =	simm.s32 @!p2 $0x0;
	s0 =	sadd.s32 @!p1 $0x10238, s0  }
0x3b: {  	[tilespmem:s0], [sflag:$0x8] =	stream.linear.gather @!p1 [hbm4b:s20+s21], s2, $0x38;
	[tilespmem:$0x1F6E8] =	vst v63  }
0x3c: {  	s0 =	sadd.s32 $0xFFFFFFFF, s18  }
0x3d: {  	p1 =	sge.u32 s0, s12  }
0x3e: {  	p2 =	sgt.s32 @!p1 s17, $0x50820  }
0x3f: {  	s2 =	smov.u32 s17;
	s20 =	sshra.s32 @!p1 s17, $0x1F;
	p2 =	por !p2, p1  }
0x40: {  	s20 =	sand.u32 @!p1 s20, s17;
	s2 =	simm.s32 @p2 $0x50820  }
0x41: {  	s2 =	ssub.s32 @!p1 s2, s20  }
0x42: {  	s2 =	sadd.s32 @!p1 $0xFFFAF7E0, s2  }
0x43: {  	s21 =	smulhi.u32 @!p1 $0xAAAAAAAB, s0;
	s22 =	sand.u32 @!p1 $0x1, s0;
	s20 =	sshll.u32 @!p1 s2, $0x2  }
0x44: {  	s24 =	smul.u32 @!p1 $0x3C0, s22;
	p2 =	sgt.s32 @!p1 s2, $0xEF;
	s2 =	ssub.s32 @!p1 $0x3C0, s20  }
0x45: {  	p2 =	por !p2, p1;
	s20 =	sshrl.u32 @!p1 s21, $0x1;
	s2 =	sshrl.u32 @!p1 s2, $0x2  }
0x46: {  	s21 =	simm.s32 @!p1 $0x8;
	s20 =	smul.u32 @!p1 $0x3, s20;
	s2 =	simm.s32 @!p2 $0x0  }
0x47: {  	s22 =	smul.u32 @!p1 $0x1E000, s22;
	_ =	swait.ge @!p1 [sflag:s21], s2;
	s23 =	ssub.s32 @!p1 $0x0, s2  }
0x48: {  	s0 =	ssub.s32 @!p1 s0, s20;
	s20 =	sshrl.u32 @!p1 s17, $0x3;
	[sflag:s21] =	ssyncset.done @!p1 $0x0  }
0x49: {  	s20 =	sadd.s32 @!p1 s3, s20;
	[sflag:s21] =	ssyncadd.s32 @!p1 s23;
	s21 =	sshrl.u32 @!p1 s24, $0x2  }
0x4a: {  	s0 =	smul.u32 @!p1 $0x3C0, s0;
	s23 =	sand.u32 @!p1 $0x7, s17;
	s21 =	sor.u32 @!p1 $0x10508, s21  }
0x4b: {  	[tilespmem:s21], [sflag:$0x9] =	stream.linear.gather @!p1 [hbm4b:s20+s23], s2, $0x38;
	[tilespmem:$0x1F6E8] =	vst v63  }
0x4c: {  	s0 =	sshrl.u32 @!p1 s0, $0x2;
	s2 =	sshrl.u32 @!p1 s22, $0x2  }
0x4d: {  	s0 =	sadd.s32 @!p1 $0x10238, s0;
	s20 =	simm.s32 @!p1 $0xF0;
	s2 =	sor.u32 @!p1 $0x106E8, s2  }
0x4e: {  	[tilespmem:s2], [sflag:$0x7] =	stream.indirect.gather @!p1 [hbm4b:s4+s20], $0x80, s0, s20, $0xb8;
	[tilespmem:$0x1F6E8] =	vst v63  }
0x4f: {  	p1 =	slt.u32 s18, $0x2  }
.Ltmp3:
0x50: {  	_ = 	snop;
	(pc) =	sbr.rel @p1 .LBB2_21-.Ltmp3, $1  }
0x51: {  	_ =	sdelay $0x3  }
0x52: {  	p1 =	sgt.s32 s19, $0x50820;
	s0 =	smov.u32 s19;
	s2 =	sshra.s32 s19, $0x1F  }
0x53: {  	s0 =	simm.s32 @!p1 $0x50820;
	s2 =	sand.u32 s2, s19  }
0x54: {  	s0 =	ssub.s32 s0, s2  }
0x55: {  	s0 =	sadd.s32 $0xFFFAF7E0, s0  }
0x56: {  	s30 =	sshll.u32 s0, $0x2  }
0x57: {  	_ =	swait.ge [sflag:s9], $0x7800;
	s2 =	ssub.s32 $0x3C0, s30  }
0x58: {  	[sflag:s9] =	ssyncset.done $0x0;
	p1 =	sgt.s32 s0, $0xEF;
	s0 =	sshrl.u32 s2, $0x2  }
0x59: {  	[sflag:s9] =	ssyncadd.s32 $0xFFFF8800;
	s0 =	simm.s32 @p1 $0x0  }
0x5a: {  	_ =	swait.ge [sflag:s10], s0  }
0x5b: {  	s0 =	ssub.s32 $0x0, s0;
	[sflag:s10] =	ssyncset.done $0x0  }
0x5c: {  	[sflag:s10] =	ssyncadd.s32 s0  }
0x5d: {  	v1 =	vld [tilespmem:$0xF208];
	_ =	sdelay $0x4  }
0x5e: {  	(v2sf) =	vpush v1, $0x0  }
0x5f: {  	(v2sf) =	vpush v1, $0x1  }
0x60: {  	(v2sf) =	vpush v1, $0x2;
	_ =	sdelay $0x3  }
0x61: {  	s0 =	sadd.s32 $0xF0, s19  }
0x62: {  	s2 =	ssub.s32 $0x50910, s19;
	p1 =	slt.s32 s7, s0  }
0x63: {  	s0 =	smov.u32 @p1 s7;
	p1 =	sgt.s32 s2, $0x0  }
0x64: {  	s23 =	ssub.s32 s0, s19;
	s2 =	simm.s32 @!p1 $0x0  }
0x65: {  	p1 =	slt.s32 s2, s23  }
0x66: {  	s23 =	smov.u32 @p1 s2  }
0x67: {  	s22 =	simm.s32 $0x1;
	p1 =	slt.s32 s23, $0x1  }
.Ltmp4:
0x68: {  	s22 =	simm.s32 @!p0 $0x0;
	(pc) =	sbr.rel @p1 .LBB2_8-.Ltmp4, $4  }
0x69: {  	s31 =	smul.u32 $0x3C0, s22  }
0x6a: {  	s24 =	spop (v2sf)  }
0x6b: {  	s0 =	sshrl.u32 s31, $0x2;
	s26 =	spop (v2sf)  }
0x6c: {  	s20 =	sor.u32 $0x10508, s0;
	s19 =	spop (v2sf)  }
0x6d: {  	s0 =	smin.u32 s23, $0x10  }
0x6e: {  	v1 =	vmov s0  }
0x6f: {  	p2 =	sgt.s32 s23, $0x10;
	vm1 =	vgt.u32 v1, v0  }
.Ltmp5:
0x70: {  	_ = 	snop;
	(pc) =	sbr.rel @!p2 .LBB2_7-.Ltmp5, $2  }
0x71: {  	_ =	sdelay $0x2  }
0x72: {  	s25 =	simm.s32 $0x10;
	s28 =	sadd.s32 $0xFFFFFFF0, s23;
	s21 =	smov.u32 s20;
	vm0 =	vmmov vm1  }
.LBB2_6:
0x73: {  	s0 =	smin.u32 s28, $0x10;
	s25 =	sadd.s32 $0x10, s25;
	v1 =	vld.msk [tilespmem:s21+$0x0 ss:$0x1], vm1  }
0x74: {  	v2 =	vmov s0;
	p2 =	slt.s32 s25, s23  }
0x75: {  	vm1 =	vgt.u32 v2, v0  }
.Ltmp6:
0x76: {  	(pc) =	sbr.rel @p2 .LBB2_6-.Ltmp6, $3  }
0x77: {  	_ =	sdelay $0x1  }
0x78: {  	v1 =	vshll.u32 v1, $0x4  }
0x79: {  	s28 =	sadd.s32 $0xFFFFFFF0, s28;
	[tilespmem:s21+$0x0] =	vst.msk vm0, v1;
	s21 =	sadd.s32 $0x10, s21;
	vm0 =	vmmov vm1  }
.LBB2_7:
0x7a: {  	_ =	sdelay $0x4  }
0x7b: {  	v1 =	vld.msk [tilespmem:s21+$0x0 ss:$0x1], vm1;
	_ =	sdelay $0x4  }
0x7c: {  	v1 =	vshll.u32 v1, $0x4  }
0x7d: {  	[tilespmem:s21+$0x0] =	vst.msk vm0, v1  }
.LBB2_8:
0x7e: {  	s0 =	sand.u32 $0x1, s18  }
0x7f: {  	s0 =	smul.u32 $0xF0, s0  }
0x80: {  	p2 =	sne.s32 s26, $0xFFFFFFFF  }
0x81: {  	v1 =	vld.msk @!p2 [tilespmem:s0+$0x10508], $0x1;
	_ =	sdelay $0x4  }
0x82: {  	(v2sf) =	vpush @!p2 v1, $0x0;
	_ =	sdelay $0xc  }
.Ltmp7:
0x83: {  	_ = 	snop;
	(pc) =	sbr.rel @p1 .LBB2_19-.Ltmp7, $4  }
0x84: {  	_ = 	snop  }
0x85: {  	s25 =	spop @!p2 (v2sf)  }
0x86: {  	s19 =	simm.s32 @!p2 $0x0;
	s21 =	smov.u32 s25  }
0x87: {  	[sflag:s15] =	ssyncpa.u1 $0x0;
	s25 =	smov.u32 @p2 s24;
	s21 =	smov.u32 @p2 s26  }
0x88: {  	v1 =	vld.msk [tilespmem:s20+$0x0], $0x1;
	_ =	sdelay $0x4  }
0x89: {  	(v2sf) =	vpush v1, $0x0;
	_ =	sdelay $0xe  }
0x8a: {  	s0 =	smul.u32 $0x1E000, s22;
	s29 =	spop (v2sf)  }
0x8b: {  	s23 =	ssub.s32 $0x0, s23;
	p1 =	seq.s32 s25, s29  }
0x8c: {  	s26 =	sadd.s32 $0x1, s23;
	s0 =	sshrl.u32 s0, $0x2;
	p2 =	sgt.s32 @!p1 s25, $0x0  }
0x8d: {  	s22 =	sor.u32 $0x10728, s0;
	s0 =	smov.u32 s25;
	p2 =	por !p2, p1  }
0x8e: {  	s0 =	simm.s32 @p2 $0x0;
	p2 =	seq.s32 s26, $0x0  }
.Ltmp8:
0x8f: {  	_ = 	snop;
	(pc) =	sbr.rel @p2 .LBB2_11-.Ltmp8, $4  }
0x90: {  	_ = 	snop  }
0x91: {  	s24 =	simm.s32 $0x0;
	s28 =	sadd.s32 $0x1, s20;
	s0 =	smin.u32 @!p1 s0, $0x270F0  }
0x92: {  	s30 =	simm.s32 @!p1 $0x1;
	s31 =	simm.s32 @!p1 $0x7988;
	s2 =	sand.u32 @!p1 $0x3FFF8, s0  }
0x93: {  	s30 =	smov.u32 @p1 s24;
	s0 =	sand.u32 @!p1 $0x7, s0;
	s2 =	sadd.s32 @!p1 s1, s2  }
.LBB2_10:
0x94: {  	s8 =	smov.u32 s30  }
0x95: {  	[tilespmem:s31], [sflag:$0x2] =	stream.linear.gather @!p1 [hbm4b:s2+s0], $0x80, $0x38;
	[tilespmem:$0x1F6E8] =	vst v63  }
0x96: {  	s26 =	sadd.s32 $0x1, s26;
	s0 =	smov.u32 s29;
	v1 =	vld.msk [tilespmem:s28+$0x0], $0x1  }
0x97: {  	p2 =	seq.s32 s26, $0x0;
	_ =	sdelay $0x3  }
0x98: {  	(v2sf) =	vpush v1, $0x0;
	_ =	sdelay $0xe  }
0x99: {  	s29 =	spop (v2sf)  }
0x9a: {  	p1 =	seq.s32 s0, s29  }
0x9b: {  	p3 =	sgt.s32 @!p1 s0, $0x0;
	s2 =	sshll.u32 @!p1 s30, $0x9;
	s30 =	sadd.s32 @!p1 $0x1, s30  }
.Ltmp9:
0x9c: {  	p3 =	por !p3, p1;
	s2 =	sshra.s32 @!p1 s2, $0x2;
	(pc) =	sbr.rel @!p2 .LBB2_10-.Ltmp9, $4  }
0x9d: {  	s30 =	smov.u32 @p1 s8;
	s0 =	simm.s32 @p3 $0x0;
	s31 =	sadd.s32 @!p1 $0x7988, s2  }
0x9e: {  	s0 =	smin.u32 @!p1 s0, $0x270F0  }
0x9f: {  	s2 =	sand.u32 @!p1 $0x3FFF8, s0;
	s0 =	sand.u32 @!p1 $0x7, s0  }
0xa0: {  	s28 =	sadd.s32 $0x1, s28;
	s2 =	sadd.s32 @!p1 s1, s2  }
.LBB2_11:
0xa1: {  	[tilespmem:s31], [sflag:$0x2] =	stream.linear.gather @!p1 [hbm4b:s2+s0], $0x80, $0x38;
	[tilespmem:$0x1F6E8] =	vst v63  }
.Ltmp10:
0xa2: {  	s30 =	sshll.u32 s30, $0x7;
	(pc) =	sbr.rel .LBB2_12-.Ltmp10, $4  }
0xa3: {  	s31 =	simm.s32 $0x2;
	s0 =	sand.u32 $0x3FFFFF80, s30  }
0xa4: {  	_ =	swait.ge [sflag:s31], s0  }
0xa5: {  	s0 =	ssub.s32 $0x0, s0;
	[sflag:s31] =	ssyncset.done $0x0  }
0xa6: {  	s28 =	simm.s32 $0x0;
	[sflag:s31] =	ssyncadd.s32 s0  }
.LBB2_13:
0xa7: {  	v1 =	vld [tilespmem:s22+$0xFFFFFFC0];
	_ =	sdelay $0x3  }
0xa8: {  	s0 =	sshra.s32 s0, $0x2  }
0xa9: {  	[tilespmem:s0+$0x108] =	vst.add.f32.msk $0xffff, v1  }
0xaa: {  	v1 =	vld [tilespmem:s22+$0xFFFFFFD0];
	_ =	sdelay $0x4  }
0xab: {  	[tilespmem:s0+$0x118] =	vst.add.f32.msk $0xffff, v1  }
0xac: {  	v1 =	vld [tilespmem:s22+$0xFFFFFFE0];
	_ =	sdelay $0x4  }
0xad: {  	[tilespmem:s0+$0x128] =	vst.add.f32.msk $0xffff, v1  }
0xae: {  	v1 =	vld [tilespmem:s22+$0xFFFFFFF0];
	_ =	sdelay $0x4  }
0xaf: {  	[tilespmem:s0+$0x138] =	vst.add.f32.msk $0xffff, v1  }
0xb0: {  	v1 =	vld [tilespmem:s22+$0x0];
	_ =	sdelay $0x4  }
0xb1: {  	[tilespmem:s0+$0x148] =	vst.add.f32.msk $0xffff, v1  }
0xb2: {  	v1 =	vld [tilespmem:s22+$0x10];
	_ =	sdelay $0x4  }
0xb3: {  	[tilespmem:s0+$0x158] =	vst.add.f32.msk $0xffff, v1  }
0xb4: {  	v1 =	vld [tilespmem:s22+$0x20];
	_ =	sdelay $0x4  }
0xb5: {  	[tilespmem:s0+$0x168] =	vst.add.f32.msk $0xffff, v1  }
0xb6: {  	v1 =	vld [tilespmem:s22+$0x30];
	_ =	sdelay $0x4  }
0xb7: {  	[tilespmem:s0+$0x178] =	vst.add.f32.msk $0xffff, v1  }
.LBB2_17:
0xb8: {  	s23 =	sadd.s32 $0x1, s23  }
0xb9: {  	p1 =	seq.s32 s23, $0x0  }
.Ltmp11:
0xba: {  	_ = 	snop;
	(pc) =	sbr.rel @p1 .LBB2_18-.Ltmp11, $2  }
0xbb: {  	_ =	sdelay $0x2  }
0xbc: {  	s20 =	sadd.s32 $0x1, s20;
	s22 =	sadd.s32 $0x80, s22;
	s25 =	smov.u32 s26  }
.LBB2_12:
0xbd: {  	v1 =	vld.msk [tilespmem:s20+$0x0], $0x1;
	_ =	sdelay $0x4  }
0xbe: {  	(v2sf) =	vpush v1, $0x0;
	_ =	sdelay $0xe  }
0xbf: {  	s26 =	spop (v2sf)  }
0xc0: {  	p1 =	sne.s32 s25, s26  }
.Ltmp12:
0xc1: {  	_ = 	snop;
	(pc) =	sbr.rel @!p1 .LBB2_13-.Ltmp12, $2  }
0xc2: {  	_ =	sdelay $0x2  }
0xc3: {  	s0 =	sshll.u32 s19, $0x9  }
0xc4: {  	p1 =	seq.s32 s25, s21  }
.Ltmp13:
0xc5: {  	_ = 	snop;
	(pc) =	sbr.rel @!p1 .LBB2_15-.Ltmp13, $1  }
0xc6: {  	_ =	sdelay $0x3  }
0xc7: {  	s0 =	sshra.s32 s0, $0x2  }
.Ltmp14:
0xc8: {  	s0 =	sadd.s32 $0x108, s0;
	(pc) =	sbr.rel .LBB2_16-.Ltmp14, $4  }
0xc9: {  	[spmem:s13] =	stream.linear.scatter [tilespmem:s0], [sflag:$0x1], $0x80, $0x38;
	[tilespmem:$0x1F6E8] =	vst v63  }
0xca: {  	_ =	swait.ge [sflag:s11], $0x80  }
0xcb: {  	[sflag:s11] =	ssyncset.done $0x0  }
0xcc: {  	[sflag:s11] =	ssyncadd.s32 $0xFFFFFF80  }
.LBB2_15:
0xcd: {  	s2 =	sshll.u32 s24, $0x9  }
0xce: {  	s2 =	sshra.s32 s2, $0x2  }
0xcf: {  	v1 =	vld [tilespmem:s2+$0x7988];
	_ =	sdelay $0x3  }
0xd0: {  	s0 =	sshra.s32 s0, $0x2  }
0xd1: {  	[tilespmem:s0+$0x108] =	vst.add.f32.msk $0xffff, v1  }
0xd2: {  	v1 =	vld [tilespmem:s2+$0x7998];
	_ =	sdelay $0x4  }
0xd3: {  	[tilespmem:s0+$0x118] =	vst.add.f32.msk $0xffff, v1  }
0xd4: {  	v1 =	vld [tilespmem:s2+$0x79A8];
	_ =	sdelay $0x4  }
0xd5: {  	[tilespmem:s0+$0x128] =	vst.add.f32.msk $0xffff, v1  }
0xd6: {  	v1 =	vld [tilespmem:s2+$0x79B8];
	_ =	sdelay $0x4  }
0xd7: {  	[tilespmem:s0+$0x138] =	vst.add.f32.msk $0xffff, v1  }
0xd8: {  	v1 =	vld [tilespmem:s2+$0x79C8];
	_ =	sdelay $0x4  }
0xd9: {  	[tilespmem:s0+$0x148] =	vst.add.f32.msk $0xffff, v1  }
0xda: {  	v1 =	vld [tilespmem:s2+$0x79D8];
	_ =	sdelay $0x4  }
0xdb: {  	[tilespmem:s0+$0x158] =	vst.add.f32.msk $0xffff, v1  }
0xdc: {  	v1 =	vld [tilespmem:s2+$0x79E8];
	_ =	sdelay $0x4  }
0xdd: {  	[tilespmem:s0+$0x168] =	vst.add.f32.msk $0xffff, v1  }
0xde: {  	v1 =	vld [tilespmem:s2+$0x79F8];
	_ =	sdelay $0x2  }
0xdf: {  	p1 =	sgt.u32 s25, $0x270F0  }
0xe0: {  	s2 =	sand.u32 @!p1 $0x3FFF8, s25  }
0xe1: {  	s8 =	sadd.s32 $0x108, s0;
	[tilespmem:s0+$0x178] =	vst.add.f32.msk $0xffff, v1;
	s0 =	sadd.s32 @!p1 s1, s2;
	s2 =	sand.u32 @!p1 $0x7, s25  }
0xe2: {  	[hbm4b:s0+s2] =	stream.linear.scatter @!p1 [tilespmem:s8], [sflag:$0xA], $0x80, $0x38;
	[tilespmem:$0x1F6E8] =	vst v63  }
0xe3: {  	s0 =	simm.s32 $0x0  }
0xe4: {  	s0 =	simm.s32 @!p1 $0x200  }
0xe5: {  	s28 =	sadd.s32 s0, s28  }
.LBB2_16:
0xe6: {  	s0 =	sadd.s32 $0x1, s19  }
0xe7: {  	s2 =	smulhi.u32 $0x88888889, s0;
	_ =	sdelay $0x1  }
0xe8: {  	v1 =	vld [tilespmem:s22+$0xFFFFFFC0];
	s2 =	sshrl.u32 s2, $0x7  }
0xe9: {  	s2 =	smul.u32 $0xF0, s2;
	_ =	sdelay $0x1  }
0xea: {  	s19 =	ssub.s32 s0, s2  }
0xeb: {  	s0 =	sshll.u32 s19, $0x7  }
0xec: {  	[tilespmem:s0+$0x108] =	vst v1  }
0xed: {  	v1 =	vld [tilespmem:s22+$0xFFFFFFD0];
	_ =	sdelay $0x4  }
0xee: {  	[tilespmem:s0+$0x118] =	vst v1  }
0xef: {  	v1 =	vld [tilespmem:s22+$0xFFFFFFE0];
	_ =	sdelay $0x4  }
0xf0: {  	[tilespmem:s0+$0x128] =	vst v1  }
0xf1: {  	v1 =	vld [tilespmem:s22+$0xFFFFFFF0];
	_ =	sdelay $0x4  }
0xf2: {  	[tilespmem:s0+$0x138] =	vst v1  }
0xf3: {  	v1 =	vld [tilespmem:s22+$0x0];
	_ =	sdelay $0x4  }
0xf4: {  	[tilespmem:s0+$0x148] =	vst v1  }
0xf5: {  	v1 =	vld [tilespmem:s22+$0x10];
	_ =	sdelay $0x4  }
0xf6: {  	[tilespmem:s0+$0x158] =	vst v1  }
0xf7: {  	v1 =	vld [tilespmem:s22+$0x20];
	_ =	sdelay $0x4  }
0xf8: {  	[tilespmem:s0+$0x168] =	vst v1  }
0xf9: {  	v1 =	vld [tilespmem:s22+$0x30]  }
.Ltmp15:
0xfa: {  	_ = 	snop;
	(pc) =	sbr.rel .LBB2_17-.Ltmp15, $2  }
0xfb: {  	_ =	sdelay $0x2  }
0xfc: {  	s24 =	sadd.s32 $0x1, s24;
	[tilespmem:s0+$0x178] =	vst v1  }
.LBB2_19:
.Ltmp16:
0xfd: {  	(pc) =	sbr.rel .LBB2_20-.Ltmp16, $4  }
0xfe: {  	_ = 	snop  }
0xff: {  	s0 =	simm.s32 $0x2  }
0x100: {  	_ =	swait.ge [sflag:s0], $0x0  }
0x101: {  	s26 =	smov.u32 s25;
	[sflag:s0] =	ssyncset.done $0x0;
	s0 =	simm.s32 $0x0  }
.LBB2_22:
0x102: {  	_ =	sfence.sel $0x180000  }
0x103: {  	s0 =	simm.s32 $0x7;
	[bflag:$0x0] =	sbarrier.arrive $0xFFFF  }
0x104: {  	s25 =	simm.s32 $0x8;
	[sflag:s0] =	ssyncpa.u1 $0x1  }
0x105: {  	s26 =	simm.s32 $0x9;
	[sflag:s25] =	ssyncpa.u1 $0x1  }
0x106: {  	s28 =	simm.s32 $0x2;
	[sflag:s26] =	ssyncpa.u1 $0x1  }
0x107: {  	[sflag:s28] =	ssyncpa.u1 $0x1  }
0x108: {  	v0 =	vld [tilespmem:$0xF208];
	_ =	sdelay $0x4  }
0x109: {  	(v2sf) =	vpush v0, $0x0  }
0x10a: {  	(v2sf) =	vpush v0, $0x1;
	_ =	sdelay $0x1  }
0x10b: {  	(v2sf) =	vpush v0, $0x2;
	_ =	sdelay $0xb  }
0x10c: {  	s0 =	spop (v2sf)  }
0x10d: {  	s2 =	spop (v2sf)  }
0x10e: {  	s3 =	smov.u32 s0;
	p0 =	sne.s32 s0, s2  }
0x10f: {  	s4 =	spop (v2sf);
	s3 =	simm.s32 @!p0 $0xFFFFFFFF  }
0x110: {  	v2 =	vimm.s32 $0x1;
	v3 =	vlaneseq.u32;
	p0 =	seq.s32 s4, $0xFFFFFFFF;
	v1 =	vmov s3  }
0x111: {  	s7 =	stileid.u32;
	v0 =	vperm.xlane v0, v2;
	p1 =	sne.s32 @!p0 s0, s2;
	v1 =	vperm.xlane v1, v3  }
0x112: {  	vm0 =	vcmask $0x3F04;
	s6 =	simm.s32 $0xF208;
	s0 =	simm.s32 @!p0 $0x1;
	p1 =	por !p1, p0  }
0x113: {  	s3 =	sshll.u32 s7, $0x1;
	s2 =	sshll.u32 @!p0 s4, $0x9;
	s0 =	simm.s32 @p1 $0x0;
	v0 =	vsel vm0, v1, v0  }
0x114: {  	s5 =	sor.u32 $0x1000, s3;
	s2 =	sshra.s32 @!p0 s2, $0x2;
	s0 =	sor.u32 @!p0 s0, s3;
	[tilespmem:$0xF208] =	vst v0  }
0x115: {  	[spmem:s5] =	stream.linear.scatter [tilespmem:s6], [sflag:$0x1], $0x2, $0x38;
	[tilespmem:$0x1F6E8] =	vst v63  }
0x116: {  	s2 =	sadd.s32 @!p0 $0x108, s2;
	s0 =	sshll.u32 @!p0 s0, $0x7  }
0x117: {  	[spmem:s0] =	stream.linear.scatter @!p0 [tilespmem:s2], [sflag:$0x1], $0x80, $0x38;
	[tilespmem:$0x1F6E8] =	vst v63  }
0x118: {  	s0 =	simm.s32 @!p0 $0x82  }
0x119: {  	s3 =	simm.s32 $0x1;
	s0 =	simm.s32 @p0 $0x2  }
0x11a: {  	_ =	swait.ge [sflag:s3], s0  }
0x11b: {  	s0 =	ssub.s32 $0x0, s0;
	[sflag:s3] =	ssyncset.done $0x0  }
0x11c: {  	[sflag:s3] =	ssyncadd.s32 s0  }
0x11d: {  	_ =	sfence.stream.spmem  }
0x11e: {  	s29 =	simm.s32 $0x3;
	[bflag:$0x0] =	sbarrier.arrive $0xFFFF  }
0x11f: {  	s30 =	simm.s32 $0x4;
	[sflag:s29] =	ssyncpa.u1 $0x1  }
0x120: {  	s31 =	simm.s32 $0x3C;
	[sflag:s30] =	ssyncpa.u1 $0x1  }
0x121: {  	p0 =	sne.s32 s7, $0x0;
	[sflag:s31] =	ssyncpa.u1 $0x1  }
0x122: {  	_ =	sfence @p0  }
0x123: {  	[sflag:s3] =	ssyncpa.u1 @p0 $0x1  }
0x124: {  	_ =	strace @p0 $0x90000050  }
0x125: {  	[bflag:$0x2] =	sbarrier.arrive @p0 $0xFFFF  }
0x126: {  	_ =	shalt @p0  }
.LBB2_23:
0x127: {  	_ =	sfence.stream.spmem;
	s0 =	simm.s32 $0x5  }
0x128: {  	s2 =	simm.s32 $0x1000;
	s3 =	simm.s32 $0xF218;
	[sflag:s0] =	ssyncpa.u1 $0x0  }
0x129: {  	[tilespmem:s3], [sflag:$0x5] =	stream.linear.gather [spmem:s2], $0x20, $0x38;
	[tilespmem:$0x1F6E8] =	vst v63  }
0x12a: {  	s30 =	simm.s32 $0xF238;
	s2 =	simm.s32 $0x0  }
0x12b: {  	[tilespmem:s30], [sflag:$0x5] =	stream.linear.gather [spmem:s2], $0x1000, $0x38;
	[tilespmem:$0x1F6E8] =	vst v63  }
.Ltmp17:
0x12c: {  	_ = 	snop;
	(pc) =	sbr.rel .LBB2_24-.Ltmp17, $4  }
0x12d: {  	_ =	swait.ge [sflag:s0], $0x1020  }
0x12e: {  	[sflag:s0] =	ssyncset.done $0x0  }
0x12f: {  	s31 =	simm.s32 $0x6;
	[sflag:s0] =	ssyncadd.s32 $0xFFFFEFE0  }
0x130: {  	s3 =	simm.s32 $0x0;
	[sflag:s31] =	ssyncpa.u1 $0x0  }
.LBB2_30:
0x131: {  	p0 =	slt.u32 s4, $0x270F1  }
0x132: {  	s0 =	sand.u32 @p0 $0x3FFF8, s4  }
0x133: {  	s4 =	sand.u32 @p0 $0x7, s4;
	s5 =	simm.s32 @p0 $0xF188;
	s0 =	sadd.s32 @p0 s1, s0  }
0x134: {  	[tilespmem:s5], [sflag:$0x6] =	stream.linear.gather @p0 [hbm4b:s0+s4], $0x80, $0x38;
	[tilespmem:$0x1F6E8] =	vst v63  }
0x135: {  	s0 =	simm.s32 @p0 $0x6  }
0x136: {  	_ =	swait.ge @p0 [sflag:s0], $0x80  }
0x137: {  	[sflag:s0] =	ssyncset.done @p0 $0x0  }
0x138: {  	[sflag:s0] =	ssyncadd.s32 @p0 $0xFFFFFF80  }
0x139: {  	v1 =	vld @p0 [tilespmem:$0xF188];
	_ =	sdelay $0x2  }
0x13a: {  	s0 =	sshll.u32 @p0 s3, $0x9  }
0x13b: {  	s4 =	sshrl.u32 @p0 s0, $0x2  }
0x13c: {  	[tilespmem:s4+$0xF238] =	vst.add.f32.msk @p0 $0xffff, v1  }
0x13d: {  	v1 =	vld @p0 [tilespmem:$0xF198];
	_ =	sdelay $0x4  }
0x13e: {  	[tilespmem:s4+$0xF248] =	vst.add.f32.msk @p0 $0xffff, v1  }
0x13f: {  	v1 =	vld @p0 [tilespmem:$0xF1A8];
	_ =	sdelay $0x4  }
0x140: {  	[tilespmem:s4+$0xF258] =	vst.add.f32.msk @p0 $0xffff, v1  }
0x141: {  	v1 =	vld @p0 [tilespmem:$0xF1B8];
	_ =	sdelay $0x4  }
0x142: {  	[tilespmem:s4+$0xF268] =	vst.add.f32.msk @p0 $0xffff, v1  }
0x143: {  	v1 =	vld @p0 [tilespmem:$0xF1C8];
	_ =	sdelay $0x4  }
0x144: {  	[tilespmem:s4+$0xF278] =	vst.add.f32.msk @p0 $0xffff, v1  }
0x145: {  	v1 =	vld @p0 [tilespmem:$0xF1D8];
	_ =	sdelay $0x4  }
0x146: {  	[tilespmem:s4+$0xF288] =	vst.add.f32.msk @p0 $0xffff, v1  }
0x147: {  	v1 =	vld @p0 [tilespmem:$0xF1E8];
	_ =	sdelay $0x4  }
0x148: {  	[tilespmem:s4+$0xF298] =	vst.add.f32.msk @p0 $0xffff, v1  }
0x149: {  	v1 =	vld @p0 [tilespmem:$0xF1F8];
	_ =	sdelay $0x3  }
0x14a: {  	s5 =	sshll.u32 @!p0 s3, $0x9  }
0x14b: {  	s5 =	smov.u32 @p0 s0;
	[tilespmem:s4+$0xF2A8] =	vst.add.f32.msk @p0 $0xffff, v1  }
0x14c: {  	s0 =	sshrl.u32 s5, $0x2;
	[tilespmem:s2+$0xF218] =	vst.msk $0x1, v0  }
0x14d: {  	v0 =	vld [tilespmem:s0+$0xF238];
	_ =	sdelay $0x2  }
0x14e: {  	s31 =	sshll.u32 s2, $0x9  }
0x14f: {  	s4 =	sshra.s32 s31, $0x2  }
0x150: {  	[tilespmem:s4+$0xF238] =	vst v0  }
0x151: {  	v0 =	vld [tilespmem:s0+$0xF248];
	_ =	sdelay $0x4  }
0x152: {  	[tilespmem:s4+$0xF248] =	vst v0  }
0x153: {  	v0 =	vld [tilespmem:s0+$0xF258];
	_ =	sdelay $0x4  }
0x154: {  	[tilespmem:s4+$0xF258] =	vst v0  }
0x155: {  	v0 =	vld [tilespmem:s0+$0xF268];
	_ =	sdelay $0x4  }
0x156: {  	[tilespmem:s4+$0xF268] =	vst v0  }
0x157: {  	v0 =	vld [tilespmem:s0+$0xF278];
	_ =	sdelay $0x4  }
0x158: {  	[tilespmem:s4+$0xF278] =	vst v0  }
0x159: {  	v0 =	vld [tilespmem:s0+$0xF288];
	_ =	sdelay $0x4  }
0x15a: {  	[tilespmem:s4+$0xF288] =	vst v0  }
0x15b: {  	v0 =	vld [tilespmem:s0+$0xF298];
	_ =	sdelay $0x4  }
0x15c: {  	[tilespmem:s4+$0xF298] =	vst v0  }
0x15d: {  	v0 =	vld [tilespmem:s0+$0xF2A8];
	_ =	sdelay $0x4  }
0x15e: {  	s2 =	sadd.s32 $0x1, s2;
	[tilespmem:s4+$0xF2A8] =	vst v0  }
.LBB2_31:
0x15f: {  	s3 =	sadd.s32 $0x1, s3  }
0x160: {  	p0 =	sne.s32 s3, $0x20  }
.Ltmp18:
0x161: {  	_ = 	snop;
	(pc) =	sbr.rel @!p0 .LBB2_32-.Ltmp18, $1  }
0x162: {  	_ =	sdelay $0x3  }
.LBB2_24:
0x163: {  	v0 =	vld.msk [tilespmem:s3+$0xF218], $0x1;
	_ =	sdelay $0x4  }
0x164: {  	(v2sf) =	vpush v0, $0x0;
	_ =	sdelay $0xe  }
0x165: {  	s4 =	spop (v2sf)  }
0x166: {  	p0 =	seq.s32 s4, $0xFFFFFFFF  }
.Ltmp19:
0x167: {  	_ = 	snop;
	(pc) =	sbr.rel @p0 .LBB2_31-.Ltmp19, $1  }
0x168: {  	_ =	sdelay $0x3  }
0x169: {  	p0 =	slt.s32 s2, $0x1  }
.Ltmp20:
0x16a: {  	_ = 	snop;
	(pc) =	sbr.rel @p0 .LBB2_30-.Ltmp20, $1  }
0x16b: {  	_ =	sdelay $0x3  }
0x16c: {  	s5 =	simm.s32 $0xF218;
	p0 =	por $0x0, $0x0  }
0x16d: {  	v1 =	vld.msk @!p0 [tilespmem:s5+$0x0], $0x1;
	_ =	sdelay $0x4  }
0x16e: {  	(v2sf) =	vpush @!p0 v1, $0x0;
	_ =	sdelay $0xd  }
0x16f: {  	p2 =	sne.s32 s2, $0x1  }
.Ltmp21:
0x170: {  	s0 =	spop @!p0 (v2sf);
	(pc) =	sbr.rel @!p2 .LBB2_28-.Ltmp21, $4  }
0x171: {  	p1 =	seq.s32 @!p0 s4, s0  }
0x172: {  	s6 =	simm.s32 $0x0;
	p1 =	por !p1, p0  }
0x173: {  	s0 =	simm.s32 $0xFFFFFFFF;
	s6 =	simm.s32 @p1 $0xFFFFFFFF  }
0x174: {  	s7 =	simm.s32 $0x1;
	s6 =	smov.u32 @p0 s0  }
.LBB2_27:
0x175: {  	s0 =	smov.u32 s6;
	p0 =	sne.s32 s6, $0xFFFFFFFF  }
0x176: {  	s5 =	sadd.s32 $0x1, s5;
	s6 =	smov.u32 s7;
	s7 =	sadd.s32 $0x1, s7  }
0x177: {  	p1 =	sne.s32 s2, s7;
	v1 =	vld.msk @!p0 [tilespmem:s5+$0x0], $0x1;
	_ =	sdelay $0x4  }
0x178: {  	(v2sf) =	vpush @!p0 v1, $0x0;
	_ =	sdelay $0xe  }
.Ltmp22:
0x179: {  	s8 =	spop @!p0 (v2sf);
	(pc) =	sbr.rel @p1 .LBB2_27-.Ltmp22, $4  }
0x17a: {  	p2 =	seq.s32 @!p0 s4, s8  }
0x17b: {  	p2 =	por !p2, p0  }
0x17c: {  	s6 =	simm.s32 @p2 $0xFFFFFFFF  }
0x17d: {  	s6 =	smov.u32 @p0 s0  }
.LBB2_28:
0x17e: {  	p0 =	seq.s32 s6, $0xFFFFFFFF  }
.Ltmp23:
0x17f: {  	_ = 	snop;
	(pc) =	sbr.rel @p0 .LBB2_30-.Ltmp23, $1  }
0x180: {  	_ =	sdelay $0x3  }
0x181: {  	s0 =	sshll.u32 s3, $0x7  }
0x182: {  	s0 =	sand.u32 $0x3FFFFF80, s0  }
0x183: {  	v0 =	vld [tilespmem:s0+$0xF238];
	_ =	sdelay $0x2  }
0x184: {  	s4 =	sshll.u32 s6, $0x9  }
0x185: {  	s4 =	sshra.s32 s4, $0x2  }
0x186: {  	[tilespmem:s4+$0xF238] =	vst.add.f32.msk $0xffff, v0  }
0x187: {  	v0 =	vld [tilespmem:s0+$0xF248];
	_ =	sdelay $0x4  }
0x188: {  	[tilespmem:s4+$0xF248] =	vst.add.f32.msk $0xffff, v0  }
0x189: {  	v0 =	vld [tilespmem:s0+$0xF258];
	_ =	sdelay $0x4  }
0x18a: {  	[tilespmem:s4+$0xF258] =	vst.add.f32.msk $0xffff, v0  }
0x18b: {  	v0 =	vld [tilespmem:s0+$0xF268];
	_ =	sdelay $0x4  }
0x18c: {  	[tilespmem:s4+$0xF268] =	vst.add.f32.msk $0xffff, v0  }
0x18d: {  	v0 =	vld [tilespmem:s0+$0xF278];
	_ =	sdelay $0x4  }
0x18e: {  	[tilespmem:s4+$0xF278] =	vst.add.f32.msk $0xffff, v0  }
0x18f: {  	v0 =	vld [tilespmem:s0+$0xF288];
	_ =	sdelay $0x4  }
0x190: {  	[tilespmem:s4+$0xF288] =	vst.add.f32.msk $0xffff, v0  }
0x191: {  	v0 =	vld [tilespmem:s0+$0xF298];
	_ =	sdelay $0x4  }
0x192: {  	[tilespmem:s4+$0xF298] =	vst.add.f32.msk $0xffff, v0  }
0x193: {  	v0 =	vld [tilespmem:s0+$0xF2A8]  }
.Ltmp24:
0x194: {  	_ = 	snop;
	(pc) =	sbr.rel .LBB2_31-.Ltmp24, $2  }
0x195: {  	_ =	sdelay $0x2  }
0x196: {  	[tilespmem:s4+$0xF2A8] =	vst.add.f32.msk $0xffff, v0  }
.LBB2_32:
0x197: {  	p0 =	slt.s32 s2, $0x1  }
.Ltmp25:
0x198: {  	_ = 	snop;
	(pc) =	sbr.rel @p0 .LBB2_36-.Ltmp25, $3  }
0x199: {  	_ =	sdelay $0x1  }
0x19a: {  	s0 =	simm.s32 $0x6  }
0x19b: {  	s3 =	simm.s32 $0x0;
	[sflag:s0] =	ssyncpa.u1 $0x1  }
0x19c: {  	s0 =	simm.s32 $0xF218  }
0x19d: {  	v0 =	vld.msk [tilespmem:s0+$0x0], $0x1;
	_ =	sdelay $0x4  }
0x19e: {  	(v2sf) =	vpush v0, $0x0;
	_ =	sdelay $0xd  }
0x19f: {  	s2 =	sadd.s32 $0xFFFFFFFF, s2  }
0x1a0: {  	p1 =	sne.s32 s2, $0x0;
	s0 =	spop (v2sf)  }
.Ltmp26:
0x1a1: {  	p0 =	sgt.u32 s0, $0x270F0;
	(pc) =	sbr.rel @!p1 .LBB2_35-.Ltmp26, $4  }
0x1a2: {  	s4 =	simm.s32 $0xF238;
	s5 =	sand.u32 @!p0 $0x3FFF8, s0  }
0x1a3: {  	s6 =	simm.s32 $0x0;
	s0 =	sand.u32 @!p0 $0x7, s0;
	s5 =	sadd.s32 @!p0 s1, s5  }
0x1a4: {  	[hbm4b:s5+s0] =	stream.linear.scatter @!p0 [tilespmem:s4], [sflag:$0x5], $0x80, $0x38;
	[tilespmem:$0x1F6E8] =	vst v63  }
0x1a5: {  	s6 =	simm.s32 @!p0 $0x200;
	s5 =	simm.s32 $0xF219  }
.LBB2_34:
0x1a6: {  	v0 =	vld.msk [tilespmem:s5+$0x0], $0x1;
	s2 =	sadd.s32 $0xFFFFFFFF, s2;
	s3 =	sadd.s32 s3, s6  }
0x1a7: {  	p0 =	sne.s32 s2, $0x0;
	_ =	sdelay $0x3  }
0x1a8: {  	(v2sf) =	vpush v0, $0x0;
	_ =	sdelay $0xe  }
.Ltmp27:
0x1a9: {  	s0 =	spop (v2sf);
	(pc) =	sbr.rel @p0 .LBB2_34-.Ltmp27, $4  }
0x1aa: {  	s6 =	simm.s32 $0x0;
	p1 =	sgt.u32 s0, $0x270F0  }
0x1ab: {  	s4 =	sadd.s32 $0x80, s4;
	s6 =	simm.s32 @!p1 $0x200;
	s7 =	sand.u32 @!p1 $0x3FFF8, s0  }
0x1ac: {  	s5 =	sadd.s32 $0x1, s5;
	s0 =	sand.u32 @!p1 $0x7, s0;
	s7 =	sadd.s32 @!p1 s1, s7  }
0x1ad: {  	[hbm4b:s7+s0] =	stream.linear.scatter @!p1 [tilespmem:s4], [sflag:$0x5], $0x80, $0x38;
	[tilespmem:$0x1F6E8] =	vst v63  }
.LBB2_35:
0x1ae: {  	s0 =	sadd.s32 s3, s6  }
0x1af: {  	s3 =	sshrl.u32 s0, $0x2  }
.LBB2_36:
0x1b0: {  	s0 =	simm.s32 $0x5  }
0x1b1: {  	_ =	swait.ge [sflag:s0], s3  }
0x1b2: {  	s1 =	ssub.s32 $0x0, s3;
	[sflag:s0] =	ssyncset.done $0x0  }
0x1b3: {  	[sflag:s0] =	ssyncadd.s32 s1  }
0x1b4: {  	[sflag:s0] =	ssyncpa.u1 $0x1  }
0x1b5: {  	s30 =	simm.s32 $0x1;
	_ =	sfence  }
0x1b6: {  	[sflag:s30] =	ssyncpa.u1 $0x1  }
0x1b7: {  	_ =	strace $0x90000050  }
0x1b8: {  	[bflag:$0x2] =	sbarrier.arrive $0xFFFF  }
0x1b9: {  	s31 =	rddreg [dreg:$0x2]  }
0x1ba: {  	s0 =	sadd.s32 $0x100000, s31  }
0x1bb: {  	[sflag:s0] =	ssyncadd.tile.s32 $0x1;
	_ =	shalt  }
.Lfunc_end2:
_tile_overlayer_lowered:
.L_overlay_start_2:
0x1bc: {  	(tag) =	ssettag $0x2  }
0x1bd: {  	s0 =	rddreg [dreg:$0x0];
	s2 =	stileid.u32  }
0x1be: {  	s1 =	rddreg [dreg:$0x1];
	p0 =	sne.s32 s2, $0x0  }
0x1bf: {  	s3 =	rddreg [dreg:$0x2];
	[bflag:$0x3] =	sbarrier.arrive $0xFFFF;
	s2 =	simm.s32 @!p0 $0x1C01  }
0x1c0: {  	[timem:s3], [sflag:s2] =	dma.local @!p0 [hbm:s0], s1  }
0x1c1: {  	s0 =	simm.s32 @!p0 $0x1  }
0x1c2: {  	_ =	swait.ge @!p0 [sflag:s0], s1  }
0x1c3: {  	s1 =	ssub.s32 @!p0 $0x0, s1;
	[sflag:s0] =	ssyncset.done @!p0 $0x0  }
0x1c4: {  	[sflag:s0] =	ssyncadd.s32 @!p0 s1  }
0x1c5: {  	[bflag:$0x3] =	sbarrier.arrive $0xFFFF  }
0x1c6: {  	_ =	shalt  }

// kernel: scatter_offload_async_start.3
scs
__scs_entry_jumppad:
0x0: {  	(pc) =	sbr.rel $0x88, $3  }
0x1: {  	(tag) =	ssettag $0x0;
	lr =	simm.s32 $0x1  }
0x2: {  	[smem:$0x3F93] =	sst lr;
	_ =	strace $0xD0000000  }
0x3: {  	_ = 	snop  }
0x4: {  	_ = 	snop  }
0x5: {  	_ = 	snop  }
0x6: {  	_ = 	snop  }
0x7: {  	_ = 	snop  }
__scs_overlays_trampoline_lowered:
0x8: {  	[smem:$0x3FA2] =	sst s0  }
0x9: {  	[smem:$0x3FA3] =	sst s1  }
0xa: {  	[smem:$0x3FA4] =	sst s2  }
0xb: {  	[smem:$0x3FA5] =	sst s3  }
0xc: {  	[smem:$0x3FA6] =	sst s4  }
0xd: {  	[smem:$0x3FA7] =	sst s5  }
0xe: {  	[smem:$0x3FA8] =	sst s6  }
0xf: {  	[smem:$0x3FA9] =	sst s7  }
0x10: {  	[smem:$0x3FAA] =	sst s8  }
0x11: {  	[smem:$0x3FAB] =	sst s9;
	s0 =	simm.s32 @!p0 $0x0  }
0x12: {  	s1 =	sld [smem:$0x3F91];
	s0 =	simm.s32 @p0 $0x1  }
0x13: {  	[smem:$0x3FAC] =	sst s0;
	s0 =	simm.s32 @!p1 $0x0  }
0x14: {  	s2 =	sld [smem:$0x3F90];
	s0 =	simm.s32 @p1 $0x1  }
0x15: {  	[smem:$0x3FAD] =	sst s0;
	s0 =	simm.s32 @!p2 $0x0  }
0x16: {  	s3 =	sld [smem:$0x3FDB];
	s0 =	simm.s32 @p2 $0x1  }
0x17: {  	s4 =	simm.s32 $0x1BF5;
	[smem:$0x3FAF] =	sst s0  }
0x18: {  	s0 =	sld [smem:$0x3F92];
	_ =	swait.ge [sflag:s4], $0x0  }
0x19: {  	s7 =	sld [smem:$0x3F93]  }
0x1a: {  	s8 =	sadd.s32 $0xFFFFE003, lr  }
0x1b: {  	s9 =	sadd.s32 $0xFFFFFEF7, lr;
	s5 =	simm.s32 $0xFFFFFFFF;
	p2 =	slt.u32 s8, $0xFFFFF086  }
0x1c: {  	p1 =	slt.u32 s9, $0xF7A;
	s5 =	simm.s32 @!p2 $0x0  }
0x1d: {  	s5 =	simm.s32 @p1 $0x1;
	p0 =	seq.s32 s7, s2  }
0x1e: {  	s7 =	smul.u32 @!p0 $0xF7A, s2;
	p2 =	seq.s32 @!p0 s5, $0x0  }
0x1f: {  	s9 =	smul.u32 $0xF7A, s1;
	s8 =	simm.s32 @!p0 $0x1BF5;
	p2 =	por !p2, p0  }
0x20: {  	[sflag:s8] =	ssyncset.s32 @!p0 $0xFFFFF086;
	s6 =	sadd.s32 @!p0 s3, s7;
	s7 =	simm.s32 @!p0 $0x108  }
0x21: {  	s3 =	sadd.s32 s3, s9;
	s6 =	sadd.s32 @!p0 $0x88, s6;
	s7 =	simm.s32 @p2 $0x1082  }
0x22: {  	[simem:s7], [sflag:s8] =	dma.local @!p0 [hbm:s6], $0xF7A  }
0x23: {  	s9 =	sor.u32 $0xD0000000, s2;
	s6 =	simm.s32 $0x108;
	_ =	swait.ge @!p0 [sflag:s8], $0x0  }
0x24: {  	s3 =	sadd.s32 $0x88, s3;
	s6 =	simm.s32 @!p1 $0x1082;
	[sflag:s4] =	ssyncset.s32 $0xFFFFF086  }
0x25: {  	[simem:s6], [sflag:s4] =	dma.local [hbm:s3], $0xF7A  }
0x26: {  	[smem:$0x3F93] =	sst s1;
	(tag) =	ssettag s2;
	_ =	strace s9  }
0x27: {  	s1 =	sld [smem:$0x3FA3]  }
0x28: {  	s2 =	sld [smem:$0x3FA4]  }
0x29: {  	s4 =	sld [smem:$0x3FA6]  }
0x2a: {  	p0 =	seq.s32 s5, $0x0;
	s5 =	sld [smem:$0x3FA7]  }
0x2b: {  	s6 =	sld [smem:$0x3FA8]  }
0x2c: {  	s7 =	sld [smem:$0x3FA9]  }
0x2d: {  	s3 =	simm.s32 $0x108;
	s8 =	sld [smem:$0x3FAA]  }
0x2e: {  	s3 =	simm.s32 @!p0 $0x1082;
	s9 =	sld [smem:$0x3FAB]  }
0x2f: {  	lr =	sadd.s32 s0, s3;
	s0 =	sld [smem:$0x3FA2]  }
0x30: {  	s3 =	sld [smem:$0x3FA5]  }
0x31: {  	[smem:$0x3FAE] =	sst s10  }
0x32: {  	s10 =	sld [smem:$0x3FAC];
	_ =	sdelay $0x3  }
0x33: {  	p0 =	seq.s32 s10, $0x1;
	s10 =	sld [smem:$0x3FAE];
	_ =	sdelay $0x3  }
0x34: {  	[smem:$0x3FAE] =	sst s10  }
0x35: {  	s10 =	sld [smem:$0x3FAD];
	_ =	sdelay $0x3  }
0x36: {  	p1 =	seq.s32 s10, $0x1;
	s10 =	sld [smem:$0x3FAE];
	_ =	sdelay $0x3  }
0x37: {  	[smem:$0x3FAE] =	sst s10  }
0x38: {  	s10 =	sld [smem:$0x3FAF]  }
0x39: {  	_ = 	snop;
	(pc) =	sbr.ind lr, $3  }
0x3a: {  	_ = 	snop  }
0x3b: {  	_ = 	snop  }
0x3c: {  	p2 =	seq.s32 s10, $0x1;
	s10 =	sld [smem:$0x3FAE]  }
0x3d: {  	_ =	shalt  }
0x3e: {  	_ =	shalt  }
0x3f: {  	_ =	shalt  }
0x40: {  	_ =	shalt  }
0x41: {  	_ =	shalt  }
0x42: {  	_ =	shalt  }
0x43: {  	_ =	shalt  }
0x44: {  	_ =	shalt  }
0x45: {  	_ =	shalt  }
0x46: {  	_ =	shalt  }
0x47: {  	_ =	shalt  }
0x48: {  	_ =	shalt  }
0x49: {  	_ =	shalt  }
0x4a: {  	_ =	shalt  }
0x4b: {  	_ =	shalt  }
0x4c: {  	_ =	shalt  }
0x4d: {  	_ =	shalt  }
0x4e: {  	_ =	shalt  }
0x4f: {  	_ =	shalt  }
0x50: {  	_ =	shalt  }
0x51: {  	_ =	shalt  }
0x52: {  	_ =	shalt  }
0x53: {  	_ =	shalt  }
0x54: {  	_ =	shalt  }
0x55: {  	_ =	shalt  }
0x56: {  	_ =	shalt  }
0x57: {  	_ =	shalt  }
0x58: {  	_ =	shalt  }
0x59: {  	_ =	shalt  }
0x5a: {  	_ =	shalt  }
0x5b: {  	_ =	shalt  }
0x5c: {  	_ =	shalt  }
0x5d: {  	_ =	shalt  }
0x5e: {  	_ =	shalt  }
0x5f: {  	_ =	shalt  }
0x60: {  	_ =	shalt  }
0x61: {  	_ =	shalt  }
0x62: {  	_ =	shalt  }
0x63: {  	_ =	shalt  }
0x64: {  	_ =	shalt  }
0x65: {  	_ =	shalt  }
0x66: {  	_ =	shalt  }
0x67: {  	_ =	shalt  }
0x68: {  	_ =	shalt  }
0x69: {  	_ =	shalt  }
0x6a: {  	_ =	shalt  }
0x6b: {  	_ =	shalt  }
0x6c: {  	_ =	shalt  }
0x6d: {  	_ =	shalt  }
0x6e: {  	_ =	shalt  }
0x6f: {  	_ =	shalt  }
0x70: {  	_ =	shalt  }
0x71: {  	_ =	shalt  }
0x72: {  	_ =	shalt  }
0x73: {  	_ =	shalt  }
0x74: {  	_ =	shalt  }
0x75: {  	_ =	shalt  }
0x76: {  	_ =	shalt  }
0x77: {  	_ =	shalt  }
0x78: {  	_ =	shalt  }
0x79: {  	_ =	shalt  }
0x7a: {  	_ =	shalt  }
0x7b: {  	_ =	shalt  }
0x7c: {  	_ =	shalt  }
0x7d: {  	_ =	shalt  }
0x7e: {  	_ =	shalt  }
0x7f: {  	_ =	shalt  }
0x80: {  	_ =	shalt  }
0x81: {  	_ =	shalt  }
0x82: {  	_ =	shalt  }
0x83: {  	_ =	shalt  }
0x84: {  	_ =	shalt  }
0x85: {  	_ =	shalt  }
0x86: {  	_ =	shalt  }
0x87: {  	_ =	shalt  }
.Lfunc_end0:
.L_simem_size_0:
called_computation.3_lowered:
.L_overlay_start_0:
0x88: {  	s2 =	sld [smem:$0x3FD9]  }
0x89: {  	s3 =	sld [smem:$0x3FFE];
	_ =	sdelay $0x1  }
0x8a: {  	s1 =	srdreg.scid  }
0x8b: {  	s0 =	sand.u32 $0x1, s1  }
0x8c: {  	s13 =	sshll.u32 s0, $0xA;
	s2 =	sadd.s32 s3, s2  }
0x8d: {  	s2 =	sadd.s32 s2, s13  }
0x8e: {  	[smem:$0x3FBA] =	sst s2  }
0x8f: {  	_ = 	snop  }
0x90: {  	s2 =	sld [smem:$0x3FD0];
	_ =	sdelay $0x2  }
0x91: {  	s14 =	simm.s32 $0xB;
	s4 =	simm.s32 $0x10  }
0x92: {  	[smem:s4], [sflag:s14] =	dma.local [hbm:s2], $0x1  }
0x93: {  	_ =	swait.eq [sflag:s14], $0x1  }
0x94: {  	[sflag:s14] =	ssyncset.done $0x0  }
0x95: {  	[sflag:s14] =	ssyncadd.s32 $0xFFFFFFFF  }
0x96: {  	s15 =	sld [smem:$0x10];
	(tm) =	ssettm $0x1  }
0x97: {  	s16 =	sld [smem:$0x3FFB];
	_ =	sdelay $0x3  }
0x98: {  	_ =	strace s16  }
0x99: {  	s3 =	sld [smem:$0x3FFC];
	_ =	sdelay $0x3  }
0x9a: {  	_ =	strace s3  }
0x9b: {  	s3 =	sld [smem:$0x3FFD];
	_ =	sdelay $0x3  }
0x9c: {  	_ =	strace s3  }
0x9d: {  	_ =	strace $0x8FFFFFFF  }
0x9e: {  	s17 =	sld [smem:$0x3FDB];
	_ =	sdelay $0x1  }
0x9f: {  	s18 =	simm.s32 $_scs_section_size  }
0xa0: {  	s5 =	simm.s32 $_size__tile_overlayer_lowered;
	s6 =	simm.s32 $_tile_overlayer_lowered  }
0xa1: {  	s21 =	simm.s32 $0x1BFF;
	s20 =	sshll.u32 s6, $0x1;
	s3 =	sadd.s32 s18, s17  }
0xa2: {  	s7 =	simm.s32 $0x0;
	s19 =	sshll.u32 s5, $0x1;
	s5 =	sadd.s32 s20, s3  }
0xa3: {  	[timem:s7], [sflag:s21] =	dma.local [hbm:s5], s19  }
0xa4: {  	_ =	swait.ge [sflag:s21], s19  }
0xa5: {  	s4 =	ssub.s32 $0x0, s19;
	[sflag:s21] =	ssyncset.done $0x0  }
0xa6: {  	[sflag:s21] =	ssyncadd.s32 s4;
	_ =	sdelay $0x1  }
0xa7: {  	s22 =	simm.s32 $0x1B8B  }
0xa8: {  	_ =	swait.ge [sflag:s22], $0x1  }
0xa9: {  	[sflag:s22] =	ssyncset.done $0x0  }
0xaa: {  	s23 =	sld [smem:$0x3FFE];
	[sflag:s22] =	ssyncadd.s32 $0xFFFFFFFF  }
0xab: {  	s25 =	simm.s32 $0x1B8E;
	s24 =	sld [smem:$0x0]  }
0xac: {  	s26 =	simm.s32 $execute0_lowered;
	[smem:$0x3FD2] =	sst s25  }
0xad: {  	s6 =	sshll.u32 s26, $0x1;
	_ =	strace $0x80000058;
	[dreg:$0x1] =	wrdreg $0xFFFFFFFF  }
0xae: {  	s28 =	simm.s32 $_size_execute0_lowered;
	s3 =	sadd.s32 s3, s6;
	[dreg:$0x0] =	wrdreg $0x0  }
0xaf: {  	s6 =	sshll.u32 s28, $0x1;
	[dreg:$0x2] =	wrdreg s3  }
0xb0: {  	[dreg:$0x3] =	wrdreg s6  }
0xb1: {  	[dreg:$0x4] =	wrdreg $0xC0  }
0xb2: {  	_ =	task [dreg:s7], $0x5FFFF  }
0xb3: {  	[dreg:$0x1] =	wrdreg $0xFFFFFFFF  }
0xb4: {  	[dreg:$0x0] =	wrdreg $0x60  }
0xb5: {  	[dreg:$0x2] =	wrdreg s15  }
0xb6: {  	[dreg:$0x3] =	wrdreg s23  }
0xb7: {  	[dreg:$0x4] =	wrdreg s1  }
0xb8: {  	[dreg:$0x5] =	wrdreg s24  }
0xb9: {  	[dreg:$0x6] =	wrdreg $0x9  }
0xba: {  	_ =	task.clear_ibuf [dreg:s7], $0x7FFFF;
	_ =	strace $0x90000058  }
0xbb: {  	s29 =	simm.s32 $0x9;
	_ =	strace $0x8000005A  }
0xbc: {  	_ =	swait.ge [sflag:s29], $0x1  }
0xbd: {  	[sflag:s29] =	ssyncadd.s32 $0xFFFFFFFF  }
0xbe: {  	_ =	strace $0x9000005A  }
0xbf: {  	_ =	sfence  }
0xc0: {  	s30 =	sld [smem:$0x0];
	_ =	sdelay $0x2  }
0xc1: {  	s31 =	sshll.u32 s1, $0xD;
	s1 =	sshrl.u32 s1, $0x2  }
0xc2: {  	s3 =	sand.u32 $0x4000, s31;
	s1 =	sadd.s32 s1, s30  }
0xc3: {  	s0 =	sor.u32 s3, s0;
	s1 =	sshll.u32 s1, $0x11  }
0xc4: {  	s0 =	sor.u32 s1, s0  }
0xc5: {  	s0 =	sadd.s32 $0x8F2B, s0  }
0xc6: {  	[sflag:s0] =	ssyncadd.remote.s32 $0x1  }
0xc7: {  	_ =	sfence.sel $0xFFFF  }
0xc8: {  	[dreg:$0x0] =	wrdreg $0xFFFFFFFF;
	(pc) =	sbr.abs _section_cstart, $3  }
0xc9: {  	[dreg:$0x1] =	wrdreg $0xFFFFFFFF  }
0xca: {  	_ =	task.clear_ibuf [dreg:s7], $0x2FFFF;
	_ =	strace $0x9FFFFFFF  }
0xcb: {  	(tm) =	ssettm $0x7FFFFFFF  }
tec
execute0_lowered:
.L_overlay_start_1:
0x0: {  	(tag) =	ssettag $0x1  }
0x1: {  	s1 =	rddreg [dreg:$0x0]  }
0x2: {  	s0 =	rddreg [dreg:$0x1]  }
0x3: {  	s4 =	rddreg [dreg:$0x2];
	_ =	strace $0x80000059;
	s2 =	simm.s32 $0x1  }
0x4: {  	s3 =	simm.s32 $0x108;
	v0 =	vimm.s32 $0x0;
	[sflag:s2] =	ssyncpa.u1 $0x0  }
0x5: {  	[tilespmem:s3+$0x70] =	vst v0  }
0x6: {  	[tilespmem:s3+$0x60] =	vst v0  }
0x7: {  	[tilespmem:s3+$0x50] =	vst v0  }
0x8: {  	[tilespmem:s3+$0x40] =	vst v0  }
0x9: {  	[tilespmem:s3+$0x30] =	vst v0  }
0xa: {  	s12 =	sadd.s32 $0x27A000, s0;
	s6 =	sadd.s32 $0x5000, s0;
	s2 =	sand.u32 $0x1, s4;
	[tilespmem:s3+$0x20] =	vst v0  }
0xb: {  	s14 =	sadd.s32 $0x27A200, s0;
	s0 =	simm.s32 $0x40;
	s15 =	sshll.u32 s2, $0x6;
	[tilespmem:s3+$0x10] =	vst v0  }
.LBB2_1:
0xc: {  	s0 =	sadd.s32 $0x40, s0;
	[tilespmem:s3+$0x0] =	vst v0;
	s3 =	sadd.s32 $0x80, s3  }
0xd: {  	p0 =	slt.u32 s0, $0x840;
	[tilespmem:s3+$0x70] =	vst v0  }
0xe: {  	[tilespmem:s3+$0x60] =	vst v0  }
.Ltmp0:
0xf: {  	[tilespmem:s3+$0x50] =	vst v0;
	(pc) =	sbr.rel @p0 .LBB2_1-.Ltmp0, $4  }
0x10: {  	[tilespmem:s3+$0x40] =	vst v0  }
0x11: {  	[tilespmem:s3+$0x30] =	vst v0  }
0x12: {  	[tilespmem:s3+$0x20] =	vst v0  }
0x13: {  	[tilespmem:s3+$0x10] =	vst v0  }
0x14: {  	s7 =	simm.s32 $0x2  }
0x15: {  	s8 =	simm.s32 $0x9;
	s31 =	stileid.u32;
	s0 =	simm.s32 $0xA  }
0x16: {  	s10 =	simm.s32 $0xB;
	s12 =	sadd.s32 s15, s12;
	s14 =	sadd.s32 s15, s14  }
.Ltmp1:
0x17: {  	s21 =	simm.s32 $0x0;
	s15 =	simm.s32 $0x3248;
	(pc) =	sbr.rel .LBB2_3-.Ltmp1, $4  }
0x18: {  	[tilespmem:s3+$0x0] =	vst v0;
	v0 =	vimm.s32 $0xFFFFFFFF;
	s16 =	simm.s32 $0xC;
	s17 =	simm.s32 $0x1;
	[sflag:s7] =	ssyncpa.u1 $0x0  }
0x19: {  	s20 =	simm.s32 $0x0;
	s19 =	simm.s32 $0x0;
	[tilespmem:$0x2208] =	vst v0;
	[sflag:s8] =	ssyncpa.u1 $0x0  }
0x1a: {  	s9 =	sshll.u32 s31, $0x5;
	s13 =	sshll.u32 s31, $0x8;
	[sflag:s0] =	ssyncpa.u1 $0x0  }
0x1b: {  	s11 =	sadd.s32 $0x20, s9;
	v0 =	vlaneseq.u32;
	s18 =	smov.u32 s9;
	[sflag:s10] =	ssyncpa.u1 $0x0  }
.LBB2_4:
0x1c: {  	p0 =	sgt.s32 s18, $0x1E0;
	s0 =	smov.u32 s18;
	s4 =	sshra.s32 s18, $0x1F  }
0x1d: {  	s0 =	simm.s32 @!p0 $0x1E0;
	s4 =	sand.u32 s4, s18  }
0x1e: {  	s0 =	ssub.s32 s0, s4  }
0x1f: {  	s0 =	sadd.s32 $0xFFFFFE20, s0  }
0x20: {  	s30 =	sshll.u32 s0, $0x2  }
0x21: {  	s4 =	ssub.s32 $0x80, s30  }
0x22: {  	s31 =	sshrl.u32 s18, $0x3;
	p0 =	sgt.s32 s0, $0x1F;
	s0 =	sshrl.u32 s4, $0x2  }
0x23: {  	s5 =	sand.u32 $0x7, s18;
	s4 =	sadd.s32 s31, s14;
	s0 =	simm.s32 @p0 $0x0  }
0x24: {  	[tilespmem:s15], [sflag:$0xA] =	stream.linear.gather [hbm4b:s4+s5], s0, $0x38;
	[tilespmem:$0x52E8] =	vst v63  }
.LBB2_23:
0x25: {  	s0 =	sadd.s32 $0x20, s18  }
0x26: {  	s3 =	smov.u32 s9;
	s19 =	sadd.s32 $0x1, s19;
	p0 =	slt.s32 s0, s11  }
0x27: {  	s3 =	smov.u32 @p0 s0;
	p0 =	sne.s32 s19, $0x3  }
.Ltmp2:
0x28: {  	_ = 	snop;
	(pc) =	sbr.rel @!p0 .LBB2_24-.Ltmp2, $2  }
0x29: {  	_ =	sdelay $0x2  }
0x2a: {  	s21 =	smov.u32 s20;
	s20 =	smov.u32 s18;
	s18 =	smov.u32 s3  }
.LBB2_3:
0x2b: {  	p0 =	sne.s32 s19, $0x0  }
.Ltmp3:
0x2c: {  	_ = 	snop;
	(pc) =	sbr.rel @!p0 .LBB2_4-.Ltmp3, $1  }
0x2d: {  	_ =	sdelay $0x3  }
0x2e: {  	s0 =	sand.u32 $0x1, s19  }
0x2f: {  	p0 =	seq.s32 s0, $0x0  }
0x30: {  	p1 =	sgt.s32 @!p0 s20, $0x1E0  }
0x31: {  	s0 =	smov.u32 s20;
	s4 =	sshra.s32 @!p0 s20, $0x1F;
	p1 =	por !p1, p0  }
0x32: {  	s4 =	sand.u32 @!p0 s4, s20;
	s0 =	simm.s32 @p1 $0x1E0  }
0x33: {  	s0 =	ssub.s32 @!p0 s0, s4  }
0x34: {  	s0 =	sadd.s32 @!p0 $0xFFFFFE20, s0  }
0x35: {  	s4 =	sshll.u32 @!p0 s0, $0x2  }
0x36: {  	p1 =	sgt.s32 @!p0 s0, $0x1F;
	s0 =	ssub.s32 @!p0 $0x80, s4  }
0x37: {  	p1 =	por !p1, p0;
	s0 =	sshrl.u32 @!p0 s0, $0x2  }
0x38: {  	s4 =	simm.s32 @!p0 $0xA;
	s0 =	simm.s32 @!p1 $0x0  }
0x39: {  	_ =	swait.ge @!p0 [sflag:s4], s0  }
0x3a: {  	s5 =	ssub.s32 @!p0 $0x0, s0;
	[sflag:s4] =	ssyncset.done @!p0 $0x0  }
0x3b: {  	[sflag:s4] =	ssyncadd.s32 @!p0 s5;
	s4 =	sshrl.u32 @!p0 s20, $0x3  }
0x3c: {  	s22 =	simm.s32 @!p0 $0x32A8;
	s5 =	sand.u32 @!p0 $0x7, s20;
	s4 =	sadd.s32 @!p0 s4, s12  }
0x3d: {  	[tilespmem:s22], [sflag:$0xB] =	stream.linear.gather @!p0 [hbm4b:s4+s5], s0, $0x38;
	[tilespmem:$0x52E8] =	vst v63  }
0x3e: {  	s0 =	sshll.u32 @!p0 s19, $0x5  }
0x3f: {  	s0 =	sand.u32 @!p0 $0x3FFFFFE0, s0  }
0x40: {  	s4 =	simm.s32 @!p0 $0x20;
	s5 =	simm.s32 @!p0 $0x32E8;
	s0 =	sadd.s32 @!p0 $0x3228, s0  }
0x41: {  	[tilespmem:s5], [sflag:$0x9] =	stream.indirect.gather @!p0 [hbm4b:s6+s4], $0x80, s0, s4, $0xb8;
	[tilespmem:$0x52E8] =	vst v63  }
0x42: {  	p0 =	sne.s32 s19, $0x2  }
.Ltmp4:
0x43: {  	_ = 	snop;
	(pc) =	sbr.rel @p0 .LBB2_23-.Ltmp4, $1  }
0x44: {  	_ =	sdelay $0x3  }
0x45: {  	p0 =	sgt.s32 s21, $0x1E0;
	s0 =	smov.u32 s21;
	s4 =	sshra.s32 s21, $0x1F  }
0x46: {  	s0 =	simm.s32 @!p0 $0x1E0;
	s4 =	sand.u32 s4, s21  }
0x47: {  	s0 =	ssub.s32 s0, s4  }
0x48: {  	s0 =	sadd.s32 $0xFFFFFE20, s0  }
0x49: {  	s31 =	sshll.u32 s0, $0x2  }
0x4a: {  	_ =	swait.ge [sflag:s8], $0x1000;
	s4 =	ssub.s32 $0x80, s31  }
0x4b: {  	[sflag:s8] =	ssyncset.done $0x0;
	p0 =	sgt.s32 s0, $0x1F;
	s0 =	sshrl.u32 s4, $0x2  }
0x4c: {  	[sflag:s8] =	ssyncadd.s32 $0xFFFFF000;
	s0 =	simm.s32 @p0 $0x0  }
0x4d: {  	_ =	swait.ge [sflag:s10], s0  }
0x4e: {  	s0 =	ssub.s32 $0x0, s0;
	[sflag:s10] =	ssyncset.done $0x0  }
0x4f: {  	[sflag:s10] =	ssyncadd.s32 s0  }
0x50: {  	v1 =	vld [tilespmem:$0x2208];
	_ =	sdelay $0x4  }
0x51: {  	(v2sf) =	vpush v1, $0x0  }
0x52: {  	(v2sf) =	vpush v1, $0x1  }
0x53: {  	(v2sf) =	vpush v1, $0x2;
	_ =	sdelay $0x3  }
0x54: {  	s0 =	sadd.s32 $0x20, s21  }
0x55: {  	s4 =	ssub.s32 $0x400, s21;
	p0 =	slt.s32 s11, s0  }
0x56: {  	s0 =	smov.u32 @p0 s11;
	p0 =	sgt.s32 s4, $0x0  }
0x57: {  	s22 =	ssub.s32 s0, s21;
	s4 =	simm.s32 @!p0 $0x0  }
0x58: {  	p0 =	slt.s32 s4, s22  }
0x59: {  	s22 =	smov.u32 @p0 s4  }
0x5a: {  	p0 =	slt.s32 s22, $0x1  }
.Ltmp5:
0x5b: {  	_ = 	snop;
	(pc) =	sbr.rel @p0 .LBB2_10-.Ltmp5, $4  }
0x5c: {  	_ = 	snop  }
0x5d: {  	s24 =	spop (v2sf)  }
0x5e: {  	s25 =	spop (v2sf)  }
0x5f: {  	s21 =	spop (v2sf)  }
0x60: {  	s0 =	smin.u32 s22, $0x10  }
0x61: {  	v1 =	vmov s0  }
0x62: {  	p1 =	sgt.s32 s22, $0x10;
	vm1 =	vgt.u32 v1, v0  }
.Ltmp6:
0x63: {  	_ = 	snop;
	(pc) =	sbr.rel @!p1 .LBB2_9-.Ltmp6, $2  }
0x64: {  	_ =	sdelay $0x2  }
0x65: {  	s23 =	simm.s32 $0x32A8;
	s26 =	simm.s32 $0x10;
	s28 =	sadd.s32 $0xFFFFFFF0, s22;
	vm0 =	vmmov vm1  }
.LBB2_8:
0x66: {  	s0 =	smin.u32 s28, $0x10;
	s26 =	sadd.s32 $0x10, s26;
	v1 =	vld.msk [tilespmem:s23+$0x0 ss:$0x1], vm1  }
0x67: {  	v2 =	vmov s0;
	p1 =	slt.s32 s26, s22  }
0x68: {  	vm1 =	vgt.u32 v2, v0  }
.Ltmp7:
0x69: {  	(pc) =	sbr.rel @p1 .LBB2_8-.Ltmp7, $3  }
0x6a: {  	_ =	sdelay $0x1  }
0x6b: {  	v1 =	vshll.u32 v1, $0x4  }
0x6c: {  	s28 =	sadd.s32 $0xFFFFFFF0, s28;
	[tilespmem:s23+$0x0] =	vst.msk vm0, v1;
	s23 =	sadd.s32 $0x10, s23;
	vm0 =	vmmov vm1  }
.LBB2_9:
0x6d: {  	_ =	sdelay $0x4  }
0x6e: {  	v1 =	vld.msk [tilespmem:s23+$0x0 ss:$0x1], vm1;
	_ =	sdelay $0x4  }
0x6f: {  	v1 =	vshll.u32 v1, $0x4  }
0x70: {  	[tilespmem:s23+$0x0] =	vst.msk vm0, v1  }
.LBB2_10:
0x71: {  	p1 =	sne.s32 s25, $0xFFFFFFFF  }
0x72: {  	v1 =	vld.msk @!p1 [tilespmem:$0x32A8], $0x1;
	_ =	sdelay $0x4  }
0x73: {  	(v2sf) =	vpush @!p1 v1, $0x0;
	_ =	sdelay $0xc  }
.Ltmp8:
0x74: {  	_ = 	snop;
	(pc) =	sbr.rel @p0 .LBB2_21-.Ltmp8, $4  }
0x75: {  	_ = 	snop  }
0x76: {  	s26 =	spop @!p1 (v2sf)  }
0x77: {  	s21 =	simm.s32 @!p1 $0x0;
	s23 =	smov.u32 s26  }
0x78: {  	[sflag:s16] =	ssyncpa.u1 $0x0;
	s26 =	smov.u32 @p1 s24;
	s23 =	smov.u32 @p1 s25  }
0x79: {  	s24 =	simm.s32 $0x32A8  }
0x7a: {  	v1 =	vld.msk [tilespmem:s24+$0x0], $0x1;
	_ =	sdelay $0x4  }
0x7b: {  	(v2sf) =	vpush v1, $0x0;
	_ =	sdelay $0xe  }
0x7c: {  	s30 =	spop (v2sf)  }
0x7d: {  	p0 =	seq.s32 s26, s30  }
0x7e: {  	p1 =	sgt.s32 @!p0 s26, $0x0  }
0x7f: {  	s0 =	smov.u32 s26;
	s28 =	sadd.s32 $0xFFFFFFFF, s22;
	p1 =	por !p1, p0  }
0x80: {  	s0 =	simm.s32 @p1 $0x0;
	p1 =	sne.s32 s28, $0x0  }
.Ltmp9:
0x81: {  	_ = 	snop;
	(pc) =	sbr.rel @!p1 .LBB2_13-.Ltmp9, $4  }
0x82: {  	_ = 	snop  }
0x83: {  	s25 =	simm.s32 $0x0;
	s31 =	simm.s32 @!p0 $0x1;
	s4 =	smin.u32 @!p0 s0, $0x270F0  }
0x84: {  	s29 =	simm.s32 $0x32A9;
	s31 =	smov.u32 @p0 s25;
	s5 =	sand.u32 @!p0 $0x3FFF8, s4  }
0x85: {  	s0 =	simm.s32 @!p0 $0x1188;
	s4 =	sand.u32 @!p0 $0x7, s4;
	s5 =	sadd.s32 @!p0 s1, s5  }
.LBB2_12:
0x86: {  	s3 =	smov.u32 s31  }
0x87: {  	[tilespmem:s0], [sflag:$0x2] =	stream.linear.gather @!p0 [hbm4b:s5+s4], $0x80, $0x38;
	[tilespmem:$0x52E8] =	vst v63  }
0x88: {  	s28 =	sadd.s32 $0xFFFFFFFF, s28;
	s4 =	smov.u32 s30;
	v1 =	vld.msk [tilespmem:s29+$0x0], $0x1  }
0x89: {  	p1 =	sne.s32 s28, $0x0;
	_ =	sdelay $0x3  }
0x8a: {  	(v2sf) =	vpush v1, $0x0;
	_ =	sdelay $0xe  }
0x8b: {  	s30 =	spop (v2sf)  }
0x8c: {  	p0 =	seq.s32 s4, s30  }
0x8d: {  	p2 =	sgt.s32 @!p0 s4, $0x0;
	s0 =	sshll.u32 @!p0 s31, $0x9;
	s31 =	sadd.s32 @!p0 $0x1, s31  }
.Ltmp10:
0x8e: {  	p2 =	por !p2, p0;
	s0 =	sshra.s32 @!p0 s0, $0x2;
	(pc) =	sbr.rel @p1 .LBB2_12-.Ltmp10, $4  }
0x8f: {  	s31 =	smov.u32 @p0 s3;
	s4 =	simm.s32 @p2 $0x0;
	s0 =	sadd.s32 @!p0 $0x1188, s0  }
0x90: {  	s3 =	smin.u32 @!p0 s4, $0x270F0  }
0x91: {  	s5 =	sand.u32 @!p0 $0x3FFF8, s3;
	s4 =	sand.u32 @!p0 $0x7, s3  }
0x92: {  	s29 =	sadd.s32 $0x1, s29;
	s5 =	sadd.s32 @!p0 s1, s5  }
.LBB2_13:
0x93: {  	[tilespmem:s0], [sflag:$0x2] =	stream.linear.gather @!p0 [hbm4b:s5+s4], $0x80, $0x38;
	[tilespmem:$0x52E8] =	vst v63  }
.Ltmp11:
0x94: {  	s31 =	sshll.u32 s31, $0x7;
	(pc) =	sbr.rel .LBB2_14-.Ltmp11, $4  }
0x95: {  	s0 =	sand.u32 $0x3FFFFF80, s31  }
0x96: {  	_ =	swait.ge [sflag:s7], s0  }
0x97: {  	s0 =	ssub.s32 $0x0, s0;
	[sflag:s7] =	ssyncset.done $0x0  }
0x98: {  	s30 =	simm.s32 $0x3328;
	s29 =	simm.s32 $0x0;
	[sflag:s7] =	ssyncadd.s32 s0  }
.LBB2_15:
0x99: {  	v1 =	vld [tilespmem:s30+$0xFFFFFFC0];
	_ =	sdelay $0x3  }
0x9a: {  	s0 =	sshra.s32 s0, $0x2  }
0x9b: {  	[tilespmem:s0+$0x108] =	vst.add.f32.msk $0xffff, v1  }
0x9c: {  	v1 =	vld [tilespmem:s30+$0xFFFFFFD0];
	_ =	sdelay $0x4  }
0x9d: {  	[tilespmem:s0+$0x118] =	vst.add.f32.msk $0xffff, v1  }
0x9e: {  	v1 =	vld [tilespmem:s30+$0xFFFFFFE0];
	_ =	sdelay $0x4  }
0x9f: {  	[tilespmem:s0+$0x128] =	vst.add.f32.msk $0xffff, v1  }
0xa0: {  	v1 =	vld [tilespmem:s30+$0xFFFFFFF0];
	_ =	sdelay $0x4  }
0xa1: {  	[tilespmem:s0+$0x138] =	vst.add.f32.msk $0xffff, v1  }
0xa2: {  	v1 =	vld [tilespmem:s30+$0x0];
	_ =	sdelay $0x4  }
0xa3: {  	[tilespmem:s0+$0x148] =	vst.add.f32.msk $0xffff, v1  }
0xa4: {  	v1 =	vld [tilespmem:s30+$0x10];
	_ =	sdelay $0x4  }
0xa5: {  	[tilespmem:s0+$0x158] =	vst.add.f32.msk $0xffff, v1  }
0xa6: {  	v1 =	vld [tilespmem:s30+$0x20];
	_ =	sdelay $0x4  }
0xa7: {  	[tilespmem:s0+$0x168] =	vst.add.f32.msk $0xffff, v1  }
0xa8: {  	v1 =	vld [tilespmem:s30+$0x30];
	_ =	sdelay $0x4  }
0xa9: {  	[tilespmem:s0+$0x178] =	vst.add.f32.msk $0xffff, v1  }
.LBB2_19:
0xaa: {  	s22 =	sadd.s32 $0xFFFFFFFF, s22  }
0xab: {  	p0 =	sne.s32 s22, $0x0  }
.Ltmp12:
0xac: {  	_ = 	snop;
	(pc) =	sbr.rel @!p0 .LBB2_20-.Ltmp12, $2  }
0xad: {  	_ =	sdelay $0x2  }
0xae: {  	s24 =	sadd.s32 $0x1, s24;
	s30 =	sadd.s32 $0x80, s30;
	s26 =	smov.u32 s28  }
.LBB2_14:
0xaf: {  	v1 =	vld.msk [tilespmem:s24+$0x0], $0x1;
	_ =	sdelay $0x4  }
0xb0: {  	(v2sf) =	vpush v1, $0x0;
	_ =	sdelay $0xe  }
0xb1: {  	s28 =	spop (v2sf)  }
0xb2: {  	p0 =	sne.s32 s26, s28  }
.Ltmp13:
0xb3: {  	_ = 	snop;
	(pc) =	sbr.rel @!p0 .LBB2_15-.Ltmp13, $2  }
0xb4: {  	_ =	sdelay $0x2  }
0xb5: {  	s0 =	sshll.u32 s21, $0x9  }
0xb6: {  	p0 =	seq.s32 s26, s23  }
.Ltmp14:
0xb7: {  	_ = 	snop;
	(pc) =	sbr.rel @!p0 .LBB2_17-.Ltmp14, $1  }
0xb8: {  	_ =	sdelay $0x3  }
0xb9: {  	s0 =	sshra.s32 s0, $0x2  }
.Ltmp15:
0xba: {  	s0 =	sadd.s32 $0x108, s0;
	(pc) =	sbr.rel .LBB2_18-.Ltmp15, $4  }
0xbb: {  	[spmem:s13] =	stream.linear.scatter [tilespmem:s0], [sflag:$0x1], $0x80, $0x38;
	[tilespmem:$0x52E8] =	vst v63  }
0xbc: {  	_ =	swait.ge [sflag:s17], $0x80  }
0xbd: {  	[sflag:s17] =	ssyncset.done $0x0  }
0xbe: {  	[sflag:s17] =	ssyncadd.s32 $0xFFFFFF80  }
.LBB2_17:
0xbf: {  	s3 =	sshll.u32 s25, $0x9  }
0xc0: {  	s3 =	sshra.s32 s3, $0x2  }
0xc1: {  	v1 =	vld [tilespmem:s3+$0x1188];
	_ =	sdelay $0x3  }
0xc2: {  	s0 =	sshra.s32 s0, $0x2  }
0xc3: {  	[tilespmem:s0+$0x108] =	vst.add.f32.msk $0xffff, v1  }
0xc4: {  	v1 =	vld [tilespmem:s3+$0x1198];
	_ =	sdelay $0x4  }
0xc5: {  	[tilespmem:s0+$0x118] =	vst.add.f32.msk $0xffff, v1  }
0xc6: {  	v1 =	vld [tilespmem:s3+$0x11A8];
	_ =	sdelay $0x4  }
0xc7: {  	[tilespmem:s0+$0x128] =	vst.add.f32.msk $0xffff, v1  }
0xc8: {  	v1 =	vld [tilespmem:s3+$0x11B8];
	_ =	sdelay $0x4  }
0xc9: {  	[tilespmem:s0+$0x138] =	vst.add.f32.msk $0xffff, v1  }
0xca: {  	v1 =	vld [tilespmem:s3+$0x11C8];
	_ =	sdelay $0x4  }
0xcb: {  	[tilespmem:s0+$0x148] =	vst.add.f32.msk $0xffff, v1  }
0xcc: {  	v1 =	vld [tilespmem:s3+$0x11D8];
	_ =	sdelay $0x4  }
0xcd: {  	[tilespmem:s0+$0x158] =	vst.add.f32.msk $0xffff, v1  }
0xce: {  	v1 =	vld [tilespmem:s3+$0x11E8];
	_ =	sdelay $0x4  }
0xcf: {  	[tilespmem:s0+$0x168] =	vst.add.f32.msk $0xffff, v1  }
0xd0: {  	v1 =	vld [tilespmem:s3+$0x11F8];
	_ =	sdelay $0x2  }
0xd1: {  	p0 =	sgt.u32 s26, $0x270F0  }
0xd2: {  	s3 =	sand.u32 @!p0 $0x3FFF8, s26  }
0xd3: {  	s4 =	sadd.s32 $0x108, s0;
	[tilespmem:s0+$0x178] =	vst.add.f32.msk $0xffff, v1;
	s0 =	sadd.s32 @!p0 s1, s3;
	s3 =	sand.u32 @!p0 $0x7, s26  }
0xd4: {  	[hbm4b:s0+s3] =	stream.linear.scatter @!p0 [tilespmem:s4], [sflag:$0xC], $0x80, $0x38;
	[tilespmem:$0x52E8] =	vst v63  }
0xd5: {  	s0 =	simm.s32 $0x0  }
0xd6: {  	s0 =	simm.s32 @!p0 $0x200  }
0xd7: {  	s29 =	sadd.s32 s0, s29  }
.LBB2_18:
0xd8: {  	v1 =	vld [tilespmem:s30+$0xFFFFFFC0];
	_ =	sdelay $0x1  }
0xd9: {  	s0 =	sadd.s32 $0x1, s21  }
0xda: {  	s21 =	sand.u32 $0x1F, s0  }
0xdb: {  	s0 =	sshll.u32 s21, $0x7  }
0xdc: {  	[tilespmem:s0+$0x108] =	vst v1  }
0xdd: {  	v1 =	vld [tilespmem:s30+$0xFFFFFFD0];
	_ =	sdelay $0x4  }
0xde: {  	[tilespmem:s0+$0x118] =	vst v1  }
0xdf: {  	v1 =	vld [tilespmem:s30+$0xFFFFFFE0];
	_ =	sdelay $0x4  }
0xe0: {  	[tilespmem:s0+$0x128] =	vst v1  }
0xe1: {  	v1 =	vld [tilespmem:s30+$0xFFFFFFF0];
	_ =	sdelay $0x4  }
0xe2: {  	[tilespmem:s0+$0x138] =	vst v1  }
0xe3: {  	v1 =	vld [tilespmem:s30+$0x0];
	_ =	sdelay $0x4  }
0xe4: {  	[tilespmem:s0+$0x148] =	vst v1  }
0xe5: {  	v1 =	vld [tilespmem:s30+$0x10];
	_ =	sdelay $0x4  }
0xe6: {  	[tilespmem:s0+$0x158] =	vst v1  }
0xe7: {  	v1 =	vld [tilespmem:s30+$0x20];
	_ =	sdelay $0x4  }
0xe8: {  	[tilespmem:s0+$0x168] =	vst v1  }
0xe9: {  	v1 =	vld [tilespmem:s30+$0x30]  }
.Ltmp16:
0xea: {  	_ = 	snop;
	(pc) =	sbr.rel .LBB2_19-.Ltmp16, $2  }
0xeb: {  	_ =	sdelay $0x2  }
0xec: {  	s25 =	sadd.s32 $0x1, s25;
	[tilespmem:s0+$0x178] =	vst v1  }
.LBB2_20:
.Ltmp17:
0xed: {  	(pc) =	sbr.rel .LBB2_22-.Ltmp17, $2  }
0xee: {  	_ =	sdelay $0x2  }
0xef: {  	s0 =	sshrl.u32 s29, $0x2  }
.LBB2_21:
0xf0: {  	_ =	swait.ge [sflag:s7], $0x0  }
0xf1: {  	s0 =	simm.s32 $0x0;
	s28 =	smov.u32 s26;
	[sflag:s7] =	ssyncset.done $0x0  }
.LBB2_22:
.Ltmp18:
0xf2: {  	_ =	swait.ge [sflag:s16], s0;
	(pc) =	sbr.rel .LBB2_23-.Ltmp18, $4  }
0xf3: {  	s31 =	ssub.s32 $0x0, s0;
	v1 =	vmov s23;
	vm0 =	veq.s32 v0, $0x0;
	[sflag:s16] =	ssyncset.done $0x0  }
0xf4: {  	vm15 =	veq.s32 v0, $0x2;
	v1 =	vsel vm0, s28, v1;
	[sflag:s16] =	ssyncadd.s32 s31  }
0xf5: {  	v1 =	vsel vm15, s21, v1;
	[sflag:s16] =	ssyncpa.u1 $0x1  }
0xf6: {  	[tilespmem:$0x2208] =	vst v1  }
.LBB2_24:
0xf7: {  	_ =	sfence.sel $0x180000  }
0xf8: {  	s0 =	simm.s32 $0x9;
	[bflag:$0x0] =	sbarrier.arrive $0xFFFF  }
0xf9: {  	s24 =	simm.s32 $0xA;
	[sflag:s0] =	ssyncpa.u1 $0x1  }
0xfa: {  	s25 =	simm.s32 $0xB;
	[sflag:s24] =	ssyncpa.u1 $0x1  }
0xfb: {  	s26 =	simm.s32 $0x2;
	[sflag:s25] =	ssyncpa.u1 $0x1  }
0xfc: {  	[sflag:s26] =	ssyncpa.u1 $0x1  }
0xfd: {  	v0 =	vld [tilespmem:$0x2208];
	_ =	sdelay $0x4  }
0xfe: {  	(v2sf) =	vpush v0, $0x0  }
0xff: {  	(v2sf) =	vpush v0, $0x1;
	_ =	sdelay $0x1  }
0x100: {  	(v2sf) =	vpush v0, $0x2;
	_ =	sdelay $0xb  }
0x101: {  	s0 =	spop (v2sf)  }
0x102: {  	s3 =	spop (v2sf)  }
0x103: {  	s4 =	smov.u32 s0;
	p0 =	sne.s32 s0, s3  }
0x104: {  	s5 =	spop (v2sf);
	s4 =	simm.s32 @!p0 $0xFFFFFFFF  }
0x105: {  	v2 =	vimm.s32 $0x1;
	v3 =	vlaneseq.u32;
	p0 =	seq.s32 s5, $0xFFFFFFFF;
	v1 =	vmov s4  }
0x106: {  	s16 =	stileid.u32;
	v0 =	vperm.xlane v0, v2;
	p1 =	sne.s32 @!p0 s0, s3;
	v1 =	vperm.xlane v1, v3  }
0x107: {  	vm0 =	vcmask $0x3F04;
	s7 =	simm.s32 $0x2208;
	s0 =	simm.s32 @!p0 $0x1;
	p1 =	por !p1, p0  }
0x108: {  	s4 =	sshll.u32 s16, $0x1;
	s3 =	sshll.u32 @!p0 s5, $0x9;
	s0 =	simm.s32 @p1 $0x0;
	v0 =	vsel vm0, v1, v0  }
0x109: {  	s6 =	sor.u32 $0x1000, s4;
	s3 =	sshra.s32 @!p0 s3, $0x2;
	s0 =	sor.u32 @!p0 s0, s4;
	[tilespmem:$0x2208] =	vst v0  }
0x10a: {  	[spmem:s6] =	stream.linear.scatter [tilespmem:s7], [sflag:$0x1], $0x2, $0x38;
	[tilespmem:$0x52E8] =	vst v63  }
0x10b: {  	s3 =	sadd.s32 @!p0 $0x108, s3;
	s0 =	sshll.u32 @!p0 s0, $0x7  }
0x10c: {  	[spmem:s0] =	stream.linear.scatter @!p0 [tilespmem:s3], [sflag:$0x1], $0x80, $0x38;
	[tilespmem:$0x52E8] =	vst v63  }
0x10d: {  	s0 =	simm.s32 @!p0 $0x82  }
0x10e: {  	s28 =	simm.s32 $0x1;
	s0 =	simm.s32 @p0 $0x2  }
0x10f: {  	_ =	swait.ge [sflag:s28], s0  }
0x110: {  	s0 =	ssub.s32 $0x0, s0;
	[sflag:s28] =	ssyncset.done $0x0  }
0x111: {  	p0 =	sne.s32 s16, $0x0;
	[sflag:s28] =	ssyncadd.s32 s0  }
.Ltmp19:
0x112: {  	_ =	sfence.stream.spmem;
	(pc) =	sbr.rel @p0 .LBB2_41-.Ltmp19, $4  }
0x113: {  	s29 =	simm.s32 $0x3;
	[bflag:$0x0] =	sbarrier.arrive $0xFFFF  }
0x114: {  	s30 =	simm.s32 $0x4;
	[sflag:s29] =	ssyncpa.u1 $0x1  }
0x115: {  	s31 =	simm.s32 $0x3C;
	[sflag:s30] =	ssyncpa.u1 $0x1  }
0x116: {  	[sflag:s31] =	ssyncpa.u1 $0x1  }
0x117: {  	_ =	sfence.stream.spmem;
	s0 =	simm.s32 $0x5  }
0x118: {  	s3 =	simm.s32 $0x1000;
	s4 =	simm.s32 $0x2218;
	[sflag:s0] =	ssyncpa.u1 $0x0  }
0x119: {  	[tilespmem:s4], [sflag:$0x5] =	stream.linear.gather [spmem:s3], $0x20, $0x38;
	[tilespmem:$0x52E8] =	vst v63  }
0x11a: {  	s26 =	simm.s32 $0x0;
	s28 =	simm.s32 $0x2238  }
0x11b: {  	[tilespmem:s28], [sflag:$0x5] =	stream.linear.gather [spmem:s26], $0x1000, $0x38;
	[tilespmem:$0x52E8] =	vst v63  }
0x11c: {  	_ =	swait.ge [sflag:s0], $0x1020  }
0x11d: {  	[sflag:s0] =	ssyncset.done $0x0  }
0x11e: {  	s29 =	simm.s32 $0x0;
	[sflag:s0] =	ssyncadd.s32 $0xFFFFEFE0  }
0x11f: {  	v0 =	vld.msk [tilespmem:s29+$0x2218], $0x1;
	_ =	sdelay $0x1  }
0x120: {  	s30 =	simm.s32 $0x1  }
0x121: {  	v1 =	vld.msk [tilespmem:s30+$0x2218], $0x1;
	_ =	sdelay $0x1  }
0x122: {  	(v2sf) =	vpush v0, $0x0;
	_ =	sdelay $0x2  }
0x123: {  	(v2sf) =	vpush v1, $0x0;
	_ =	sdelay $0x2  }
0x124: {  	s31 =	simm.s32 $0x2  }
0x125: {  	v0 =	vld.msk [tilespmem:s31+$0x2218], $0x1;
	_ =	sdelay $0x2  }
0x126: {  	s6 =	simm.s32 $0xC;
	s7 =	simm.s32 $0xFFFFFFFF;
	s0 =	simm.s32 $0xFFFFFFFF  }
.LBB2_26:
0x127: {  	s3 =	smov.u32 s7;
	s4 =	smov.u32 s0  }
0x128: {  	s0 =	sshra.s32 s6, $0x2;
	p1 =	sne.s32 s6, $0x7C;
	s6 =	sadd.s32 $0x4, s6;
	(v2sf) =	vpush v0, $0x0  }
0x129: {  	v0 =	vld.msk [tilespmem:s0+$0x2218], $0x1  }
.Ltmp20:
0x12a: {  	(pc) =	sbr.rel @p1 .LBB2_26-.Ltmp20, $4  }
0x12b: {  	s7 =	spop (v2sf)  }
0x12c: {  	p2 =	sne.s32 s4, $0xFFFFFFFF;
	s0 =	smov.u32 s7  }
0x12d: {  	p3 =	seq.s32 s7, $0xFFFFFFFF;
	s0 =	smov.u32 @p2 s4  }
0x12e: {  	s7 =	smov.u32 @p3 s3;
	s0 =	smov.u32 @p3 s4  }
0x12f: {  	(v2sf) =	vpush v0, $0x0;
	_ =	sdelay $0x8  }
0x130: {  	s3 =	spop (v2sf)  }
0x131: {  	p1 =	sne.s32 s0, $0xFFFFFFFF;
	s4 =	smov.u32 s3  }
0x132: {  	s9 =	simm.s32 $0x6;
	p2 =	seq.s32 s3, $0xFFFFFFFF;
	s4 =	smov.u32 @p1 s0  }
0x133: {  	s6 =	simm.s32 $0x0;
	s4 =	smov.u32 @p2 s0;
	s0 =	spop (v2sf)  }
0x134: {  	s3 =	smov.u32 @p2 s7;
	p1 =	sne.s32 s4, $0xFFFFFFFF;
	s5 =	smov.u32 s0  }
.Ltmp21:
0x135: {  	p2 =	seq.s32 s0, $0xFFFFFFFF;
	s5 =	smov.u32 @p1 s4;
	(pc) =	sbr.rel .LBB2_28-.Ltmp21, $4  }
0x136: {  	s10 =	simm.s32 $0x2188;
	s5 =	smov.u32 @p2 s4;
	s7 =	spop (v2sf)  }
0x137: {  	s11 =	simm.s32 $0x0;
	p1 =	sne.s32 s5, $0xFFFFFFFF;
	s8 =	smov.u32 s7  }
0x138: {  	s0 =	smov.u32 @p2 s3;
	p2 =	seq.s32 s7, $0xFFFFFFFF;
	s8 =	smov.u32 @p1 s5  }
0x139: {  	[sflag:s9] =	ssyncpa.u1 $0x0;
	s7 =	smov.u32 @p2 s0;
	s8 =	smov.u32 @p2 s5  }
.LBB2_34:
0x13a: {  	p1 =	sgt.u32 s12, $0x270F0  }
0x13b: {  	p2 =	seq.s32 @!p1 s12, s8  }
0x13c: {  	p1 =	por p1, p2  }
0x13d: {  	p2 =	sne.s32 @!p1 s12, s7  }
0x13e: {  	p1 =	por p1, !p2  }
0x13f: {  	s0 =	sshll.u32 @p1 s11, $0x9  }
0x140: {  	s0 =	sand.u32 @!p1 $0x3FFF8, s12  }
0x141: {  	s3 =	sand.u32 @!p1 $0x7, s12;
	s0 =	sadd.s32 @!p1 s1, s0  }
0x142: {  	[tilespmem:s10], [sflag:$0x6] =	stream.linear.gather @!p1 [hbm4b:s0+s3], $0x80, $0x38;
	[tilespmem:$0x52E8] =	vst v63  }
0x143: {  	_ =	swait.ge @!p1 [sflag:s9], $0x80  }
0x144: {  	[sflag:s9] =	ssyncset.done @!p1 $0x0  }
0x145: {  	[sflag:s9] =	ssyncadd.s32 @!p1 $0xFFFFFF80  }
0x146: {  	v1 =	vld @!p1 [tilespmem:$0x2188];
	_ =	sdelay $0x2  }
0x147: {  	s0 =	sshll.u32 @!p1 s11, $0x9  }
0x148: {  	s3 =	sshrl.u32 @!p1 s0, $0x2  }
0x149: {  	[tilespmem:s3+$0x2238] =	vst.add.f32.msk @!p1 $0xffff, v1  }
0x14a: {  	v1 =	vld @!p1 [tilespmem:$0x2198];
	_ =	sdelay $0x4  }
0x14b: {  	[tilespmem:s3+$0x2248] =	vst.add.f32.msk @!p1 $0xffff, v1  }
0x14c: {  	v1 =	vld @!p1 [tilespmem:$0x21A8];
	_ =	sdelay $0x4  }
0x14d: {  	[tilespmem:s3+$0x2258] =	vst.add.f32.msk @!p1 $0xffff, v1  }
0x14e: {  	v1 =	vld @!p1 [tilespmem:$0x21B8];
	_ =	sdelay $0x4  }
0x14f: {  	[tilespmem:s3+$0x2268] =	vst.add.f32.msk @!p1 $0xffff, v1  }
0x150: {  	v1 =	vld @!p1 [tilespmem:$0x21C8];
	_ =	sdelay $0x4  }
0x151: {  	[tilespmem:s3+$0x2278] =	vst.add.f32.msk @!p1 $0xffff, v1  }
0x152: {  	v1 =	vld @!p1 [tilespmem:$0x21D8];
	_ =	sdelay $0x4  }
0x153: {  	[tilespmem:s3+$0x2288] =	vst.add.f32.msk @!p1 $0xffff, v1  }
0x154: {  	v1 =	vld @!p1 [tilespmem:$0x21E8];
	_ =	sdelay $0x4  }
0x155: {  	[tilespmem:s3+$0x2298] =	vst.add.f32.msk @!p1 $0xffff, v1  }
0x156: {  	v1 =	vld @!p1 [tilespmem:$0x21F8];
	_ =	sdelay $0x4  }
0x157: {  	[tilespmem:s3+$0x22A8] =	vst.add.f32.msk @!p1 $0xffff, v1  }
0x158: {  	s0 =	sshrl.u32 s0, $0x2;
	[tilespmem:s6+$0x2218] =	vst.msk $0x1, v0  }
0x159: {  	v0 =	vld [tilespmem:s0+$0x2238];
	_ =	sdelay $0x2  }
0x15a: {  	s31 =	sshll.u32 s6, $0x9  }
0x15b: {  	s3 =	sshra.s32 s31, $0x2  }
0x15c: {  	[tilespmem:s3+$0x2238] =	vst v0  }
0x15d: {  	v0 =	vld [tilespmem:s0+$0x2248];
	_ =	sdelay $0x4  }
0x15e: {  	[tilespmem:s3+$0x2248] =	vst v0  }
0x15f: {  	v0 =	vld [tilespmem:s0+$0x2258];
	_ =	sdelay $0x4  }
0x160: {  	[tilespmem:s3+$0x2258] =	vst v0  }
0x161: {  	v0 =	vld [tilespmem:s0+$0x2268];
	_ =	sdelay $0x4  }
0x162: {  	[tilespmem:s3+$0x2268] =	vst v0  }
0x163: {  	v0 =	vld [tilespmem:s0+$0x2278];
	_ =	sdelay $0x4  }
0x164: {  	[tilespmem:s3+$0x2278] =	vst v0  }
0x165: {  	v0 =	vld [tilespmem:s0+$0x2288];
	_ =	sdelay $0x4  }
0x166: {  	[tilespmem:s3+$0x2288] =	vst v0  }
0x167: {  	v0 =	vld [tilespmem:s0+$0x2298];
	_ =	sdelay $0x4  }
0x168: {  	[tilespmem:s3+$0x2298] =	vst v0  }
0x169: {  	v0 =	vld [tilespmem:s0+$0x22A8];
	_ =	sdelay $0x4  }
0x16a: {  	s6 =	sadd.s32 $0x1, s6;
	[tilespmem:s3+$0x22A8] =	vst v0  }
.LBB2_35:
0x16b: {  	s11 =	sadd.s32 $0x1, s11  }
0x16c: {  	p1 =	sne.s32 s11, $0x20  }
.Ltmp22:
0x16d: {  	_ = 	snop;
	(pc) =	sbr.rel @!p1 .LBB2_36-.Ltmp22, $1  }
0x16e: {  	_ =	sdelay $0x3  }
.LBB2_28:
0x16f: {  	v0 =	vld.msk [tilespmem:s11+$0x2218], $0x1;
	_ =	sdelay $0x4  }
0x170: {  	(v2sf) =	vpush v0, $0x0;
	_ =	sdelay $0xe  }
0x171: {  	s12 =	spop (v2sf)  }
0x172: {  	p1 =	seq.s32 s12, $0xFFFFFFFF  }
.Ltmp23:
0x173: {  	_ = 	snop;
	(pc) =	sbr.rel @p1 .LBB2_35-.Ltmp23, $1  }
0x174: {  	_ =	sdelay $0x3  }
0x175: {  	p1 =	slt.s32 s6, $0x1  }
.Ltmp24:
0x176: {  	_ = 	snop;
	(pc) =	sbr.rel @p1 .LBB2_34-.Ltmp24, $1  }
0x177: {  	_ =	sdelay $0x3  }
0x178: {  	s13 =	simm.s32 $0x2218;
	p1 =	por $0x0, $0x0  }
0x179: {  	v1 =	vld.msk @!p1 [tilespmem:s13+$0x0], $0x1;
	_ =	sdelay $0x4  }
0x17a: {  	(v2sf) =	vpush @!p1 v1, $0x0;
	_ =	sdelay $0xd  }
0x17b: {  	p3 =	sne.s32 s6, $0x1  }
.Ltmp25:
0x17c: {  	s0 =	spop @!p1 (v2sf);
	(pc) =	sbr.rel @!p3 .LBB2_32-.Ltmp25, $4  }
0x17d: {  	p2 =	seq.s32 @!p1 s12, s0  }
0x17e: {  	s14 =	simm.s32 $0x0;
	p2 =	por !p2, p1  }
0x17f: {  	s0 =	simm.s32 $0xFFFFFFFF;
	s14 =	simm.s32 @p2 $0xFFFFFFFF  }
0x180: {  	s15 =	simm.s32 $0x1;
	s14 =	smov.u32 @p1 s0  }
.LBB2_31:
0x181: {  	s0 =	smov.u32 s14;
	p1 =	sne.s32 s14, $0xFFFFFFFF  }
0x182: {  	s13 =	sadd.s32 $0x1, s13;
	s14 =	smov.u32 s15;
	s15 =	sadd.s32 $0x1, s15  }
0x183: {  	p2 =	sne.s32 s6, s15;
	v1 =	vld.msk @!p1 [tilespmem:s13+$0x0], $0x1;
	_ =	sdelay $0x4  }
0x184: {  	(v2sf) =	vpush @!p1 v1, $0x0;
	_ =	sdelay $0xe  }
.Ltmp26:
0x185: {  	s3 =	spop @!p1 (v2sf);
	(pc) =	sbr.rel @p2 .LBB2_31-.Ltmp26, $4  }
0x186: {  	p3 =	seq.s32 @!p1 s12, s3  }
0x187: {  	p3 =	por !p3, p1  }
0x188: {  	s14 =	simm.s32 @p3 $0xFFFFFFFF  }
0x189: {  	s14 =	smov.u32 @p1 s0  }
.LBB2_32:
0x18a: {  	p1 =	seq.s32 s14, $0xFFFFFFFF  }
.Ltmp27:
0x18b: {  	_ = 	snop;
	(pc) =	sbr.rel @p1 .LBB2_34-.Ltmp27, $1  }
0x18c: {  	_ =	sdelay $0x3  }
0x18d: {  	s0 =	sshll.u32 s11, $0x7  }
0x18e: {  	s0 =	sand.u32 $0x3FFFFF80, s0  }
0x18f: {  	v0 =	vld [tilespmem:s0+$0x2238];
	_ =	sdelay $0x2  }
0x190: {  	s3 =	sshll.u32 s14, $0x9  }
0x191: {  	s3 =	sshra.s32 s3, $0x2  }
0x192: {  	[tilespmem:s3+$0x2238] =	vst.add.f32.msk $0xffff, v0  }
0x193: {  	v0 =	vld [tilespmem:s0+$0x2248];
	_ =	sdelay $0x4  }
0x194: {  	[tilespmem:s3+$0x2248] =	vst.add.f32.msk $0xffff, v0  }
0x195: {  	v0 =	vld [tilespmem:s0+$0x2258];
	_ =	sdelay $0x4  }
0x196: {  	[tilespmem:s3+$0x2258] =	vst.add.f32.msk $0xffff, v0  }
0x197: {  	v0 =	vld [tilespmem:s0+$0x2268];
	_ =	sdelay $0x4  }
0x198: {  	[tilespmem:s3+$0x2268] =	vst.add.f32.msk $0xffff, v0  }
0x199: {  	v0 =	vld [tilespmem:s0+$0x2278];
	_ =	sdelay $0x4  }
0x19a: {  	[tilespmem:s3+$0x2278] =	vst.add.f32.msk $0xffff, v0  }
0x19b: {  	v0 =	vld [tilespmem:s0+$0x2288];
	_ =	sdelay $0x4  }
0x19c: {  	[tilespmem:s3+$0x2288] =	vst.add.f32.msk $0xffff, v0  }
0x19d: {  	v0 =	vld [tilespmem:s0+$0x2298];
	_ =	sdelay $0x4  }
0x19e: {  	[tilespmem:s3+$0x2298] =	vst.add.f32.msk $0xffff, v0  }
0x19f: {  	v0 =	vld [tilespmem:s0+$0x22A8]  }
.Ltmp28:
0x1a0: {  	_ = 	snop;
	(pc) =	sbr.rel .LBB2_35-.Ltmp28, $2  }
0x1a1: {  	_ =	sdelay $0x2  }
0x1a2: {  	[tilespmem:s3+$0x22A8] =	vst.add.f32.msk $0xffff, v0  }
.LBB2_36:
0x1a3: {  	s0 =	simm.s32 $0x6;
	p1 =	seq.s32 s6, $0x0  }
0x1a4: {  	[sflag:s0] =	ssyncpa.u1 $0x1;
	v0 =	vimm.s32 @p1 $0xFFFFFFFF  }
0x1a5: {  	s9 =	sadd.s32 $0xFFFFFFFF, s6;
	[tilespmem:$0x3238] =	vst @p1 v0  }
0x1a6: {  	v0 =	vld.msk @!p1 [tilespmem:s9+$0x2218], $0x1;
	_ =	sdelay $0x1  }
0x1a7: {  	v1 =	vld.msk @!p1 [tilespmem:$0x2218], $0x1;
	_ =	sdelay $0x2  }
0x1a8: {  	p2 =	seq.s32 @!p1 s9, $0x0;
	v0 =	vbroadcast @!p1 v0, $0x0  }
0x1a9: {  	vm0 =	vmmov @!p1 $0x1;
	p2 =	por !p2, p1  }
0x1aa: {  	v1 =	vnsel @!p1 vm0, $0xFFFFFFFF, v1;
	vm0 =	vcmask @!p1 $0x308;
	v0 =	vpsel !p2, $0xFFFFFFFF, v0  }
0x1ab: {  	p2 =	sne.s32 @!p1 s8, s7;
	v0 =	vsel @!p1 vm0, v1, v0  }
0x1ac: {  	s0 =	simm.s32 @!p1 $0x2238;
	s3 =	simm.s32 @!p1 $0x0;
	p3 =	por !p2, p1;
	[tilespmem:$0x3238] =	vst @!p1 v0  }
0x1ad: {  	[spmem:s3] =	stream.linear.scatter @!p1 [tilespmem:s0], [sflag:$0x1], $0x80, $0x38;
	[tilespmem:$0x52E8] =	vst v63  }
0x1ae: {  	s0 =	sshll.u32 @!p3 s9, $0x9  }
0x1af: {  	s0 =	sshra.s32 @!p3 s0, $0x2  }
0x1b0: {  	s3 =	simm.s32 @!p3 $0x80;
	s0 =	sadd.s32 @!p3 $0x2238, s0  }
0x1b1: {  	[spmem:s3] =	stream.linear.scatter @!p3 [tilespmem:s0], [sflag:$0x1], $0x80, $0x38;
	[tilespmem:$0x52E8] =	vst v63  }
0x1b2: {  	s0 =	simm.s32 @!p3 $0x1  }
0x1b3: {  	_ =	swait.ge @!p3 [sflag:s0], $0x100  }
0x1b4: {  	p1 =	por p2, p1;
	[sflag:s0] =	ssyncset.done @!p3 $0x0  }
0x1b5: {  	[sflag:s0] =	ssyncadd.s32 @!p3 $0xFFFFFF00;
	s0 =	simm.s32 @!p1 $0x1  }
0x1b6: {  	_ =	swait.ge @!p1 [sflag:s0], $0x80  }
0x1b7: {  	s29 =	simm.s32 $0x3238;
	[sflag:s0] =	ssyncset.done @!p1 $0x0  }
0x1b8: {  	s30 =	simm.s32 $0x1000;
	s31 =	simm.s32 $0x1;
	[sflag:s0] =	ssyncadd.s32 @!p1 $0xFFFFFF80  }
0x1b9: {  	[spmem:s30] =	stream.linear.scatter [tilespmem:s29], [sflag:$0x1], $0x10, $0x38;
	[tilespmem:$0x52E8] =	vst v63  }
0x1ba: {  	_ =	swait.ge [sflag:s31], $0x10  }
0x1bb: {  	[sflag:s31] =	ssyncset.done $0x0  }
0x1bc: {  	p1 =	seq.s32 s2, $0x0;
	s10 =	rddreg [dreg:$0x2];
	[sflag:s31] =	ssyncadd.s32 $0xFFFFFFF0  }
0x1bd: {  	s3 =	sshll.u32 @p1 s10, $0xE;
	s8 =	rddreg [dreg:$0x3]  }
0x1be: {  	s0 =	sadd.s32 @p1 $0x15C3C, s3;
	s3 =	sshll.u32 @p1 s8, $0x11  }
0x1bf: {  	_ =	sfence.stream.spmem;
	s0 =	sor.u32 @p1 s3, s0  }
0x1c0: {  	[sflag:s0] =	ssyncadd.remote.s32 @p1 $0x1;
	s0 =	simm.s32 @p1 $0x4  }
0x1c1: {  	s4 =	simm.s32 @!p1 $0x3C;
	s3 =	sand.u32 $0xFFFFFFFE, s10;
	_ =	swait.ge @p1 [sflag:s0], $0x22  }
0x1c2: {  	s5 =	simm.s32 @!p1 $0x0;
	s3 =	sadd.s32 @!p1 $0x4, s3;
	[sflag:s0] =	ssyncset.done @p1 $0x0  }
0x1c3: {  	s7 =	simm.s32 @!p1 $0x100;
	[sflag:s0] =	ssyncadd.s32 @p1 $0xFFFFFFDE;
	s0 =	sshll.u32 @!p1 s3, $0x1A  }
0x1c4: {  	s3 =	sshll.u32 @!p1 s3, $0xD;
	s0 =	sor.u32 @!p1 s0, s8;
	_ =	swait.eq @!p1 [sflag:s4], $0x1  }
0x1c5: {  	s3 =	sor.u32 @!p1 $0x1C04, s3;
	s4 =	simm.s32 @!p1 $0x1C03;
	s0 =	sor.u32 @!p1 $0x80004000, s0  }
0x1c6: {  	[spmem:s7], [sflag:s3] =	dma.general @!p1 [spmem:s5], [sflag:s4], length:$0x20, [dreg:$0x0], stride_count:$0x0, ici_dest:s0, dma_misc:DstOpCode:WRITE  }
0x1c7: {  	p2 =	slt.s32 s9, $0x2;
	s5 =	simm.s32 @!p1 $0x200;
	s7 =	simm.s32 @!p1 $0x202  }
0x1c8: {  	[spmem:s7], [sflag:s3] =	dma.general @!p1 [spmem:s5], [sflag:s4], length:$0x2, [dreg:$0x0], stride_count:$0x0, ici_dest:s0, dma_misc:DstOpCode:WRITE  }
.Ltmp29:
0x1c9: {  	s0 =	simm.s32 @!p1 $0x3;
	(pc) =	sbr.rel @p2 .LBB2_40-.Ltmp29, $4  }
0x1ca: {  	s3 =	sshll.u32 @!p1 s10, $0xE;
	_ =	swait.ge @!p1 [sflag:s0], $0x22  }
0x1cb: {  	s4 =	sshll.u32 @!p1 s8, $0x11;
	s3 =	sadd.s32 @!p1 $0x11C3C, s3;
	[sflag:s0] =	ssyncset.done @!p1 $0x0  }
0x1cc: {  	[sflag:s0] =	ssyncadd.s32 @!p1 $0xFFFFFFDE;
	s0 =	sor.u32 @!p1 s4, s3  }
0x1cd: {  	[sflag:s0] =	ssyncadd.remote.s32 @!p1 $0xFFFFFFFF;
	s0 =	simm.s32 $0x0  }
0x1ce: {  	s0 =	simm.s32 $0x2219  }
0x1cf: {  	v0 =	vld.msk [tilespmem:s0+$0x0], $0x1;
	_ =	sdelay $0x4  }
0x1d0: {  	(v2sf) =	vpush v0, $0x0;
	_ =	sdelay $0xd  }
0x1d1: {  	s3 =	sadd.s32 $0xFFFFFFFE, s6  }
0x1d2: {  	s5 =	sadd.s32 $0xFFFFFFFF, s3;
	s0 =	spop (v2sf)  }
0x1d3: {  	p2 =	sne.s32 s5, $0x0;
	p1 =	sgt.u32 s0, $0x270F0  }
.Ltmp30:
0x1d4: {  	s6 =	sand.u32 @!p1 $0x3FFF8, s0;
	(pc) =	sbr.rel @!p2 .LBB2_39-.Ltmp30, $4  }
0x1d5: {  	s4 =	simm.s32 $0x22B8;
	s0 =	sand.u32 @!p1 $0x7, s0;
	s3 =	sadd.s32 @!p1 s1, s6  }
0x1d6: {  	[hbm4b:s3+s0] =	stream.linear.scatter @!p1 [tilespmem:s4], [sflag:$0x5], $0x80, $0x38;
	[tilespmem:$0x52E8] =	vst v63  }
0x1d7: {  	s0 =	simm.s32 $0x0  }
0x1d8: {  	s7 =	simm.s32 $0x221A;
	s6 =	simm.s32 $0x0;
	s0 =	simm.s32 @!p1 $0x200  }
.LBB2_38:
0x1d9: {  	v0 =	vld.msk [tilespmem:s7+$0x0], $0x1;
	s5 =	sadd.s32 $0xFFFFFFFF, s5;
	s6 =	sadd.s32 s6, s0  }
0x1da: {  	p1 =	sne.s32 s5, $0x0;
	_ =	sdelay $0x3  }
0x1db: {  	(v2sf) =	vpush v0, $0x0;
	_ =	sdelay $0xe  }
.Ltmp31:
0x1dc: {  	s3 =	spop (v2sf);
	(pc) =	sbr.rel @p1 .LBB2_38-.Ltmp31, $4  }
0x1dd: {  	s0 =	simm.s32 $0x0;
	p2 =	sgt.u32 s3, $0x270F0  }
0x1de: {  	s4 =	sadd.s32 $0x80, s4;
	s0 =	simm.s32 @!p2 $0x200;
	s8 =	sand.u32 @!p2 $0x3FFF8, s3  }
0x1df: {  	s7 =	sadd.s32 $0x1, s7;
	s3 =	sand.u32 @!p2 $0x7, s3;
	s8 =	sadd.s32 @!p2 s1, s8  }
0x1e0: {  	[hbm4b:s8+s3] =	stream.linear.scatter @!p2 [tilespmem:s4], [sflag:$0x5], $0x80, $0x38;
	[tilespmem:$0x52E8] =	vst v63  }
.LBB2_39:
0x1e1: {  	s0 =	sadd.s32 s6, s0  }
0x1e2: {  	s0 =	sshrl.u32 s0, $0x2  }
.LBB2_40:
0x1e3: {  	s3 =	simm.s32 $0x5  }
0x1e4: {  	_ =	swait.ge [sflag:s3], s0  }
0x1e5: {  	s31 =	ssub.s32 $0x0, s0;
	[sflag:s3] =	ssyncset.done $0x0  }
0x1e6: {  	[sflag:s3] =	ssyncadd.s32 s31  }
0x1e7: {  	[sflag:s3] =	ssyncpa.u1 $0x1  }
.LBB2_41:
0x1e8: {  	s0 =	sor.u32 s2, s16  }
0x1e9: {  	p1 =	sne.s32 s0, $0x0  }
.Ltmp32:
0x1ea: {  	_ = 	snop;
	(pc) =	sbr.rel @p1 .LBB2_56-.Ltmp32, $3  }
0x1eb: {  	_ =	sdelay $0x1  }
0x1ec: {  	[bflag:$0x0] =	sbarrier.arrive $0xFFFF  }
0x1ed: {  	_ =	sfence  }
0x1ee: {  	s0 =	simm.s32 $0x7  }
0x1ef: {  	s2 =	simm.s32 $0x1000;
	s3 =	simm.s32 $0x2218;
	[sflag:s0] =	ssyncpa.u1 $0x0  }
0x1f0: {  	[tilespmem:s3], [sflag:$0x7] =	stream.linear.gather [spmem:s2], $0x20, $0x38;
	[tilespmem:$0x52E8] =	vst v63  }
0x1f1: {  	s30 =	simm.s32 $0x2238;
	s2 =	simm.s32 $0x0  }
0x1f2: {  	[tilespmem:s30], [sflag:$0x7] =	stream.linear.gather [spmem:s2], $0x1000, $0x38;
	[tilespmem:$0x52E8] =	vst v63  }
.Ltmp33:
0x1f3: {  	_ = 	snop;
	(pc) =	sbr.rel .LBB2_43-.Ltmp33, $4  }
0x1f4: {  	_ =	swait.ge [sflag:s0], $0x1020  }
0x1f5: {  	[sflag:s0] =	ssyncset.done $0x0  }
0x1f6: {  	s31 =	simm.s32 $0x8;
	[sflag:s0] =	ssyncadd.s32 $0xFFFFEFE0  }
0x1f7: {  	s3 =	simm.s32 $0x0;
	[sflag:s31] =	ssyncpa.u1 $0x0  }
.LBB2_49:
0x1f8: {  	p1 =	slt.u32 s4, $0x270F1  }
0x1f9: {  	s0 =	sand.u32 @p1 $0x3FFF8, s4  }
0x1fa: {  	s4 =	sand.u32 @p1 $0x7, s4;
	s5 =	simm.s32 @p1 $0x2188;
	s0 =	sadd.s32 @p1 s1, s0  }
0x1fb: {  	[tilespmem:s5], [sflag:$0x8] =	stream.linear.gather @p1 [hbm4b:s0+s4], $0x80, $0x38;
	[tilespmem:$0x52E8] =	vst v63  }
0x1fc: {  	s0 =	simm.s32 @p1 $0x8  }
0x1fd: {  	_ =	swait.ge @p1 [sflag:s0], $0x80  }
0x1fe: {  	[sflag:s0] =	ssyncset.done @p1 $0x0  }
0x1ff: {  	[sflag:s0] =	ssyncadd.s32 @p1 $0xFFFFFF80  }
0x200: {  	v1 =	vld @p1 [tilespmem:$0x2188];
	_ =	sdelay $0x2  }
0x201: {  	s0 =	sshll.u32 @p1 s3, $0x9  }
0x202: {  	s4 =	sshrl.u32 @p1 s0, $0x2  }
0x203: {  	[tilespmem:s4+$0x2238] =	vst.add.f32.msk @p1 $0xffff, v1  }
0x204: {  	v1 =	vld @p1 [tilespmem:$0x2198];
	_ =	sdelay $0x4  }
0x205: {  	[tilespmem:s4+$0x2248] =	vst.add.f32.msk @p1 $0xffff, v1  }
0x206: {  	v1 =	vld @p1 [tilespmem:$0x21A8];
	_ =	sdelay $0x4  }
0x207: {  	[tilespmem:s4+$0x2258] =	vst.add.f32.msk @p1 $0xffff, v1  }
0x208: {  	v1 =	vld @p1 [tilespmem:$0x21B8];
	_ =	sdelay $0x4  }
0x209: {  	[tilespmem:s4+$0x2268] =	vst.add.f32.msk @p1 $0xffff, v1  }
0x20a: {  	v1 =	vld @p1 [tilespmem:$0x21C8];
	_ =	sdelay $0x4  }
0x20b: {  	[tilespmem:s4+$0x2278] =	vst.add.f32.msk @p1 $0xffff, v1  }
0x20c: {  	v1 =	vld @p1 [tilespmem:$0x21D8];
	_ =	sdelay $0x4  }
0x20d: {  	[tilespmem:s4+$0x2288] =	vst.add.f32.msk @p1 $0xffff, v1  }
0x20e: {  	v1 =	vld @p1 [tilespmem:$0x21E8];
	_ =	sdelay $0x4  }
0x20f: {  	[tilespmem:s4+$0x2298] =	vst.add.f32.msk @p1 $0xffff, v1  }
0x210: {  	v1 =	vld @p1 [tilespmem:$0x21F8];
	_ =	sdelay $0x3  }
0x211: {  	s5 =	sshll.u32 @!p1 s3, $0x9  }
0x212: {  	s5 =	smov.u32 @p1 s0;
	[tilespmem:s4+$0x22A8] =	vst.add.f32.msk @p1 $0xffff, v1  }
0x213: {  	s0 =	sshrl.u32 s5, $0x2;
	[tilespmem:s2+$0x2218] =	vst.msk $0x1, v0  }
0x214: {  	v0 =	vld [tilespmem:s0+$0x2238];
	_ =	sdelay $0x2  }
0x215: {  	s31 =	sshll.u32 s2, $0x9  }
0x216: {  	s4 =	sshra.s32 s31, $0x2  }
0x217: {  	[tilespmem:s4+$0x2238] =	vst v0  }
0x218: {  	v0 =	vld [tilespmem:s0+$0x2248];
	_ =	sdelay $0x4  }
0x219: {  	[tilespmem:s4+$0x2248] =	vst v0  }
0x21a: {  	v0 =	vld [tilespmem:s0+$0x2258];
	_ =	sdelay $0x4  }
0x21b: {  	[tilespmem:s4+$0x2258] =	vst v0  }
0x21c: {  	v0 =	vld [tilespmem:s0+$0x2268];
	_ =	sdelay $0x4  }
0x21d: {  	[tilespmem:s4+$0x2268] =	vst v0  }
0x21e: {  	v0 =	vld [tilespmem:s0+$0x2278];
	_ =	sdelay $0x4  }
0x21f: {  	[tilespmem:s4+$0x2278] =	vst v0  }
0x220: {  	v0 =	vld [tilespmem:s0+$0x2288];
	_ =	sdelay $0x4  }
0x221: {  	[tilespmem:s4+$0x2288] =	vst v0  }
0x222: {  	v0 =	vld [tilespmem:s0+$0x2298];
	_ =	sdelay $0x4  }
0x223: {  	[tilespmem:s4+$0x2298] =	vst v0  }
0x224: {  	v0 =	vld [tilespmem:s0+$0x22A8];
	_ =	sdelay $0x4  }
0x225: {  	s2 =	sadd.s32 $0x1, s2;
	[tilespmem:s4+$0x22A8] =	vst v0  }
.LBB2_50:
0x226: {  	s3 =	sadd.s32 $0x1, s3  }
0x227: {  	p1 =	sne.s32 s3, $0x20  }
.Ltmp34:
0x228: {  	_ = 	snop;
	(pc) =	sbr.rel @!p1 .LBB2_51-.Ltmp34, $1  }
0x229: {  	_ =	sdelay $0x3  }
.LBB2_43:
0x22a: {  	v0 =	vld.msk [tilespmem:s3+$0x2218], $0x1;
	_ =	sdelay $0x4  }
0x22b: {  	(v2sf) =	vpush v0, $0x0;
	_ =	sdelay $0xe  }
0x22c: {  	s4 =	spop (v2sf)  }
0x22d: {  	p1 =	seq.s32 s4, $0xFFFFFFFF  }
.Ltmp35:
0x22e: {  	_ = 	snop;
	(pc) =	sbr.rel @p1 .LBB2_50-.Ltmp35, $1  }
0x22f: {  	_ =	sdelay $0x3  }
0x230: {  	p1 =	slt.s32 s2, $0x1  }
.Ltmp36:
0x231: {  	_ = 	snop;
	(pc) =	sbr.rel @p1 .LBB2_49-.Ltmp36, $1  }
0x232: {  	_ =	sdelay $0x3  }
0x233: {  	s5 =	simm.s32 $0x2218;
	p1 =	por $0x0, $0x0  }
0x234: {  	v1 =	vld.msk @!p1 [tilespmem:s5+$0x0], $0x1;
	_ =	sdelay $0x4  }
0x235: {  	(v2sf) =	vpush @!p1 v1, $0x0;
	_ =	sdelay $0xd  }
0x236: {  	p3 =	sne.s32 s2, $0x1  }
.Ltmp37:
0x237: {  	s0 =	spop @!p1 (v2sf);
	(pc) =	sbr.rel @!p3 .LBB2_47-.Ltmp37, $4  }
0x238: {  	p2 =	seq.s32 @!p1 s4, s0  }
0x239: {  	s6 =	simm.s32 $0x0;
	p2 =	por !p2, p1  }
0x23a: {  	s0 =	simm.s32 $0xFFFFFFFF;
	s6 =	simm.s32 @p2 $0xFFFFFFFF  }
0x23b: {  	s7 =	simm.s32 $0x1;
	s6 =	smov.u32 @p1 s0  }
.LBB2_46:
0x23c: {  	s0 =	smov.u32 s6;
	p1 =	sne.s32 s6, $0xFFFFFFFF  }
0x23d: {  	s5 =	sadd.s32 $0x1, s5;
	s6 =	smov.u32 s7;
	s7 =	sadd.s32 $0x1, s7  }
0x23e: {  	p2 =	sne.s32 s2, s7;
	v1 =	vld.msk @!p1 [tilespmem:s5+$0x0], $0x1;
	_ =	sdelay $0x4  }
0x23f: {  	(v2sf) =	vpush @!p1 v1, $0x0;
	_ =	sdelay $0xe  }
.Ltmp38:
0x240: {  	s8 =	spop @!p1 (v2sf);
	(pc) =	sbr.rel @p2 .LBB2_46-.Ltmp38, $4  }
0x241: {  	p3 =	seq.s32 @!p1 s4, s8  }
0x242: {  	p3 =	por !p3, p1  }
0x243: {  	s6 =	simm.s32 @p3 $0xFFFFFFFF  }
0x244: {  	s6 =	smov.u32 @p1 s0  }
.LBB2_47:
0x245: {  	p1 =	seq.s32 s6, $0xFFFFFFFF  }
.Ltmp39:
0x246: {  	_ = 	snop;
	(pc) =	sbr.rel @p1 .LBB2_49-.Ltmp39, $1  }
0x247: {  	_ =	sdelay $0x3  }
0x248: {  	s0 =	sshll.u32 s3, $0x7  }
0x249: {  	s0 =	sand.u32 $0x3FFFFF80, s0  }
0x24a: {  	v0 =	vld [tilespmem:s0+$0x2238];
	_ =	sdelay $0x2  }
0x24b: {  	s4 =	sshll.u32 s6, $0x9  }
0x24c: {  	s4 =	sshra.s32 s4, $0x2  }
0x24d: {  	[tilespmem:s4+$0x2238] =	vst.add.f32.msk $0xffff, v0  }
0x24e: {  	v0 =	vld [tilespmem:s0+$0x2248];
	_ =	sdelay $0x4  }
0x24f: {  	[tilespmem:s4+$0x2248] =	vst.add.f32.msk $0xffff, v0  }
0x250: {  	v0 =	vld [tilespmem:s0+$0x2258];
	_ =	sdelay $0x4  }
0x251: {  	[tilespmem:s4+$0x2258] =	vst.add.f32.msk $0xffff, v0  }
0x252: {  	v0 =	vld [tilespmem:s0+$0x2268];
	_ =	sdelay $0x4  }
0x253: {  	[tilespmem:s4+$0x2268] =	vst.add.f32.msk $0xffff, v0  }
0x254: {  	v0 =	vld [tilespmem:s0+$0x2278];
	_ =	sdelay $0x4  }
0x255: {  	[tilespmem:s4+$0x2278] =	vst.add.f32.msk $0xffff, v0  }
0x256: {  	v0 =	vld [tilespmem:s0+$0x2288];
	_ =	sdelay $0x4  }
0x257: {  	[tilespmem:s4+$0x2288] =	vst.add.f32.msk $0xffff, v0  }
0x258: {  	v0 =	vld [tilespmem:s0+$0x2298];
	_ =	sdelay $0x4  }
0x259: {  	[tilespmem:s4+$0x2298] =	vst.add.f32.msk $0xffff, v0  }
0x25a: {  	v0 =	vld [tilespmem:s0+$0x22A8]  }
.Ltmp40:
0x25b: {  	_ = 	snop;
	(pc) =	sbr.rel .LBB2_50-.Ltmp40, $2  }
0x25c: {  	_ =	sdelay $0x2  }
0x25d: {  	[tilespmem:s4+$0x22A8] =	vst.add.f32.msk $0xffff, v0  }
.LBB2_51:
0x25e: {  	p1 =	slt.s32 s2, $0x1  }
.Ltmp41:
0x25f: {  	_ = 	snop;
	(pc) =	sbr.rel @p1 .LBB2_55-.Ltmp41, $3  }
0x260: {  	_ =	sdelay $0x1  }
0x261: {  	s0 =	simm.s32 $0x8  }
0x262: {  	s3 =	simm.s32 $0x0;
	[sflag:s0] =	ssyncpa.u1 $0x1  }
0x263: {  	s0 =	simm.s32 $0x2218  }
0x264: {  	v0 =	vld.msk [tilespmem:s0+$0x0], $0x1;
	_ =	sdelay $0x4  }
0x265: {  	(v2sf) =	vpush v0, $0x0;
	_ =	sdelay $0xe  }
0x266: {  	s2 =	sadd.s32 $0xFFFFFFFF, s2;
	s0 =	spop (v2sf)  }
0x267: {  	p2 =	sne.s32 s2, $0x0;
	p1 =	sgt.u32 s0, $0x270F0  }
.Ltmp42:
0x268: {  	s5 =	sand.u32 @!p1 $0x3FFF8, s0;
	(pc) =	sbr.rel @!p2 .LBB2_54-.Ltmp42, $4  }
0x269: {  	s4 =	simm.s32 $0x2238;
	s0 =	sand.u32 @!p1 $0x7, s0;
	s5 =	sadd.s32 @!p1 s1, s5  }
0x26a: {  	[hbm4b:s5+s0] =	stream.linear.scatter @!p1 [tilespmem:s4], [sflag:$0x7], $0x80, $0x38;
	[tilespmem:$0x52E8] =	vst v63  }
0x26b: {  	s0 =	simm.s32 $0x0  }
0x26c: {  	s5 =	simm.s32 $0x2219;
	s0 =	simm.s32 @!p1 $0x200  }
.LBB2_53:
0x26d: {  	v0 =	vld.msk [tilespmem:s5+$0x0], $0x1;
	s2 =	sadd.s32 $0xFFFFFFFF, s2;
	s3 =	sadd.s32 s3, s0  }
0x26e: {  	p1 =	sne.s32 s2, $0x0;
	_ =	sdelay $0x3  }
0x26f: {  	(v2sf) =	vpush v0, $0x0;
	_ =	sdelay $0xe  }
.Ltmp43:
0x270: {  	s6 =	spop (v2sf);
	(pc) =	sbr.rel @p1 .LBB2_53-.Ltmp43, $4  }
0x271: {  	s0 =	simm.s32 $0x0;
	p2 =	sgt.u32 s6, $0x270F0  }
0x272: {  	s4 =	sadd.s32 $0x80, s4;
	s0 =	simm.s32 @!p2 $0x200;
	s7 =	sand.u32 @!p2 $0x3FFF8, s6  }
0x273: {  	s5 =	sadd.s32 $0x1, s5;
	s6 =	sand.u32 @!p2 $0x7, s6;
	s7 =	sadd.s32 @!p2 s1, s7  }
0x274: {  	[hbm4b:s7+s6] =	stream.linear.scatter @!p2 [tilespmem:s4], [sflag:$0x7], $0x80, $0x38;
	[tilespmem:$0x52E8] =	vst v63  }
.LBB2_54:
0x275: {  	s0 =	sadd.s32 s3, s0  }
0x276: {  	s3 =	sshrl.u32 s0, $0x2  }
.LBB2_55:
0x277: {  	s0 =	simm.s32 $0x7  }
0x278: {  	_ =	swait.ge [sflag:s0], s3  }
0x279: {  	s1 =	ssub.s32 $0x0, s3;
	[sflag:s0] =	ssyncset.done $0x0  }
0x27a: {  	[sflag:s0] =	ssyncadd.s32 s1  }
0x27b: {  	[sflag:s0] =	ssyncpa.u1 $0x1  }
.LBB2_56:
0x27c: {  	_ =	sfence;
	s0 =	simm.s32 $0x1  }
0x27d: {  	[sflag:s0] =	ssyncpa.u1 $0x1  }
0x27e: {  	_ =	strace $0x90000059  }
0x27f: {  	[bflag:$0x2] =	sbarrier.arrive $0xFFFF  }
0x280: {  	s0 =	rddreg [dreg:$0x4]  }
0x281: {  	s0 =	sadd.s32 @!p0 $0x100000, s0  }
0x282: {  	[sflag:s0] =	ssyncadd.tile.s32 @!p0 $0x1;
	_ =	shalt  }
.Lfunc_end2:
_tile_overlayer_lowered:
.L_overlay_start_2:
0x283: {  	(tag) =	ssettag $0x2  }
0x284: {  	s0 =	rddreg [dreg:$0x0];
	s2 =	stileid.u32  }
0x285: {  	s1 =	rddreg [dreg:$0x1];
	p0 =	sne.s32 s2, $0x0  }
0x286: {  	s3 =	rddreg [dreg:$0x2];
	[bflag:$0x3] =	sbarrier.arrive $0xFFFF;
	s2 =	simm.s32 @!p0 $0x1C01  }
0x287: {  	[timem:s3], [sflag:s2] =	dma.local @!p0 [hbm:s0], s1  }
0x288: {  	s0 =	simm.s32 @!p0 $0x1  }
0x289: {  	_ =	swait.ge @!p0 [sflag:s0], s1  }
0x28a: {  	s1 =	ssub.s32 @!p0 $0x0, s1;
	[sflag:s0] =	ssyncset.done @!p0 $0x0  }
0x28b: {  	[sflag:s0] =	ssyncadd.s32 @!p0 s1  }
0x28c: {  	[bflag:$0x3] =	sbarrier.arrive $0xFFFF  }
0x28d: {  	_ =	shalt  }

// kernel: scatter_offload_async_start
scs
__scs_entry_jumppad:
0x0: {  	(pc) =	sbr.rel $0x88, $3  }
0x1: {  	(tag) =	ssettag $0x0;
	lr =	simm.s32 $0x1  }
0x2: {  	[smem:$0x3F93] =	sst lr;
	_ =	strace $0xD0000000  }
0x3: {  	_ = 	snop  }
0x4: {  	_ = 	snop  }
0x5: {  	_ = 	snop  }
0x6: {  	_ = 	snop  }
0x7: {  	_ = 	snop  }
__scs_overlays_trampoline_lowered:
0x8: {  	[smem:$0x3FA2] =	sst s0  }
0x9: {  	[smem:$0x3FA3] =	sst s1  }
0xa: {  	[smem:$0x3FA4] =	sst s2  }
0xb: {  	[smem:$0x3FA5] =	sst s3  }
0xc: {  	[smem:$0x3FA6] =	sst s4  }
0xd: {  	[smem:$0x3FA7] =	sst s5  }
0xe: {  	[smem:$0x3FA8] =	sst s6  }
0xf: {  	[smem:$0x3FA9] =	sst s7  }
0x10: {  	[smem:$0x3FAA] =	sst s8  }
0x11: {  	[smem:$0x3FAB] =	sst s9;
	s0 =	simm.s32 @!p0 $0x0  }
0x12: {  	s1 =	sld [smem:$0x3F91];
	s0 =	simm.s32 @p0 $0x1  }
0x13: {  	[smem:$0x3FAC] =	sst s0;
	s0 =	simm.s32 @!p1 $0x0  }
0x14: {  	s2 =	sld [smem:$0x3F90];
	s0 =	simm.s32 @p1 $0x1  }
0x15: {  	[smem:$0x3FAD] =	sst s0;
	s0 =	simm.s32 @!p2 $0x0  }
0x16: {  	s3 =	sld [smem:$0x3FDB];
	s0 =	simm.s32 @p2 $0x1  }
0x17: {  	s4 =	simm.s32 $0x1BF5;
	[smem:$0x3FAF] =	sst s0  }
0x18: {  	s0 =	sld [smem:$0x3F92];
	_ =	swait.ge [sflag:s4], $0x0  }
0x19: {  	s7 =	sld [smem:$0x3F93]  }
0x1a: {  	s8 =	sadd.s32 $0xFFFFE003, lr  }
0x1b: {  	s9 =	sadd.s32 $0xFFFFFEF7, lr;
	s5 =	simm.s32 $0xFFFFFFFF;
	p2 =	slt.u32 s8, $0xFFFFF086  }
0x1c: {  	p1 =	slt.u32 s9, $0xF7A;
	s5 =	simm.s32 @!p2 $0x0  }
0x1d: {  	s5 =	simm.s32 @p1 $0x1;
	p0 =	seq.s32 s7, s2  }
0x1e: {  	s7 =	smul.u32 @!p0 $0xF7A, s2;
	p2 =	seq.s32 @!p0 s5, $0x0  }
0x1f: {  	s9 =	smul.u32 $0xF7A, s1;
	s8 =	simm.s32 @!p0 $0x1BF5;
	p2 =	por !p2, p0  }
0x20: {  	[sflag:s8] =	ssyncset.s32 @!p0 $0xFFFFF086;
	s6 =	sadd.s32 @!p0 s3, s7;
	s7 =	simm.s32 @!p0 $0x108  }
0x21: {  	s3 =	sadd.s32 s3, s9;
	s6 =	sadd.s32 @!p0 $0x88, s6;
	s7 =	simm.s32 @p2 $0x1082  }
0x22: {  	[simem:s7], [sflag:s8] =	dma.local @!p0 [hbm:s6], $0xF7A  }
0x23: {  	s9 =	sor.u32 $0xD0000000, s2;
	s6 =	simm.s32 $0x108;
	_ =	swait.ge @!p0 [sflag:s8], $0x0  }
0x24: {  	s3 =	sadd.s32 $0x88, s3;
	s6 =	simm.s32 @!p1 $0x1082;
	[sflag:s4] =	ssyncset.s32 $0xFFFFF086  }
0x25: {  	[simem:s6], [sflag:s4] =	dma.local [hbm:s3], $0xF7A  }
0x26: {  	[smem:$0x3F93] =	sst s1;
	(tag) =	ssettag s2;
	_ =	strace s9  }
0x27: {  	s1 =	sld [smem:$0x3FA3]  }
0x28: {  	s2 =	sld [smem:$0x3FA4]  }
0x29: {  	s4 =	sld [smem:$0x3FA6]  }
0x2a: {  	p0 =	seq.s32 s5, $0x0;
	s5 =	sld [smem:$0x3FA7]  }
0x2b: {  	s6 =	sld [smem:$0x3FA8]  }
0x2c: {  	s7 =	sld [smem:$0x3FA9]  }
0x2d: {  	s3 =	simm.s32 $0x108;
	s8 =	sld [smem:$0x3FAA]  }
0x2e: {  	s3 =	simm.s32 @!p0 $0x1082;
	s9 =	sld [smem:$0x3FAB]  }
0x2f: {  	lr =	sadd.s32 s0, s3;
	s0 =	sld [smem:$0x3FA2]  }
0x30: {  	s3 =	sld [smem:$0x3FA5]  }
0x31: {  	[smem:$0x3FAE] =	sst s10  }
0x32: {  	s10 =	sld [smem:$0x3FAC];
	_ =	sdelay $0x3  }
0x33: {  	p0 =	seq.s32 s10, $0x1;
	s10 =	sld [smem:$0x3FAE];
	_ =	sdelay $0x3  }
0x34: {  	[smem:$0x3FAE] =	sst s10  }
0x35: {  	s10 =	sld [smem:$0x3FAD];
	_ =	sdelay $0x3  }
0x36: {  	p1 =	seq.s32 s10, $0x1;
	s10 =	sld [smem:$0x3FAE];
	_ =	sdelay $0x3  }
0x37: {  	[smem:$0x3FAE] =	sst s10  }
0x38: {  	s10 =	sld [smem:$0x3FAF]  }
0x39: {  	_ = 	snop;
	(pc) =	sbr.ind lr, $3  }
0x3a: {  	_ = 	snop  }
0x3b: {  	_ = 	snop  }
0x3c: {  	p2 =	seq.s32 s10, $0x1;
	s10 =	sld [smem:$0x3FAE]  }
0x3d: {  	_ =	shalt  }
0x3e: {  	_ =	shalt  }
0x3f: {  	_ =	shalt  }
0x40: {  	_ =	shalt  }
0x41: {  	_ =	shalt  }
0x42: {  	_ =	shalt  }
0x43: {  	_ =	shalt  }
0x44: {  	_ =	shalt  }
0x45: {  	_ =	shalt  }
0x46: {  	_ =	shalt  }
0x47: {  	_ =	shalt  }
0x48: {  	_ =	shalt  }
0x49: {  	_ =	shalt  }
0x4a: {  	_ =	shalt  }
0x4b: {  	_ =	shalt  }
0x4c: {  	_ =	shalt  }
0x4d: {  	_ =	shalt  }
0x4e: {  	_ =	shalt  }
0x4f: {  	_ =	shalt  }
0x50: {  	_ =	shalt  }
0x51: {  	_ =	shalt  }
0x52: {  	_ =	shalt  }
0x53: {  	_ =	shalt  }
0x54: {  	_ =	shalt  }
0x55: {  	_ =	shalt  }
0x56: {  	_ =	shalt  }
0x57: {  	_ =	shalt  }
0x58: {  	_ =	shalt  }
0x59: {  	_ =	shalt  }
0x5a: {  	_ =	shalt  }
0x5b: {  	_ =	shalt  }
0x5c: {  	_ =	shalt  }
0x5d: {  	_ =	shalt  }
0x5e: {  	_ =	shalt  }
0x5f: {  	_ =	shalt  }
0x60: {  	_ =	shalt  }
0x61: {  	_ =	shalt  }
0x62: {  	_ =	shalt  }
0x63: {  	_ =	shalt  }
0x64: {  	_ =	shalt  }
0x65: {  	_ =	shalt  }
0x66: {  	_ =	shalt  }
0x67: {  	_ =	shalt  }
0x68: {  	_ =	shalt  }
0x69: {  	_ =	shalt  }
0x6a: {  	_ =	shalt  }
0x6b: {  	_ =	shalt  }
0x6c: {  	_ =	shalt  }
0x6d: {  	_ =	shalt  }
0x6e: {  	_ =	shalt  }
0x6f: {  	_ =	shalt  }
0x70: {  	_ =	shalt  }
0x71: {  	_ =	shalt  }
0x72: {  	_ =	shalt  }
0x73: {  	_ =	shalt  }
0x74: {  	_ =	shalt  }
0x75: {  	_ =	shalt  }
0x76: {  	_ =	shalt  }
0x77: {  	_ =	shalt  }
0x78: {  	_ =	shalt  }
0x79: {  	_ =	shalt  }
0x7a: {  	_ =	shalt  }
0x7b: {  	_ =	shalt  }
0x7c: {  	_ =	shalt  }
0x7d: {  	_ =	shalt  }
0x7e: {  	_ =	shalt  }
0x7f: {  	_ =	shalt  }
0x80: {  	_ =	shalt  }
0x81: {  	_ =	shalt  }
0x82: {  	_ =	shalt  }
0x83: {  	_ =	shalt  }
0x84: {  	_ =	shalt  }
0x85: {  	_ =	shalt  }
0x86: {  	_ =	shalt  }
0x87: {  	_ =	shalt  }
.Lfunc_end0:
.L_simem_size_0:
called_computation_lowered:
.L_overlay_start_0:
0x88: {  	s0 =	sld [smem:$0x3FD9]  }
0x89: {  	s1 =	sld [smem:$0x3FFE];
	_ =	sdelay $0x3  }
0x8a: {  	s0 =	sadd.s32 s1, s0  }
0x8b: {  	[smem:$0x3FBA] =	sst s0  }
0x8c: {  	_ = 	snop  }
0x8d: {  	s0 =	sld [smem:$0x3FD0];
	_ =	sdelay $0x2  }
0x8e: {  	s13 =	simm.s32 $0xB;
	s2 =	simm.s32 $0x10  }
0x8f: {  	[smem:s2], [sflag:s13] =	dma.local [hbm:s0], $0x1  }
0x90: {  	_ =	swait.eq [sflag:s13], $0x1  }
0x91: {  	[sflag:s13] =	ssyncset.done $0x0  }
0x92: {  	[sflag:s13] =	ssyncadd.s32 $0xFFFFFFFF  }
0x93: {  	s14 =	sld [smem:$0x12];
	(tm) =	ssettm $0x1  }
0x94: {  	s15 =	sld [smem:$0x3FFB];
	_ =	sdelay $0x3  }
0x95: {  	_ =	strace s15  }
0x96: {  	s1 =	sld [smem:$0x3FFC];
	_ =	sdelay $0x3  }
0x97: {  	_ =	strace s1  }
0x98: {  	s1 =	sld [smem:$0x3FFD];
	_ =	sdelay $0x3  }
0x99: {  	_ =	strace s1  }
0x9a: {  	_ =	strace $0x8FFFFFFF  }
0x9b: {  	s16 =	sld [smem:$0x3FDB];
	_ =	sdelay $0x1  }
0x9c: {  	s17 =	simm.s32 $_scs_section_size  }
0x9d: {  	s3 =	simm.s32 $_size__tile_overlayer_lowered;
	s4 =	simm.s32 $_tile_overlayer_lowered  }
0x9e: {  	s20 =	simm.s32 $0x1BFF;
	s19 =	sshll.u32 s4, $0x1;
	s1 =	sadd.s32 s17, s16  }
0x9f: {  	s5 =	simm.s32 $0x0;
	s18 =	sshll.u32 s3, $0x1;
	s3 =	sadd.s32 s19, s1  }
0xa0: {  	[timem:s5], [sflag:s20] =	dma.local [hbm:s3], s18  }
0xa1: {  	_ =	swait.ge [sflag:s20], s18  }
0xa2: {  	s2 =	ssub.s32 $0x0, s18;
	[sflag:s20] =	ssyncset.done $0x0  }
0xa3: {  	[sflag:s20] =	ssyncadd.s32 s2;
	_ =	sdelay $0x1  }
0xa4: {  	s21 =	simm.s32 $0x1B8B  }
0xa5: {  	_ =	swait.ge [sflag:s21], $0x1  }
0xa6: {  	[sflag:s21] =	ssyncset.done $0x0  }
0xa7: {  	s23 =	simm.s32 $0x1B8E;
	s22 =	sld [smem:$0x3FFE];
	[sflag:s21] =	ssyncadd.s32 $0xFFFFFFFF  }
0xa8: {  	s24 =	simm.s32 $execute0_lowered;
	[smem:$0x3FD2] =	sst s23  }
0xa9: {  	s3 =	sshll.u32 s24, $0x1;
	_ =	strace $0x80000046;
	[dreg:$0x1] =	wrdreg $0xFFFFFFFF  }
0xaa: {  	s25 =	simm.s32 $_size_execute0_lowered;
	s1 =	sadd.s32 s1, s3;
	[dreg:$0x0] =	wrdreg $0x0  }
0xab: {  	s3 =	sshll.u32 s25, $0x1;
	[dreg:$0x2] =	wrdreg s1  }
0xac: {  	[dreg:$0x3] =	wrdreg s3  }
0xad: {  	[dreg:$0x4] =	wrdreg $0xC0  }
0xae: {  	_ =	task [dreg:s5], $0x5FFFF  }
0xaf: {  	[dreg:$0x1] =	wrdreg $0xFFFFFFFF  }
0xb0: {  	[dreg:$0x0] =	wrdreg $0x60  }
0xb1: {  	[dreg:$0x2] =	wrdreg s14  }
0xb2: {  	[dreg:$0x3] =	wrdreg s22  }
0xb3: {  	[dreg:$0x4] =	wrdreg $0x9  }
0xb4: {  	_ =	task.clear_ibuf [dreg:s5], $0x5FFFF;
	_ =	strace $0x90000046  }
0xb5: {  	s26 =	simm.s32 $0x9;
	_ =	strace $0x80000048  }
0xb6: {  	_ =	swait.ge [sflag:s26], $0x1  }
0xb7: {  	[sflag:s26] =	ssyncadd.s32 $0xFFFFFFFF  }
0xb8: {  	_ =	strace $0x90000048  }
0xb9: {  	_ =	sfence  }
0xba: {  	s28 =	sld [smem:$0x0];
	_ =	sdelay $0x1  }
0xbb: {  	s29 =	srdreg.scid  }
0xbc: {  	s30 =	sshll.u32 s29, $0xD;
	s31 =	sshrl.u32 s29, $0x2  }
0xbd: {  	s2 =	sand.u32 $0x4000, s30;
	s1 =	sand.u32 $0x1, s29;
	s0 =	sadd.s32 s31, s28  }
0xbe: {  	s1 =	sor.u32 s2, s1;
	s0 =	sshll.u32 s0, $0x11  }
0xbf: {  	s0 =	sor.u32 s0, s1  }
0xc0: {  	s0 =	sadd.s32 $0x8F2B, s0  }
0xc1: {  	[sflag:s0] =	ssyncadd.remote.s32 $0x1  }
0xc2: {  	_ =	sfence.sel $0xFFFF  }
0xc3: {  	[dreg:$0x0] =	wrdreg $0xFFFFFFFF;
	(pc) =	sbr.abs _section_cstart, $3  }
0xc4: {  	[dreg:$0x1] =	wrdreg $0xFFFFFFFF  }
0xc5: {  	_ =	task.clear_ibuf [dreg:s5], $0x2FFFF;
	_ =	strace $0x9FFFFFFF  }
0xc6: {  	(tm) =	ssettm $0x7FFFFFFF  }
0xc7: {  	_ =	shalt  }
tec
execute0_lowered:
.L_overlay_start_1:
0x0: {  	(tag) =	ssettag $0x1  }
0x1: {  	s1 =	rddreg [dreg:$0x0]  }
0x2: {  	s0 =	rddreg [dreg:$0x1];
	s6 =	stileid.u32  }
0x3: {  	_ =	strace $0x80000047;
	s9 =	simm.s32 $0x1;
	s2 =	smul.u32 $0x3, s6  }
0x4: {  	v1 =	vimm.s32 $0xFFFFFFFF;
	s3 =	smin.u32 s6, $0x7;
	[sflag:s9] =	ssyncpa.u1 $0x0  }
0x5: {  	[tilespmem:$0x10] =	vst v1;
	s2 =	sadd.s32 s3, s2  }
0x6: {  	v0 =	vimm.f32 $0.0e+00;
	p0 =	slt.u32 s6, $0x7;
	[tilespmem:$0x20] =	vst v1;
	s3 =	smul.u32 $0x1770, s2;
	s2 =	simm.s32 $0x5DC0  }
0x7: {  	[tilespmem:$0x30] =	vst v0;
	s2 =	simm.s32 @!p0 $0x4650  }
0x8: {  	[tilespmem:$0x40] =	vst v0;
	s2 =	sadd.s32 s2, s3  }
0x9: {  	[tilespmem:$0x50] =	vst v0;
	s4 =	smin.u32 s2, $0x50910  }
0xa: {  	[tilespmem:$0x60] =	vst v1;
	s2 =	ssub.s32 s4, s3  }
0xb: {  	s7 =	simm.s32 $0x2;
	s8 =	simm.s32 $0x8;
	[tilespmem:$0x70] =	vst v1;
	p0 =	sgt.s32 s2, $0x0  }
0xc: {  	s31 =	simm.s32 $0x9;
	s16 =	simm.s32 $0x0;
	[tilespmem:$0x80] =	vst v1;
	s2 =	simm.s32 @!p0 $0x0  }
0xd: {  	s17 =	simm.s32 $0xF0;
	s18 =	simm.s32 $0xFFFFFFFF;
	v1 =	vimm.s32 $0x0;
	[tilespmem:$0xB0] =	vst v0;
	s5 =	smulhi.u32 $0x57619F1, s2  }
0xe: {  	s19 =	simm.s32 $0xFFFFD220;
	s20 =	simm.s32 $0xFFFFFFFE;
	s21 =	simm.s32 $0xF;
	[tilespmem:$0x90] =	vst v1  }
0xf: {  	[tilespmem:$0xA0] =	vst v1;
	[sflag:s7] =	ssyncpa.u1 $0x0;
	s7 =	simm.s32 $0x7;
	s10 =	sshrl.u32 s5, $0x7  }
0x10: {  	s25 =	simm.s32 $0x0;
	[sflag:s7] =	ssyncpa.u1 $0x0;
	s11 =	smul.u32 $0x1770, s10  }
0x11: {  	s24 =	simm.s32 $0x0;
	s14 =	sshllo.u32 s6, $0x1;
	[sflag:s8] =	ssyncpa.u1 $0x0  }
.Ltmp0:
0x12: {  	[sflag:s31] =	ssyncpa.u1 $0x0;
	p0 =	sne.s32 s2, s11;
	(pc) =	sbr.rel .LBB2_1-.Ltmp0, $4  }
0x13: {  	s5 =	sadd.s32 $0x2A00, s0;
	s0 =	sadd.s32 $0xCC00, s0;
	s9 =	simm.s32 @!p0 $0x0  }
0x14: {  	s23 =	smov.u32 s3;
	[dreg:$0x3] =	wrdreg s0;
	s9 =	sadd.s32 s9, s10  }
0x15: {  	vm0 =	vmmov $0xffff;
	v2 =	vlaneseq.u32;
	p0 =	por $0x0, $0x0;
	s10 =	sshll.u32 s6, $0x1;
	s11 =	sadd.s32 $0x1, s9  }
0x16: {  	vm1 =	vmxor vm1, vm1;
	vm2 =	vmmov $0x1;
	vm3 =	vcmask $0x3F3C;
	s12 =	sadd.s32 $0x2, s9;
	s13 =	sor.u32 $0x81, s10;
	s15 =	sor.u32 $0x80, s10  }
.LBB2_9:
0x17: {  	p1 =	slt.u32 s24, $0x3  }
0x18: {  	s0 =	simm.s32 @!p1 $0x2  }
0x19: {  	_ =	swait.ge @!p1 [sflag:s0], $0x1770  }
0x1a: {  	[sflag:s0] =	ssyncset.done @!p1 $0x0  }
0x1b: {  	[sflag:s0] =	ssyncadd.s32 @!p1 $0xFFFFE890;
	s0 =	simm.s32 @!p1 $0x9  }
0x1c: {  	_ =	swait.ge @!p1 [sflag:s0], $0x10  }
0x1d: {  	[sflag:s0] =	ssyncset.done @!p1 $0x0  }
0x1e: {  	[sflag:s0] =	ssyncadd.s32 @!p1 $0xFFFFFFF0;
	p1 =	sne.s32 s24, s12  }
.Ltmp1:
0x1f: {  	s2 =	sadd.s32 $0x1770, s23;
	(pc) =	sbr.rel @!p1 .LBB2_10-.Ltmp1, $4  }
0x20: {  	s6 =	smov.u32 s3;
	s31 =	sadd.s32 $0x1, s24;
	s17 =	sadd.s32 $0x1770, s17  }
0x21: {  	s18 =	sadd.s32 $0x1, s18;
	s25 =	smov.u32 s23;
	p2 =	slt.s32 s2, s4  }
0x22: {  	p0 =	por !p0, !p0;
	s19 =	sadd.s32 $0x1770, s19;
	s6 =	smov.u32 @p2 s2  }
0x23: {  	s20 =	sadd.s32 $0x1, s20;
	s23 =	smov.u32 s6;
	s24 =	smov.u32 s31  }
.LBB2_1:
0x24: {  	p1 =	sge.u32 s24, s9  }
0x25: {  	s0 =	smulhi.u32 @!p1 $0xAAAAAAAB, s24;
	_ =	sdelay $0x1  }
0x26: {  	s0 =	sshrl.u32 @!p1 s0, $0x1  }
0x27: {  	s0 =	smul.u32 @!p1 $0x3, s0;
	_ =	sdelay $0x1  }
0x28: {  	s0 =	ssub.s32 @!p1 s24, s0  }
0x29: {  	s0 =	smul.u32 @!p1 $0x5DC0, s0;
	_ =	sdelay $0x1  }
0x2a: {  	s2 =	sshrl.u32 @!p1 s23, $0x3;
	s0 =	sshrl.u32 @!p1 s0, $0x2  }
0x2b: {  	s22 =	sand.u32 @!p1 $0x7, s23;
	s2 =	sadd.s32 @!p1 s5, s2;
	s0 =	sadd.s32 @!p1 $0x100, s0  }
0x2c: {  	[tilespmem:s0], [sflag:$0x7] =	stream.linear.gather @!p1 [hbm4b:s2+s22], $0x1770, $0x38;
	[tilespmem:$0xD410] =	vst v63  }
0x2d: {  	s0 =	sadd.s32 $0xFFFFFFFF, s24  }
0x2e: {  	p1 =	sge.u32 s0, s9  }
.Ltmp2:
0x2f: {  	_ = 	snop;
	(pc) =	sbr.rel @p1 .LBB2_5-.Ltmp2, $1  }
0x30: {  	_ =	sdelay $0x3  }
0x31: {  	s2 =	smulhi.u32 $0xAAAAAAAB, s0;
	_ =	sdelay $0x1  }
0x32: {  	s2 =	sshrl.u32 s2, $0x1  }
0x33: {  	s2 =	smul.u32 $0x3, s2;
	_ =	sdelay $0x1  }
0x34: {  	s2 =	ssub.s32 s0, s2  }
0x35: {  	s2 =	smul.u32 $0x5DC0, s2  }
0x36: {  	_ =	swait.ge [sflag:s7], $0x1770  }
0x37: {  	[sflag:s7] =	ssyncset.done $0x0;
	s2 =	sshrl.u32 s2, $0x2  }
0x38: {  	[sflag:s7] =	ssyncadd.s32 $0xFFFFE890;
	(ifvalue) =	ssetifvalue $0xFFFFFFFF;
	v3 =	vld.msk [tilespmem:s2+$0x100 ss:$0x1], $0xffff;
	_ =	sdelay $0x2  }
0x39: {  	s30 =	smulhi.u32 $0xAAAAAAAB, s18;
	p1 =	sne.s32 s24, $0x1  }
0x3a: {  	v4 =	vimm.s32 @!p1 $0x0  }
0x3b: {  	s2 =	sshrl.u32 s30, $0x1;
	v4 =	vperm.xlane @!p1 v3, v4  }
0x3c: {  	s22 =	sshll.u32 s24, $0x4;
	s2 =	smul.u32 $0xFFFEE6C0, s2;
	vm4 =	vlt.u32 v3, $0x2800  }
0x3d: {  	s22 =	sand.u32 $0x10, s22;
	v3 =	vnsel vm4, $0xFFFFFFFE, v3;
	vm4 =	vlt.u32 @!p1 v4, $0x2800  }
0x3e: {  	s2 =	sshra.s32 s2, $0x2;
	[tilespmem:s22+$0x60] =	vst v3;
	v3 =	vnsel @!p1 vm4, $0xFFFFFFFE, v4  }
0x3f: {  	s28 =	sadd.s32 s2, s17;
	[tilespmem:$0x80] =	vst @!p1 v3  }
0x40: {  	v3 =	vld.msk [tilespmem:s28+$0x0 ss:$0x1], $0xffff;
	_ =	sdelay $0x4  }
0x41: {  	(xrf1) =	vunique.msk.u32 $0xffff, v3;
	_ =	sdelay $0xd  }
0x42: {  	v4 =	vimm.s32 $0xFFFFFFFF;
	v5, _, _ =	vpop (xrf1)  }
0x43: {  	vm5 =	vne.s32 v3, v4;
	vm4 =	veq.s32 v5, v2  }
0x44: {  	vm6 =	vlt.u32 v3, $0x2800;
	vm4 =	vmand vm5, vm4  }
0x45: {  	vm4 =	vmand vm6, vm4  }
0x46: {  	v4 =	vnsel vm4, $0xFFFFFFFF, v3  }
0x47: {  	s31 =	sand.u32 $0x1, s0  }
0x48: {  	s0 =	simm.s32 $0x1770;
	p1 =	seq.s32 s31, $0x1  }
0x49: {  	s0 =	simm.s32 @!p1 $0x0  }
0x4a: {  	s26 =	sadd.s32 $0x5EB0, s0;
	(ifvalue) =	ssetifvalue $0xFFFFFFFF  }
0x4b: {  	v3 =	vperm.xlane v3, v1;
	[tilespmem:s26], [sflag:$0x8] =	stream.indirect_vreg.gather [hbm4b:s1+s16], $0x1, v4, vm0, $0x4038;
	v4 =	vnsel vm6, $0xFFFFFFFE, v4;
	[tilespmem:$0xD410] =	vst v63  }
0x4c: {  	s2 =	simm.s32 $0x0;
	s22 =	sadd.s32 $0xFFFFFFF0, s28;
	[tilespmem:s28+$0x0] =	vst v4  }
.LBB2_3:
0x4d: {  	v4 =	vld.msk [tilespmem:s22+$0x0 ss:$0x1], $0xffff;
	s2 =	sadd.s32 $0x10, s2;
	v5 =	vmov v3;
	s28 =	smov.u32 s22  }
0x4e: {  	p1 =	slt.u32 s2, $0x1760;
	_ =	sdelay $0x4  }
0x4f: {  	v3 =	vperm.xlane v4, v1;
	(xrf1) =	vunique.msk.u32 $0xffff, v4;
	_ =	sdelay $0xd  }
0x50: {  	v6, _, _ =	vpop (xrf1)  }
0x51: {  	vm5 =	vne.s32 v4, v5;
	vm4 =	veq.s32 v6, v2  }
0x52: {  	vm6 =	vlt.u32 v4, $0x2800;
	vm4 =	vmand vm5, vm4  }
0x53: {  	vm4 =	vmand vm6, vm4  }
0x54: {  	v4 =	vnsel vm4, $0xFFFFFFFF, v4  }
.Ltmp3:
0x55: {  	v5 =	vnsel vm6, $0xFFFFFFFE, v4;
	(pc) =	sbr.rel @p1 .LBB2_3-.Ltmp3, $3  }
0x56: {  	_ =	sdelay $0x1  }
0x57: {  	s22 =	sadd.s32 $0xFFFFFFF0, s22;
	s26 =	sadd.s32 $0xFFFFFFF0, s26;
	(ifvalue) =	ssetifvalue $0xFFFFFFFF  }
0x58: {  	[tilespmem:s26], [sflag:$0x8] =	stream.indirect_vreg.gather [hbm4b:s1+s16], $0x1, v4, vm0, $0x4038;
	[tilespmem:s28+$0x0] =	vst v5  }
0x59: {  	s2 =	sshrl.u32 s25, $0x3;
	s6 =	rddreg [dreg:$0x3]  }
0x5a: {  	s0 =	sadd.s32 $0x7630, s0;
	s2 =	sadd.s32 s6, s2  }
0x5b: {  	[tilespmem:s0], [sflag:$0x8] =	stream.linear.gather [hbm:s2], $0x1770, $0x38;
	[tilespmem:$0xD410] =	vst v63  }
.LBB2_5:
0x5c: {  	p1 =	slt.u32 s24, $0x2  }
0x5d: {  	p2 =	sge.u32 @!p1 s24, s12  }
0x5e: {  	p1 =	por p1, p2  }
.Ltmp4:
0x5f: {  	_ = 	snop;
	(pc) =	sbr.rel @p1 .LBB2_9-.Ltmp4, $1  }
0x60: {  	_ =	sdelay $0x3  }
0x61: {  	s0 =	sadd.s32 $0xFFFFFFFE, s24  }
0x62: {  	s2 =	smulhi.u32 $0xAAAAAAAB, s0;
	_ =	sdelay $0x1  }
0x63: {  	s2 =	sshrl.u32 s2, $0x1  }
0x64: {  	s2 =	smul.u32 $0x3, s2;
	_ =	sdelay $0x1  }
0x65: {  	s0 =	ssub.s32 s0, s2  }
0x66: {  	_ =	swait.ge [sflag:s8], $0x2EE0;
	s0 =	smul.u32 $0x1770, s0  }
0x67: {  	p1 =	sne.s32 s24, s11;
	[sflag:s8] =	ssyncset.done $0x0  }
0x68: {  	[sflag:s8] =	ssyncadd.s32 $0xFFFFD120;
	s2 =	sadd.s32 @!p1 $0x186F, s0  }
0x69: {  	[spmem:s13] =	stream.linear.scatter @!p1 [tilespmem:s2], [sflag:$0x1], $0x1, $0x38;
	[tilespmem:$0xD410] =	vst v63  }
0x6a: {  	s2 =	simm.s32 @!p1 $0x1  }
0x6b: {  	_ =	swait.ge @!p1 [sflag:s2], $0x1  }
0x6c: {  	s22 =	sshll.u32 s24, $0x4;
	[sflag:s2] =	ssyncset.done @!p1 $0x0  }
0x6d: {  	s25 =	sand.u32 $0x10, s22;
	[sflag:s2] =	ssyncadd.s32 @!p1 $0xFFFFFFFF  }
0x6e: {  	s2 =	sxor.u32 $0x10, s25;
	v4 =	vld [tilespmem:s25+$0x10]  }
0x6f: {  	v5 =	vld [tilespmem:s2+$0x60]  }
0x70: {  	v3 =	vld [tilespmem:$0x80];
	_ =	sdelay $0x2  }
0x71: {  	(v2sf) =	vpush v4, $0x0  }
0x72: {  	(v2sf) =	vpush v5, $0x0  }
0x73: {  	(v2sf) =	vpush v3, $0x0;
	_ =	sdelay $0xc  }
0x74: {  	s6 =	spop (v2sf)  }
0x75: {  	s28 =	spop (v2sf)  }
0x76: {  	s26 =	spop (v2sf)  }
0x77: {  	p2 =	seq.s32 s6, s28;
	p3 =	seq.s32 s26, s6  }
0x78: {  	p3 =	por p2, p3  }
0x79: {  	s6 =	sand.u32 $0x1, s24;
	v4 =	vpsel p3, $0xFFFFFFFF, v4  }
0x7a: {  	s28 =	smul.u32 $0x1770, s6;
	[tilespmem:s25+$0x10] =	vst.msk $0x1, v4  }
0x7b: {  	v4 =	vld [tilespmem:$0x30]  }
0x7c: {  	v5 =	vld [tilespmem:s28+$0x7630]  }
0x7d: {  	v6 =	vld [tilespmem:s25+$0x40];
	_ =	sdelay $0x3  }
0x7e: {  	vm4 =	vmmov vm1;
	v5 =	vadd.f32 v5, v4  }
0x7f: {  	vm5 =	vmmov vm2;
	vm4 =	vmmov @p2 vm2;
	v4 =	vadd.f32 v6, v4  }
0x80: {  	s22 =	sshll.u32 s6, $0x4;
	vm5 =	vmmov @p3 vm1;
	[tilespmem:s28+$0x7630] =	vst.msk vm4, v5  }
0x81: {  	[tilespmem:s22+$0xD3F0] =	vst.msk vm5, v4  }
0x82: {  	v4 =	vld [tilespmem:s28+$0x5EB0];
	_ =	sdelay $0x3  }
0x83: {  	v5 =	vimm.f32 $0.0e+00  }
0x84: {  	v4 =	vshift.insert v4, v5, s21  }
0x85: {  	s29 =	sor.u32 $0x40, s2  }
0x86: {  	[tilespmem:s29+$0x0] =	vst.msk $0x1, v4  }
0x87: {  	[tilespmem:s28+$0x5EBF] =	vst.msk $0x1, v5  }
0x88: {  	v4 =	vld [tilespmem:s0+$0x1860];
	_ =	sdelay $0x1  }
0x89: {  	s29 =	smulhi.u32 $0xAAAAAAAB, s20;
	s0 =	simm.s32 $0x1  }
0x8a: {  	s0 =	simm.s32 @!p0 $0x0  }
0x8b: {  	s29 =	sshrl.u32 s29, $0x1;
	s0 =	smul.u32 $0x5DC0, s0  }
0x8c: {  	s29 =	smul.u32 $0xFFFEE6C0, s29;
	v4 =	vshift.insert v4, v1, s21  }
0x8d: {  	s0 =	sshrl.u32 s0, $0x2  }
0x8e: {  	s29 =	sshra.s32 s29, $0x2;
	s30 =	sadd.s32 $0x7630, s0;
	[tilespmem:s2+$0x10] =	vst.msk $0x1, v4  }
0x8f: {  	s6 =	sadd.s32 s29, s19;
	v6 =	vld [tilespmem:s30+$0x0]  }
0x90: {  	v7 =	vld [tilespmem:s6+$0x0];
	_ =	sdelay $0x3  }
0x91: {  	v5 =	vadd.f32 v6, v5  }
0x92: {  	vm4 =	vne.s32 v7, $0xFFFFFFFF  }
0x93: {  	(xrf2) =	vadd.seg.scan.f32 vm4, v5;
	_ =	sdelay $0x3  }
0x94: {  	s31 =	sadd.s32 $0x4750, s0;
	v5 =	vperm.xlane v4, v1  }
0x95: {  	v6 =	vld [tilespmem:s31+$0x0]  }
0x96: {  	vm5 =	veq.s32 v7, v3;
	vm6 =	veq.s32 v7, v5  }
0x97: {  	vm7 =	vgt.u32 v7, $0xFFFFFFFD;
	vm6 =	vmor vm6, vm5  }
0x98: {  	vm6 =	vmor vm6, vm7  }
0x99: {  	v9 =	vld [tilespmem:$0xA0];
	v7 =	vsel vm6, $0xFFFFFFFF, v7  }
0x9a: {  	v10 =	vld [tilespmem:$0x90];
	v6 =	vsel vm5, $0x0, v6;
	v8, _, _ =	vpop (xrf2)  }
0x9b: {  	v6 =	vadd.f32 v8, v6  }
0x9c: {  	s0 =	sadd.s32 $0xA510, s0  }
0x9d: {  	vm4 =	vmand vm4, vm3;
	[tilespmem:s0+$0x0] =	vst v6;
	(ifvalue) =	ssetifvalue $0xFFFFFFFF  }
0x9e: {  	vm6 =	veq.s32 v9, $0x1;
	[hbm4b:s1+s16] =	stream.indirect_vreg.scatter [tilespmem:s0], [sflag:$0x2], $0x1, v7, vm0, $0x4038;
	v7 =	vsel vm4, $0x0, v8;
	[tilespmem:$0xD410] =	vst v63  }
0x9f: {  	s29 =	sadd.s32 $0xD3F0, s22;
	s22 =	sadd.s32 $0x10, s6;
	s2 =	simm.s32 $0x0;
	vm4 =	vmor vm6, vm5;
	v6 =	vsel vm5, v8, v10;
	v7 =	vshift.insert v7, v0, s21  }
.LBB2_7:
0xa0: {  	v8 =	vld [tilespmem:s22+$0x0];
	s30 =	sadd.s32 $0x10, s30  }
0xa1: {  	s31 =	sadd.s32 $0x10, s31;
	v9 =	vld [tilespmem:s30+$0x0]  }
0xa2: {  	s2 =	sadd.s32 $0x10, s2;
	v10 =	vld [tilespmem:s31+$0x0]  }
0xa3: {  	p2 =	slt.u32 s2, $0x1760;
	_ =	sdelay $0x2  }
0xa4: {  	v7 =	vadd.f32 v9, v7  }
0xa5: {  	vm5 =	vne.s32 v8, $0xFFFFFFFF  }
0xa6: {  	vm6 =	vmand vm5, vm3;
	(xrf2) =	vadd.seg.scan.f32 vm5, v7;
	_ =	sdelay $0x5  }
0xa7: {  	vm7 =	veq.s32 v8, v5;
	vm5 =	veq.s32 v8, v3  }
0xa8: {  	vm8 =	vgt.u32 v8, $0xFFFFFFFD;
	vm4 =	vmor vm4, vm5;
	vm7 =	vmor vm7, vm5  }
0xa9: {  	vm7 =	vmor vm7, vm8  }
0xaa: {  	v8 =	vsel vm7, $0xFFFFFFFF, v8  }
.Ltmp5:
0xab: {  	v7 =	vsel vm5, $0x0, v10;
	v9, _, _ =	vpop (xrf2);
	(pc) =	sbr.rel @p2 .LBB2_7-.Ltmp5, $4  }
0xac: {  	v6 =	vsel vm5, v9, v6;
	v10 =	vadd.f32 v9, v7;
	v7 =	vsel vm6, $0x0, v9  }
0xad: {  	s0 =	sadd.s32 $0x10, s0;
	v7 =	vshift.insert v7, v0, s21  }
0xae: {  	s22 =	sadd.s32 $0x10, s22;
	[tilespmem:s0+$0x0] =	vst v10;
	(ifvalue) =	ssetifvalue $0xFFFFFFFF  }
0xaf: {  	[hbm4b:s1+s16] =	stream.indirect_vreg.scatter [tilespmem:s0], [sflag:$0x2], $0x1, v8, vm0, $0x4038;
	[tilespmem:$0xD410] =	vst v63  }
0xb0: {  	v3 =	vld [tilespmem:s28+$0xBC70];
	_ =	sdelay $0x4  }
0xb1: {  	v3 =	vshift.insert v3, v0, s21  }
0xb2: {  	s0 =	simm.s32 $0x30  }
0xb3: {  	[tilespmem:s0+$0x0] =	vst.msk $0x1, v3  }
0xb4: {  	v3 =	vsel vm4, $0x1, v1;
	[tilespmem:$0x90] =	vst v6  }
0xb5: {  	s0 =	sadd.s32 @!p1 $0xBC7F, s28;
	[tilespmem:$0xA0] =	vst v3  }
0xb6: {  	[spmem:s14] =	stream.linear.scatter @!p1 [tilespmem:s0], [sflag:$0x1], $0x1, $0x38;
	[tilespmem:$0xD410] =	vst v63  }
0xb7: {  	s0 =	simm.s32 @!p1 $0x1  }
0xb8: {  	v3 =	vmctz.xlane @!p1 vm4;
	_ =	swait.ge @!p1 [sflag:s0], $0x1  }
0xb9: {  	(v2sf) =	vpush @!p1 v4, $0x0  }
0xba: {  	(v2sf) =	vpush @!p1 v3, $0x0;
	_ =	sdelay $0xd  }
0xbb: {  	s2 =	spop @!p1 (v2sf)  }
0xbc: {  	s6 =	spop @!p1 (v2sf)  }
0xbd: {  	p2 =	sne.s32 @!p1 s26, s2;
	p3 =	slt.s32 @!p1 s6, $0xF  }
0xbe: {  	[sflag:s0] =	ssyncset.done @!p1 $0x0;
	p2 =	por p2, p1;
	p3 =	por !p3, p1  }
0xbf: {  	[sflag:s0] =	ssyncadd.s32 @!p1 $0xFFFFFFFF;
	v3 =	vimm.s32 @!p2 $0xFFFFFFFF;
	s6 =	simm.s32 @p3 $0xF  }
0xc0: {  	[tilespmem:$0x80] =	vst @!p2 v3;
	s2 =	sadd.s32 @!p1 $0x90, s6  }
0xc1: {  	[spmem:s10] =	stream.linear.scatter @!p1 [tilespmem:s2], [sflag:$0x1], $0x1, $0x38;
	[tilespmem:$0xD410] =	vst v63  }
0xc2: {  	_ =	swait.ge @!p1 [sflag:s0], $0x1  }
0xc3: {  	[sflag:s0] =	ssyncset.done @!p1 $0x0  }
0xc4: {  	s2 =	simm.s32 @!p1 $0x80;
	[sflag:s0] =	ssyncadd.s32 @!p1 $0xFFFFFFFF  }
0xc5: {  	[spmem:s15] =	stream.linear.scatter @!p1 [tilespmem:s2], [sflag:$0x1], $0x1, $0x38;
	[tilespmem:$0xD410] =	vst v63  }
0xc6: {  	_ =	swait.ge @!p1 [sflag:s0], $0x1  }
0xc7: {  	[sflag:s0] =	ssyncset.done @!p1 $0x0  }
0xc8: {  	[sflag:s0] =	ssyncadd.s32 @!p1 $0xFFFFFFFF;
	(ifvalue) =	ssetifvalue $0xFFFFFFFF;
	v3 =	vld [tilespmem:s25+$0x10];
	_ =	sdelay $0x3  }
.Ltmp6:
0xc9: {  	_ = 	snop;
	(pc) =	sbr.rel .LBB2_9-.Ltmp6, $3  }
0xca: {  	_ =	sdelay $0x1  }
0xcb: {  	(ifvalue) =	ssetifvalue $0xFFFFFFFF  }
0xcc: {  	[hbm4b:s1+s16] =	stream.indirect_vreg.scatter [tilespmem:s29], [sflag:$0x9], $0x1, v3, vm0, $0x4038;
	[tilespmem:$0xD410] =	vst v63  }
.LBB2_10:
0xcd: {  	_ =	sfence.sel $0x180000  }
0xce: {  	s0 =	simm.s32 $0x7;
	[bflag:$0x0] =	sbarrier.arrive $0xFFFF  }
0xcf: {  	s26 =	simm.s32 $0x8;
	[sflag:s0] =	ssyncpa.u1 $0x1  }
0xd0: {  	s28 =	simm.s32 $0x9;
	[sflag:s26] =	ssyncpa.u1 $0x1  }
0xd1: {  	[sflag:s28] =	ssyncpa.u1 $0x1  }
0xd2: {  	_ =	sfence.stream.spmem  }
0xd3: {  	s29 =	simm.s32 $0x3;
	[bflag:$0x0] =	sbarrier.arrive $0xFFFF  }
0xd4: {  	s30 =	simm.s32 $0x4;
	[sflag:s29] =	ssyncpa.u1 $0x1  }
0xd5: {  	s31 =	simm.s32 $0x3C;
	s2 =	stileid.u32;
	[sflag:s30] =	ssyncpa.u1 $0x1  }
0xd6: {  	p0 =	sne.s32 s2, $0x0;
	[sflag:s31] =	ssyncpa.u1 $0x1  }
0xd7: {  	s0 =	simm.s32 @p0 $0x1;
	_ =	sfence @p0  }
0xd8: {  	[sflag:s0] =	ssyncpa.u1 @p0 $0x1;
	s0 =	simm.s32 @p0 $0x2  }
0xd9: {  	[sflag:s0] =	ssyncpa.u1 @p0 $0x1  }
0xda: {  	_ =	strace @p0 $0x90000047  }
0xdb: {  	[bflag:$0x2] =	sbarrier.arrive @p0 $0xFFFF  }
0xdc: {  	_ =	shalt @p0  }
.LBB2_11:
0xdd: {  	_ =	sfence.stream.spmem;
	s0 =	simm.s32 $0x5  }
0xde: {  	s2 =	simm.s32 $0x80;
	s3 =	simm.s32 $0xC0;
	[sflag:s0] =	ssyncpa.u1 $0x0  }
0xdf: {  	[tilespmem:s3], [sflag:$0x5] =	stream.linear.gather [spmem:s2], $0x20, $0x38;
	[tilespmem:$0xD410] =	vst v63  }
0xe0: {  	s2 =	simm.s32 $0x0;
	s3 =	simm.s32 $0xE0  }
0xe1: {  	[tilespmem:s3], [sflag:$0x5] =	stream.linear.gather [spmem:s2], $0x20, $0x38;
	[tilespmem:$0xD410] =	vst v63  }
.Ltmp7:
0xe2: {  	_ = 	snop;
	(pc) =	sbr.rel .LBB2_12-.Ltmp7, $4  }
0xe3: {  	_ =	swait.ge [sflag:s0], $0x40  }
0xe4: {  	[sflag:s0] =	ssyncset.done $0x0  }
0xe5: {  	s31 =	simm.s32 $0x6;
	[sflag:s0] =	ssyncadd.s32 $0xFFFFFFC0  }
0xe6: {  	s4 =	simm.s32 $0x0;
	[sflag:s31] =	ssyncpa.u1 $0x0  }
.LBB2_17:
0xe7: {  	p0 =	sgt.u32 s5, $0x27FF  }
0xe8: {  	s0 =	sshrl.u32 @!p0 s5, $0x3  }
0xe9: {  	s5 =	sand.u32 @!p0 $0x7, s5;
	s6 =	simm.s32 @!p0 $0xB0;
	s0 =	sadd.s32 @!p0 s1, s0  }
0xea: {  	[tilespmem:s6], [sflag:$0x6] =	stream.linear.gather @!p0 [hbm4b:s0+s5], $0x1, $0x38;
	[tilespmem:$0xD410] =	vst v63  }
0xeb: {  	s0 =	simm.s32 @!p0 $0x6  }
0xec: {  	_ =	swait.ge @!p0 [sflag:s0], $0x1  }
0xed: {  	[sflag:s0] =	ssyncset.done @!p0 $0x0  }
0xee: {  	[sflag:s0] =	ssyncadd.s32 @!p0 $0xFFFFFFFF  }
0xef: {  	v2 =	vmov @!p0 s4;
	v1 =	vld.msk @!p0 [tilespmem:$0xB0], $0x1;
	_ =	sdelay $0x3  }
0xf0: {  	s0 =	simm.s32 @!p0 $0xE0  }
0xf1: {  	[tilespmem:v2+s0+$0x0], v1 =	vst.idx.ret.add.f32.msk @!p0 $0x1, v1  }
0xf2: {  	[tilespmem:s2+$0xC0] =	vst.msk $0x1, v0  }
0xf3: {  	v0 =	vld.msk [tilespmem:s4+$0xE0], $0x1;
	_ =	sdelay $0x4  }
0xf4: {  	[tilespmem:s2+$0xE0] =	vst.msk $0x1, v0;
	s2 =	sadd.s32 $0x1, s2  }
.LBB2_19:
0xf5: {  	s4 =	sadd.s32 $0x1, s4  }
0xf6: {  	p0 =	sne.s32 s4, $0x20  }
.Ltmp8:
0xf7: {  	_ = 	snop;
	(pc) =	sbr.rel @!p0 .LBB2_20-.Ltmp8, $1  }
0xf8: {  	_ =	sdelay $0x3  }
.LBB2_12:
0xf9: {  	v0 =	vld.msk [tilespmem:s4+$0xC0], $0x1;
	_ =	sdelay $0x4  }
0xfa: {  	(v2sf) =	vpush v0, $0x0;
	_ =	sdelay $0xe  }
0xfb: {  	s5 =	spop (v2sf)  }
0xfc: {  	p0 =	seq.s32 s5, $0xFFFFFFFF  }
.Ltmp9:
0xfd: {  	_ = 	snop;
	(pc) =	sbr.rel @p0 .LBB2_19-.Ltmp9, $1  }
0xfe: {  	_ =	sdelay $0x3  }
0xff: {  	p0 =	slt.s32 s2, $0x1  }
.Ltmp10:
0x100: {  	_ = 	snop;
	(pc) =	sbr.rel @p0 .LBB2_17-.Ltmp10, $1  }
0x101: {  	_ =	sdelay $0x3  }
0x102: {  	s0 =	simm.s32 $0xC0;
	p0 =	por $0x0, $0x0  }
0x103: {  	v1 =	vld.msk @!p0 [tilespmem:s0+$0x0], $0x1;
	_ =	sdelay $0x4  }
0x104: {  	(v2sf) =	vpush @!p0 v1, $0x0;
	_ =	sdelay $0xd  }
0x105: {  	p2 =	sne.s32 s2, $0x1  }
.Ltmp11:
0x106: {  	s6 =	spop @!p0 (v2sf);
	(pc) =	sbr.rel @!p2 .LBB2_16-.Ltmp11, $4  }
0x107: {  	p1 =	seq.s32 @!p0 s5, s6  }
0x108: {  	s6 =	simm.s32 $0x0;
	p1 =	por !p1, p0  }
0x109: {  	s8 =	simm.s32 $0xFFFFFFFF;
	s6 =	simm.s32 @p1 $0xFFFFFFFF  }
0x10a: {  	s7 =	simm.s32 $0x1;
	s6 =	smov.u32 @p0 s8  }
.LBB2_15:
0x10b: {  	s8 =	smov.u32 s6;
	p0 =	sne.s32 s6, $0xFFFFFFFF  }
0x10c: {  	s0 =	sadd.s32 $0x1, s0;
	s6 =	smov.u32 s7;
	s7 =	sadd.s32 $0x1, s7  }
0x10d: {  	p1 =	sne.s32 s2, s7;
	v1 =	vld.msk @!p0 [tilespmem:s0+$0x0], $0x1;
	_ =	sdelay $0x4  }
0x10e: {  	(v2sf) =	vpush @!p0 v1, $0x0;
	_ =	sdelay $0xe  }
.Ltmp12:
0x10f: {  	s9 =	spop @!p0 (v2sf);
	(pc) =	sbr.rel @p1 .LBB2_15-.Ltmp12, $4  }
0x110: {  	p2 =	seq.s32 @!p0 s5, s9  }
0x111: {  	p2 =	por !p2, p0  }
0x112: {  	s6 =	simm.s32 @p2 $0xFFFFFFFF  }
0x113: {  	s6 =	smov.u32 @p0 s8  }
.LBB2_16:
0x114: {  	p0 =	sne.s32 s6, $0xFFFFFFFF  }
.Ltmp13:
0x115: {  	_ = 	snop;
	(pc) =	sbr.rel @!p0 .LBB2_17-.Ltmp13, $1  }
0x116: {  	_ =	sdelay $0x3  }
0x117: {  	v0 =	vld.msk [tilespmem:s4+$0xE0], $0x1;
	v1 =	vmov s6  }
.Ltmp14:
0x118: {  	_ = 	snop;
	(pc) =	sbr.rel .LBB2_19-.Ltmp14, $2  }
0x119: {  	_ =	sdelay $0x2  }
0x11a: {  	[tilespmem:v1+s3+$0x0], v0 =	vst.idx.ret.add.f32.msk $0x1, v0  }
.LBB2_20:
0x11b: {  	p0 =	slt.s32 s2, $0x1  }
.Ltmp15:
0x11c: {  	_ = 	snop;
	(pc) =	sbr.rel @p0 .LBB2_24-.Ltmp15, $3  }
0x11d: {  	_ =	sdelay $0x1  }
0x11e: {  	s0 =	simm.s32 $0x6  }
0x11f: {  	s3 =	simm.s32 $0x0;
	[sflag:s0] =	ssyncpa.u1 $0x1  }
0x120: {  	s0 =	simm.s32 $0xC0  }
0x121: {  	v0 =	vld.msk [tilespmem:s0+$0x0], $0x1;
	_ =	sdelay $0x4  }
0x122: {  	(v2sf) =	vpush v0, $0x0;
	_ =	sdelay $0xe  }
0x123: {  	s2 =	sadd.s32 $0xFFFFFFFF, s2;
	s4 =	spop (v2sf)  }
0x124: {  	p1 =	sne.s32 s2, $0x0;
	p0 =	sgt.u32 s4, $0x27FF  }
.Ltmp16:
0x125: {  	s5 =	sshrl.u32 @!p0 s4, $0x3;
	(pc) =	sbr.rel @!p1 .LBB2_23-.Ltmp16, $4  }
0x126: {  	s0 =	simm.s32 $0xE0;
	s4 =	sand.u32 @!p0 $0x7, s4;
	s5 =	sadd.s32 @!p0 s1, s5  }
0x127: {  	[hbm4b:s5+s4] =	stream.linear.scatter @!p0 [tilespmem:s0], [sflag:$0x5], $0x1, $0x38;
	[tilespmem:$0xD410] =	vst v63  }
0x128: {  	s5 =	simm.s32 $0x0  }
0x129: {  	s4 =	simm.s32 $0xC1;
	s5 =	simm.s32 @!p0 $0x4  }
.LBB2_22:
0x12a: {  	v0 =	vld.msk [tilespmem:s4+$0x0], $0x1;
	s2 =	sadd.s32 $0xFFFFFFFF, s2;
	s3 =	sadd.s32 s3, s5  }
0x12b: {  	p0 =	sne.s32 s2, $0x0;
	_ =	sdelay $0x3  }
0x12c: {  	(v2sf) =	vpush v0, $0x0;
	_ =	sdelay $0xe  }
.Ltmp17:
0x12d: {  	s6 =	spop (v2sf);
	(pc) =	sbr.rel @p0 .LBB2_22-.Ltmp17, $4  }
0x12e: {  	s5 =	simm.s32 $0x0;
	p1 =	sgt.u32 s6, $0x27FF  }
0x12f: {  	s0 =	sadd.s32 $0x1, s0;
	s5 =	simm.s32 @!p1 $0x4;
	s7 =	sshrl.u32 @!p1 s6, $0x3  }
0x130: {  	s4 =	sadd.s32 $0x1, s4;
	s6 =	sand.u32 @!p1 $0x7, s6;
	s7 =	sadd.s32 @!p1 s1, s7  }
0x131: {  	[hbm4b:s7+s6] =	stream.linear.scatter @!p1 [tilespmem:s0], [sflag:$0x5], $0x1, $0x38;
	[tilespmem:$0xD410] =	vst v63  }
.LBB2_23:
0x132: {  	s0 =	sadd.s32 s3, s5  }
0x133: {  	s3 =	sshrl.u32 s0, $0x2  }
.LBB2_24:
0x134: {  	s0 =	simm.s32 $0x5  }
0x135: {  	_ =	swait.ge [sflag:s0], s3  }
0x136: {  	s1 =	ssub.s32 $0x0, s3;
	[sflag:s0] =	ssyncset.done $0x0  }
0x137: {  	[sflag:s0] =	ssyncadd.s32 s1  }
0x138: {  	[sflag:s0] =	ssyncpa.u1 $0x1  }
0x139: {  	s29 =	simm.s32 $0x1;
	_ =	sfence  }
0x13a: {  	s30 =	simm.s32 $0x2;
	[sflag:s29] =	ssyncpa.u1 $0x1  }
0x13b: {  	[sflag:s30] =	ssyncpa.u1 $0x1  }
0x13c: {  	_ =	strace $0x90000047  }
0x13d: {  	[bflag:$0x2] =	sbarrier.arrive $0xFFFF  }
0x13e: {  	s31 =	rddreg [dreg:$0x2]  }
0x13f: {  	s0 =	sadd.s32 $0x100000, s31  }
0x140: {  	[sflag:s0] =	ssyncadd.tile.s32 $0x1;
	_ =	shalt  }
.Lfunc_end2:
_tile_overlayer_lowered:
.L_overlay_start_2:
0x141: {  	(tag) =	ssettag $0x2  }
0x142: {  	s0 =	rddreg [dreg:$0x0];
	s2 =	stileid.u32  }
0x143: {  	s1 =	rddreg [dreg:$0x1];
	p0 =	sne.s32 s2, $0x0  }
0x144: {  	s3 =	rddreg [dreg:$0x2];
	[bflag:$0x3] =	sbarrier.arrive $0xFFFF;
	s2 =	simm.s32 @!p0 $0x1C01  }
0x145: {  	[timem:s3], [sflag:s2] =	dma.local @!p0 [hbm:s0], s1  }
0x146: {  	s0 =	simm.s32 @!p0 $0x1  }
0x147: {  	_ =	swait.ge @!p0 [sflag:s0], s1  }
0x148: {  	s1 =	ssub.s32 @!p0 $0x0, s1;
	[sflag:s0] =	ssyncset.done @!p0 $0x0  }
0x149: {  	[sflag:s0] =	ssyncadd.s32 @!p0 s1  }
0x14a: {  	[bflag:$0x3] =	sbarrier.arrive $0xFFFF  }
0x14b: {  	_ =	shalt  }

// kernel: sparse-core-data-format-call.cloned.1.call-start
scs
called_computation.4_lowered:
.L_overlay_start_0:
0x0: {  	s1 =	sld [smem:$0x3FD9]  }
0x1: {  	s2 =	sld [smem:$0x3FFE];
	_ =	sdelay $0x1  }
0x2: {  	s3 =	srdreg.scid  }
0x3: {  	s0 =	sand.u32 $0x1, s3  }
0x4: {  	s17 =	sshll.u32 s0, $0xA;
	s1 =	sadd.s32 s2, s1  }
0x5: {  	s1 =	sadd.s32 s1, s17  }
0x6: {  	[smem:$0x3FBA] =	sst s1  }
0x7: {  	_ = 	snop  }
0x8: {  	(tm) =	ssettm $0x1  }
0x9: {  	s18 =	sld [smem:$0x3FFB];
	_ =	sdelay $0x3  }
0xa: {  	_ =	strace s18  }
0xb: {  	s1 =	sld [smem:$0x3FFC];
	_ =	sdelay $0x3  }
0xc: {  	_ =	strace s1  }
0xd: {  	s1 =	sld [smem:$0x3FFD];
	_ =	sdelay $0x3  }
0xe: {  	_ =	strace s1  }
0xf: {  	_ =	strace $0x8FFFFFFF  }
0x10: {  	s19 =	sld [smem:$0x3FDB];
	_ =	sdelay $0x1  }
0x11: {  	s20 =	simm.s32 $_scs_section_size  }
0x12: {  	s4 =	simm.s32 $_size__tile_overlayer_lowered;
	s5 =	simm.s32 $_tile_overlayer_lowered  }
0x13: {  	s23 =	simm.s32 $0x1BFF;
	s22 =	sshll.u32 s5, $0x1;
	s1 =	sadd.s32 s20, s19  }
0x14: {  	s6 =	simm.s32 $0x0;
	s21 =	sshll.u32 s4, $0x1;
	s4 =	sadd.s32 s22, s1  }
0x15: {  	[timem:s6], [sflag:s23] =	dma.local [hbm:s4], s21  }
0x16: {  	_ =	swait.ge [sflag:s23], s21  }
0x17: {  	s2 =	ssub.s32 $0x0, s21;
	[sflag:s23] =	ssyncset.done $0x0  }
0x18: {  	[sflag:s23] =	ssyncadd.s32 s2;
	_ =	sdelay $0x1  }
0x19: {  	s24 =	simm.s32 $0x1B8B  }
0x1a: {  	_ =	swait.ge [sflag:s24], $0x1  }
0x1b: {  	[sflag:s24] =	ssyncset.done $0x0  }
0x1c: {  	s26 =	simm.s32 $0x1B8E;
	s25 =	sld [smem:$0x3FFE];
	[sflag:s24] =	ssyncadd.s32 $0xFFFFFFFF  }
0x1d: {  	s27 =	simm.s32 $execute0_lowered;
	[smem:$0x3FD2] =	sst s26  }
0x1e: {  	s4 =	sshll.u32 s27, $0x1;
	_ =	strace $0x80000052;
	[dreg:$0x1] =	wrdreg $0xFFFFFFFF  }
0x1f: {  	s28 =	simm.s32 $_size_execute0_lowered;
	s1 =	sadd.s32 s1, s4;
	[dreg:$0x0] =	wrdreg $0x0  }
0x20: {  	s4 =	sshll.u32 s28, $0x1;
	[dreg:$0x2] =	wrdreg s1  }
0x21: {  	[dreg:$0x3] =	wrdreg s4  }
0x22: {  	[dreg:$0x4] =	wrdreg $0xC0  }
0x23: {  	_ =	task [dreg:s6], $0x5FFFF  }
0x24: {  	[dreg:$0x1] =	wrdreg $0xFFFFFFFF  }
0x25: {  	[dreg:$0x0] =	wrdreg $0x60  }
0x26: {  	[dreg:$0x2] =	wrdreg s25  }
0x27: {  	[dreg:$0x3] =	wrdreg $0x9  }
0x28: {  	_ =	task.clear_ibuf [dreg:s6], $0x4FFFF;
	_ =	strace $0x90000052  }
0x29: {  	s29 =	simm.s32 $0x9;
	_ =	strace $0x80000054  }
0x2a: {  	_ =	swait.ge [sflag:s29], $0x1  }
0x2b: {  	[sflag:s29] =	ssyncadd.s32 $0xFFFFFFFF  }
0x2c: {  	_ =	strace $0x90000054  }
0x2d: {  	_ =	sfence  }
0x2e: {  	s30 =	sld [smem:$0x0];
	_ =	sdelay $0x2  }
0x2f: {  	s31 =	sshll.u32 s3, $0xD;
	s3 =	sshrl.u32 s3, $0x2  }
0x30: {  	s2 =	sand.u32 $0x4000, s31;
	s1 =	sadd.s32 s3, s30  }
0x31: {  	s0 =	sor.u32 s2, s0;
	s1 =	sshll.u32 s1, $0x11  }
0x32: {  	s0 =	sor.u32 s1, s0  }
0x33: {  	s0 =	sadd.s32 $0x8F2B, s0  }
0x34: {  	[sflag:s0] =	ssyncadd.remote.s32 $0x1  }
0x35: {  	_ =	sfence.sel $0xFFFF  }
0x36: {  	[dreg:$0x0] =	wrdreg $0xFFFFFFFF;
	(pc) =	sbr.abs _section_cstart, $3  }
0x37: {  	[dreg:$0x1] =	wrdreg $0xFFFFFFFF  }
0x38: {  	_ =	task.clear_ibuf [dreg:s6], $0x2FFFF;
	_ =	strace $0x9FFFFFFF  }
0x39: {  	(tm) =	ssettm $0x7FFFFFFF  }
tec
execute0_lowered:
.L_overlay_start_1:
0x0: {  	(tag) =	ssettag $0x1  }
0x1: {  	s0 =	stileid.u32  }
0x2: {  	s1 =	srdreg.scid;
	s7 =	rddreg [dreg:$0x0]  }
0x3: {  	s31 =	simm.s32 $0x2;
	s16 =	simm.s32 $0x0;
	s9 =	simm.s32 $0x2000  }
0x4: {  	s15 =	simm.s32 $0x0;
	s10 =	simm.s32 $0x0;
	s11 =	simm.s32 $0x0  }
0x5: {  	s2 =	sshll.u32 s0, $0x7;
	s3 =	sshll.u32 s0, $0x4;
	s1 =	sshll.u32 s1, $0x8  }
0x6: {  	s14 =	simm.s32 $0x0;
	s2 =	sand.u32 $0x380, s2;
	s3 =	sor.u32 s3, s1  }
0x7: {  	s1 =	rddreg [dreg:$0x1];
	s4 =	ssub.s32 $0x400, s2;
	s3 =	sand.u32 $0x180, s3  }
0x8: {  	_ =	strace $0x80000053;
	s5 =	sand.u32 $0x380, s4;
	s6 =	ssub.s32 $0x2700, s3  }
0x9: {  	s4 =	sshrl.u32 s4, $0xA;
	p0 =	sne.s32 s5, $0x0;
	s5 =	simm.s32 $0x1  }
.Ltmp0:
0xa: {  	s6 =	sshrl.u32 s6, $0x9;
	s5 =	simm.s32 @!p0 $0x0;
	(pc) =	sbr.rel .LBB1_1-.Ltmp0, $4  }
0xb: {  	s13 =	smov.u32 s2;
	s6 =	sadd.s32 $0x1, s6;
	s8 =	sadd.s32 s5, s4  }
0xc: {  	s12 =	smov.u32 s3;
	s5 =	simm.s32 $0x1;
	s6 =	smul.u32 s8, s6  }
0xd: {  	p0 =	por $0x0, $0x0;
	s4 =	sadd.s32 $0x5000, s7;
	[sflag:s5] =	ssyncpa.u1 $0x0  }
0xe: {  	s7 =	sadd.s32 $0x141000, s7;
	[sflag:s31] =	ssyncpa.u1 $0x0;
	s8 =	sadd.s32 $0x1, s6  }
.LBB1_4:
0xf: {  	s21 =	sshra.s32 s21, $0x2;
	s27 =	sshll.u32 s10, $0xA;
	s22 =	sshll.u32 s11, $0x3  }
0x10: {  	s23 =	sshll.u32 s10, $0x7;
	s24 =	sand.u32 $0x78, s11;
	p1 =	sgt.s32 s10, $0x2690  }
0x11: {  	s25 =	sshra.s32 s10, $0x1F;
	s26 =	sshra.s32 s11, $0x1F;
	s20 =	sadd.s32 s21, s20  }
0x12: {  	v5 =	vld [tilespmem:s18+$0xFFFFFFD0];
	[tilespmem:s19+$0x2040 ss:$0x81] =	vst.msk $0xffff, v4;
	s21 =	sand.u32 $0xFFFFE000, s27;
	s22 =	sand.u32 $0xFFFFFC00, s22;
	s28 =	sand.u32 $0x380, s23  }
0x13: {  	v58 =	vld [tilespmem:s18+$0xFFFFFFE0];
	[tilespmem:s19+$0x2850 ss:$0x81] =	vst.msk $0xffff, v3;
	s23 =	smov.u32 s10;
	s30 =	sand.u32 s25, s10;
	s25 =	smov.u32 s11  }
0x14: {  	v59 =	vld [tilespmem:s18+$0xFFFFFFF0];
	[tilespmem:s19+$0x3060 ss:$0x81] =	vst.msk $0xffff, v2;
	s31 =	sand.u32 s26, s11;
	s21 =	sadd.s32 s22, s21;
	s22 =	sor.u32 s24, s28  }
0x15: {  	v60 =	vld [tilespmem:s18+$0x0];
	[tilespmem:s19+$0x0 ss:$0x81] =	vst.msk $0xffff, v1;
	s23 =	simm.s32 @!p1 $0x2690;
	p1 =	sgt.s32 s11, $0x380;
	s21 =	sshrl.u32 s21, $0xA  }
0x16: {  	v61 =	vld [tilespmem:s18+$0x10];
	[tilespmem:s20+$0x3870 ss:$0x81] =	vst.msk $0xffff, v0;
	s19 =	ssub.s32 s23, s30;
	s25 =	simm.s32 @!p1 $0x380;
	s29 =	smulhi.u32 $0x1A36E3, s21  }
0x17: {  	v62 =	vld [tilespmem:s18+$0x20];
	s23 =	ssub.s32 s25, s31;
	s26 =	sadd.s32 $0xFFFFD970, s19;
	s19 =	ssub.s32 $0x2710, s19;
	[tilespmem:s20+$0x810 ss:$0x81] =	vst.msk $0xffff, v5  }
0x18: {  	v63 =	vld [tilespmem:s18+$0xFFFFFFC0];
	[tilespmem:s20+$0x1020 ss:$0x81] =	vst.msk $0xffff, v58;
	p1 =	sgt.s32 s26, $0x7F;
	s28 =	sadd.s32 $0xFFFFFC80, s23;
	s24 =	sshrl.u32 s29, $0x2  }
0x19: {  	[tilespmem:s20+$0x1830 ss:$0x81] =	vst.msk $0xffff, v59;
	s23 =	ssub.s32 $0x400, s23;
	p2 =	sgt.s32 s28, $0x7F;
	s27 =	smul.u32 $0x2710, s24  }
0x1a: {  	s30 =	sand.u32 $0x7, s11;
	[tilespmem:s20+$0x2040 ss:$0x81] =	vst.msk $0xffff, v60;
	s19 =	simm.s32 @p1 $0x0;
	s23 =	simm.s32 @p2 $0x0  }
0x1b: {  	[tilespmem:s20+$0x2850 ss:$0x81] =	vst.msk $0xffff, v61;
	s29 =	sshrl.u32 s22, $0x3;
	s19 =	smul.u32 s23, s19;
	s18 =	ssub.s32 s21, s27  }
0x1c: {  	[tilespmem:s20+$0x3060 ss:$0x81] =	vst.msk $0xffff, v62;
	s22 =	sshll.u32 s30, $0x12;
	s21 =	sadd.s32 s7, s29;
	s18 =	sshll.u32 s18, $0x7  }
0x1d: {  	[tilespmem:s20+$0x0 ss:$0x81] =	vst.msk $0xffff, v63;
	s31 =	sor.u32 $0x400, s22;
	s19 =	sand.u32 $0x3FFFFFFF, s19;
	s18 =	sadd.s32 s18, s21  }
0x1e: {  	[hbm4b:s18+s31] =	stream.strided.scatter [tilespmem:s17], [sflag:$0x2], s19, s9, s31, $0x20;
	[tilespmem:$0x10100] =	vst v63  }
.LBB1_5:
0x1f: {  	p1 =	slt.u32 s14, $0x2  }
0x20: {  	s18 =	smov.u32 s16;
	p2 =	sgt.s32 @!p1 s16, $0x2690;
	s17 =	sshra.s32 @!p1 s16, $0x1F  }
0x21: {  	p3 =	sgt.s32 @!p1 s15, $0x380;
	s19 =	sshra.s32 @!p1 s15, $0x1F;
	p2 =	por !p2, p1  }
0x22: {  	s16 =	sand.u32 @!p1 s17, s16;
	p3 =	por !p3, p1;
	s17 =	smov.u32 s15  }
0x23: {  	s15 =	sand.u32 @!p1 s19, s15;
	s18 =	simm.s32 @p2 $0x2690;
	s17 =	simm.s32 @p3 $0x380  }
0x24: {  	s16 =	ssub.s32 @!p1 s18, s16;
	s15 =	ssub.s32 @!p1 s17, s15  }
0x25: {  	s19 =	smov.u32 s13;
	s17 =	sadd.s32 @!p1 $0xFFFFD970, s16;
	s18 =	sadd.s32 @!p1 $0xFFFFFC80, s15  }
0x26: {  	s16 =	ssub.s32 @!p1 $0x2710, s16;
	p2 =	sgt.s32 @!p1 s17, $0x7F;
	p3 =	sgt.s32 @!p1 s18, $0x7F  }
0x27: {  	s15 =	ssub.s32 @!p1 $0x400, s15;
	p2 =	por !p2, p1;
	p3 =	por !p3, p1  }
0x28: {  	s17 =	sadd.s32 $0x200, s12;
	s16 =	simm.s32 @!p2 $0x0;
	s15 =	simm.s32 @!p3 $0x0  }
0x29: {  	p2 =	sgt.s32 s17, $0x270F;
	s15 =	smul.u32 @!p1 s15, s16;
	s16 =	sadd.s32 $0x400, s13  }
0x2a: {  	s19 =	smov.u32 @p2 s16  }
0x2b: {  	s17 =	smov.u32 @p2 s3;
	p2 =	sgt.s32 s19, $0x3FF  }
0x2c: {  	s19 =	smov.u32 @p2 s2;
	p2 =	sne.s32 s14, s8  }
.Ltmp1:
0x2d: {  	p0 =	por !p0, !p0;
	s18 =	simm.s32 @!p1 $0x2;
	(pc) =	sbr.rel @!p2 .LBB1_6-.Ltmp1, $4  }
0x2e: {  	s16 =	smov.u32 s10;
	s10 =	smov.u32 s12;
	s15 =	sand.u32 @!p1 $0x3FFFFFFF, s15  }
0x2f: {  	s12 =	smov.u32 s17;
	_ =	swait.ge @!p1 [sflag:s18], s15;
	s20 =	ssub.s32 @!p1 $0x0, s15  }
0x30: {  	s15 =	smov.u32 s11;
	s14 =	sadd.s32 $0x1, s14;
	[sflag:s18] =	ssyncset.done @!p1 $0x0  }
0x31: {  	s11 =	smov.u32 s13;
	s13 =	smov.u32 s19;
	[sflag:s18] =	ssyncadd.s32 @!p1 s20  }
.LBB1_1:
0x32: {  	p1 =	sge.u32 s14, s6  }
0x33: {  	s17 =	sshrl.u32 @!p1 s13, $0x3  }
0x34: {  	s18 =	sshll.u32 @!p1 s12, $0x3;
	s17 =	smul.u32 @!p1 $0x13C00, s17  }
0x35: {  	s19 =	sshll.u32 @!p1 s13, $0x7;
	s18 =	sand.u32 @!p1 $0xFFFFFC00, s18  }
0x36: {  	s17 =	sadd.s32 @!p1 s17, s18;
	s18 =	sand.u32 @!p1 $0x380, s19  }
0x37: {  	s19 =	sand.u32 @!p1 $0x7F, s12;
	s17 =	sor.u32 @!p1 s18, s17  }
0x38: {  	s18 =	sor.u32 @!p1 s19, s17  }
0x39: {  	s19 =	smulhi.u32 @!p1 $0xCF6474A9, s18;
	_ =	sdelay $0x1  }
0x3a: {  	s17 =	smulhi.u32 @!p1 $0xCF6474A9, s17;
	s19 =	sshrl.u32 @!p1 s19, $0xD  }
0x3b: {  	s19 =	smul.u32 @!p1 $0x2780, s19  }
0x3c: {  	s31 =	sadd.s32 $0xFFFFFFFF, s14;
	s20 =	sxor.u32 @!p1 $0xFFFFFFFF, s14;
	s17 =	sshrl.u32 @!p1 s17, $0xD  }
0x3d: {  	s20 =	sshll.u32 @!p1 s20, $0xE;
	s17 =	sand.u32 @!p1 $0x3FF, s17;
	s18 =	ssub.s32 @!p1 s18, s19  }
0x3e: {  	s17 =	smul.u32 @!p1 $0x4F0, s17;
	s19 =	sshrl.u32 @!p1 s18, $0x3;
	s18 =	sand.u32 @!p1 $0x7, s18  }
0x3f: {  	s20 =	sand.u32 @!p1 $0x4000, s20;
	s19 =	sadd.s32 @!p1 s4, s19;
	s18 =	sshll.u32 @!p1 s18, $0x12  }
0x40: {  	s17 =	sadd.s32 @!p1 s17, s19;
	s18 =	sor.u32 @!p1 $0x400, s18;
	s19 =	simm.s32 @!p1 $0x13C00  }
0x41: {  	[tilespmem:s20], [sflag:$0x1] =	stream.strided.gather @!p1 [hbm4b:s17+s18], $0x4000, s19, s18, $0x38;
	[tilespmem:$0x10100] =	vst v63  }
0x42: {  	p1 =	sge.u32 s31, s6  }
.Ltmp2:
0x43: {  	_ = 	snop;
	(pc) =	sbr.rel @p1 .LBB1_5-.Ltmp2, $1  }
0x44: {  	_ =	sdelay $0x3  }
0x45: {  	s17 =	simm.s32 $0x1  }
0x46: {  	_ =	swait.ge [sflag:s5], $0x4000;
	s17 =	simm.s32 @!p0 $0x0  }
0x47: {  	[sflag:s5] =	ssyncset.done $0x0;
	s18 =	sshll.u32 s17, $0xE  }
0x48: {  	[sflag:s5] =	ssyncadd.s32 $0xFFFFC000;
	s18 =	sor.u32 $0x40, s18  }
0x49: {  	s17 =	smul.u32 $0x10200, s17;
	v0 =	vld [tilespmem:s18+$0x30]  }
0x4a: {  	v1 =	vld [tilespmem:s18+$0xFFFFFFD0]  }
0x4b: {  	s17 =	sshrl.u32 s17, $0x2;
	v5 =	vld [tilespmem:s18+$0xFFFFFFE0]  }
0x4c: {  	v6 =	vld [tilespmem:s18+$0xFFFFFFF0];
	s20 =	sor.u32 $0x8000, s17  }
0x4d: {  	s31 =	sand.u32 $0x1, s14;
	v4 =	vld [tilespmem:s18+$0x0];
	s19 =	sadd.s32 $0x0, s20  }
0x4e: {  	v3 =	vld [tilespmem:s18+$0x10];
	s17 =	smul.u32 $0x10200, s31;
	[tilespmem:s19+$0x3870 ss:$0x81] =	vst.msk $0xffff, v0  }
0x4f: {  	v2 =	vld [tilespmem:s18+$0x20];
	[tilespmem:s19+$0x810 ss:$0x81] =	vst.msk $0xffff, v1  }
0x50: {  	s17 =	sshrl.u32 s17, $0x2;
	v1 =	vld [tilespmem:s18+$0xFFFFFFC0];
	[tilespmem:s19+$0x1020 ss:$0x81] =	vst.msk $0xffff, v5;
	s18 =	sadd.s32 $0x80, s18  }
0x51: {  	s21 =	simm.s32 $0x4;
	s22 =	simm.s32 $0x8;
	s17 =	sor.u32 $0x8000, s17;
	[tilespmem:s19+$0x1830 ss:$0x81] =	vst.msk $0xffff, v6;
	v0 =	vld [tilespmem:s18+$0x30]  }
.LBB1_3:
0x52: {  	p1 =	sne.s32 s22, $0x1FC;
	v5 =	vld [tilespmem:s18+$0xFFFFFFD0];
	[tilespmem:s19+$0x2040 ss:$0x81] =	vst.msk $0xffff, v4  }
0x53: {  	v6 =	vld [tilespmem:s18+$0xFFFFFFE0];
	[tilespmem:s19+$0x2850 ss:$0x81] =	vst.msk $0xffff, v3  }
0x54: {  	s23 =	sshra.s32 s21, $0x2;
	s21 =	smov.u32 s22;
	v7 =	vld [tilespmem:s18+$0xFFFFFFF0];
	[tilespmem:s19+$0x3060 ss:$0x81] =	vst.msk $0xffff, v2  }
.Ltmp3:
0x55: {  	v4 =	vld [tilespmem:s18+$0x0];
	[tilespmem:s19+$0x0 ss:$0x81] =	vst.msk $0xffff, v1;
	s19 =	sadd.s32 s23, s20;
	(pc) =	sbr.rel @p1 .LBB1_3-.Ltmp3, $4  }
0x56: {  	v3 =	vld [tilespmem:s18+$0x10];
	[tilespmem:s19+$0x3870 ss:$0x81] =	vst.msk $0xffff, v0  }
0x57: {  	[tilespmem:s19+$0x810 ss:$0x81] =	vst.msk $0xffff, v5;
	v2 =	vld [tilespmem:s18+$0x20]  }
0x58: {  	v1 =	vld [tilespmem:s18+$0xFFFFFFC0];
	[tilespmem:s19+$0x1020 ss:$0x81] =	vst.msk $0xffff, v6;
	s18 =	sadd.s32 $0x80, s18  }
0x59: {  	s22 =	sadd.s32 $0x4, s22;
	v0 =	vld [tilespmem:s18+$0x30];
	[tilespmem:s19+$0x1830 ss:$0x81] =	vst.msk $0xffff, v7  }
.Ltmp4:
0x5a: {  	_ = 	snop;
	(pc) =	sbr.rel .LBB1_4-.Ltmp4, $1  }
0x5b: {  	_ =	sdelay $0x3  }
.LBB1_6:
0x5c: {  	_ =	sfence.sel $0x180000  }
0x5d: {  	s2 =	simm.s32 $0x1;
	[bflag:$0x0] =	sbarrier.arrive $0xFFFF  }
0x5e: {  	s31 =	simm.s32 $0x2;
	[sflag:s2] =	ssyncpa.u1 $0x1  }
0x5f: {  	[sflag:s31] =	ssyncpa.u1 $0x1  }
0x60: {  	p0 =	sne.s32 s0, $0x0;
	_ =	strace $0x90000053  }
0x61: {  	s0 =	sadd.s32 @!p0 $0x100000, s1;
	[bflag:$0x2] =	sbarrier.arrive $0xFFFF  }
0x62: {  	[sflag:s0] =	ssyncadd.tile.s32 @!p0 $0x1;
	_ =	shalt  }
.Lfunc_end1:
_tile_overlayer_lowered:
.L_overlay_start_2:
0x63: {  	(tag) =	ssettag $0x2  }
0x64: {  	s0 =	rddreg [dreg:$0x0];
	s2 =	stileid.u32  }
0x65: {  	s1 =	rddreg [dreg:$0x1];
	p0 =	sne.s32 s2, $0x0  }
0x66: {  	s3 =	rddreg [dreg:$0x2];
	[bflag:$0x3] =	sbarrier.arrive $0xFFFF;
	s2 =	simm.s32 @!p0 $0x1C01  }
0x67: {  	[timem:s3], [sflag:s2] =	dma.local @!p0 [hbm:s0], s1  }
0x68: {  	s0 =	simm.s32 @!p0 $0x1  }
0x69: {  	_ =	swait.ge @!p0 [sflag:s0], s1  }
0x6a: {  	s1 =	ssub.s32 @!p0 $0x0, s1;
	[sflag:s0] =	ssyncset.done @!p0 $0x0  }
0x6b: {  	[sflag:s0] =	ssyncadd.s32 @!p0 s1  }
0x6c: {  	[bflag:$0x3] =	sbarrier.arrive $0xFFFF  }
0x6d: {  	_ =	shalt  }

</sc_bundles>
